<compile_context>
chip_gen: v7x
topology: tpu7x:2x2x1
jax: 0.10.2.dev20260603
libtpu: 0.0.44.dev20260713+nightly
codegen_flags: <defaults>
</compile_context>

<pallas_src>
import functools

import jax
import jax.numpy as jnp
from jax import lax
from jax.experimental import pallas as pl
from jax.experimental.pallas import tpu as pltpu
from jax.experimental.pallas import tpu_sc as plsc

NUM_CLASSES = 4
MARGIN = 1.0

B = 2
C = 32
N = 64 * 64 * 64
K = NUM_CLASSES

CT = 16
CS = C - CT

L = 16
NC = 2
NS = 16
NW = NC * NS
CHUNK = N // NW
NVEC = CHUNK // L
SLOT = K * L
NSLOT = CS + 1
PB = NSLOT * SLOT
PTOT = B * PB
GC = 4
GPB = CS // GC
NG = B * GPB
R = 4


def _sc_body(feat_hbm, tgt_hbm, out_hbm, idx_v, fbuf, acc_v, sem0, sem1):
    wid = lax.axis_index("s") * NC + lax.axis_index("c")
    base = wid * CHUNK
    sems = (sem0, sem1)

    tcp0 = pltpu.async_copy(
        tgt_hbm.at[0, pl.ds(base, CHUNK)], idx_v.at[pl.ds(0, CHUNK)], sem0
    )
    tcp1 = pltpu.async_copy(
        tgt_hbm.at[1, pl.ds(base, CHUNK)], idx_v.at[pl.ds(CHUNK, CHUNK)], sem1
    )

    zeros = jnp.zeros((L,), jnp.float32)

    @plsc.parallel_loop(0, R * PTOT // L, unroll=4)
    def _zero(i):
        acc_v[pl.ds(i * L, L)] = zeros

    tcp0.wait()
    tcp1.wait()

    lane = lax.iota(jnp.int32, L)
    ones = jnp.ones((L,), jnp.float32)

    for bb in range(B):

        @plsc.parallel_loop(0, NVEC, unroll=4)
        def _prep(i, bb=bb):
            sl = pl.ds(bb * CHUNK + i * L, L)
            idx = idx_v[sl] * L + lane + (bb * PB)
            idx_v[sl] = idx
            roff = (i & (R - 1)) * PTOT
            plsc.addupdate_scatter(acc_v, [idx + (roff + CS * SLOT)], ones)

    def start(g):
        bb = g // GPB
        c0 = CT + (g % GPB) * GC
        return pltpu.async_copy(
            feat_hbm.at[bb, pl.ds(c0, GC), pl.ds(base, CHUNK)],
            fbuf.at[g % 2],
            sems[g % 2],
        )

    cur = start(0)
    for g in range(NG):
        nxt = start(g + 1) if g + 1 < NG else None
        cur.wait()
        buf = g % 2
        boff = (g // GPB) * CHUNK
        s0 = (g % GPB) * GC * SLOT

        @plsc.parallel_loop(0, NVEC, unroll=4)
        def _scatter(i, buf=buf, boff=boff, s0=s0):
            voff = i * L
            iv = idx_v[pl.ds(boff + voff, L)]
            ivr = iv + (i & (R - 1)) * PTOT
            for cs in range(GC):
                f = fbuf[buf, cs, pl.ds(voff, L)]
                plsc.addupdate_scatter(acc_v, [ivr + (s0 + cs * SLOT)], f)

        cur = nxt

    pltpu.sync_copy(acc_v, out_hbm.at[wid])


_sc_call = functools.partial(
    pl.kernel,
    mesh=plsc.VectorSubcoreMesh(core_axis_name="c", subcore_axis_name="s"),
    out_type=jax.ShapeDtypeStruct((NW, R * PTOT), jnp.float32),
    scratch_types=[
        pltpu.VMEM((B * CHUNK,), jnp.int32),
        pltpu.VMEM((2, GC, CHUNK), jnp.float32),
        pltpu.VMEM((R * PTOT,), jnp.float32),
        pltpu.SemaphoreType.DMA,
        pltpu.SemaphoreType.DMA,
    ],
    compiler_params=pltpu.CompilerParams(needs_layout_passes=False),
)(_sc_body)


NBLK = 8
Nb = N // NBLK


def _tc_body(f_ref, t_ref, sums_ref):
    b = pl.program_id(0)
    n = pl.program_id(1)

    @pl.when(jnp.logical_and(b == 0, n == 0))
    def _init():
        sums_ref[...] = jnp.zeros_like(sums_ref)

    f = f_ref[0]
    t = t_ref[0]
    s_total = jnp.sum(f, axis=1, keepdims=True)
    zero = jnp.zeros_like(f)
    s_rest = jnp.zeros_like(s_total)
    for k in range(1, NUM_CLASSES):
        m = t == k
        s_k = jnp.sum(jnp.where(m, f, zero), axis=1, keepdims=True)
        sums_ref[b, :, k : k + 1] += s_k
        s_rest = s_rest + s_k
    sums_ref[b, :, 0:1] += s_total - s_rest


def _tc_call(feats, tgt):
    return pl.pallas_call(
        _tc_body,
        grid=(B, NBLK),
        in_specs=[
            pl.BlockSpec((1, CT, Nb), lambda b, n: (b, 0, n)),
            pl.BlockSpec((1, 1, Nb), lambda b, n: (b, 0, n)),
        ],
        out_specs=pl.BlockSpec((B, CT, K), lambda b, n: (0, 0, 0)),
        out_shape=jax.ShapeDtypeStruct((B, CT, K), jnp.float32),
    )(feats, tgt)


def _fin_body(p_ref, t_ref, loss_ref):
    p = p_ref[...]
    s = jnp.sum(p, axis=(0, 4))
    counts = s[:, CS, :]
    cmax = jnp.maximum(counts, 1.0)[:, None, :]
    centers_sc = s[:, :CS, :] / cmax
    centers_tc = t_ref[...] / cmax
    valid = counts > 0
    total = jnp.float32(0.0)
    pairs = jnp.float32(0.0)
    for i in range(NUM_CLASSES):
        for j in range(i + 1, NUM_CLASSES):
            dt = centers_tc[:, :, i] - centers_tc[:, :, j]
            ds = centers_sc[:, :, i] - centers_sc[:, :, j]
            d2 = jnp.sum(dt * dt, axis=1) + jnp.sum(ds * ds, axis=1)
            dist = jnp.sqrt(d2)
            hinge = jnp.maximum(MARGIN - dist, 0.0)
            m = jnp.logical_and(valid[:, i], valid[:, j]).astype(jnp.float32)
            total = total + jnp.sum(hinge * m)
            pairs = pairs + jnp.sum(m)
    val = jnp.where(pairs > 0, total / jnp.maximum(pairs, 1.0), 0.0)
    loss_ref[...] = val.reshape(1, 1)


def _finalize(q, tc_sums):
    return pl.pallas_call(
        _fin_body,
        out_shape=jax.ShapeDtypeStruct((1, 1), jnp.float32),
    )(q, tc_sums)


def kernel(features, predictions, targets):
    del predictions
    feats = features.reshape(B, C, N)
    tgt2 = targets.reshape(B, N)
    tgt3 = targets.reshape(B, 1, N)
    sc_part = _sc_call(feats, tgt2)
    tc_sums = _tc_call(feats, tgt3)
    q = sc_part.reshape(NW * R, B, NSLOT, K, L)
    loss = _finalize(q, tc_sums)
    return loss[0, 0]

# --- scband reference (transcript-rebuilt; emitter-appended) ---
"""Pipeline reference for scband-spectral-separability-loss-65738769433116 (READ-ONLY COPY).

The authoritative reference and input builder live on the scoring server;
editing this copy changes nothing except your own understanding.
"""

import jax, jax.numpy as jnp
import numpy as np

NUM_CLASSES = 4
MARGIN = 1.0


def setup_inputs(seed: int = 0) -> dict:
    key = jax.random.key(seed)
    k1, k2, k3 = jax.random.split(key, 3)
    features = jax.random.normal(k1, (2, 32, 64, 64, 64), dtype=jnp.float32)
    predictions = jax.random.normal(k2, (2, 4, 64, 64, 64), dtype=jnp.float32)
    targets = jax.random.randint(k3, (2, 1, 64, 64, 64), 0, NUM_CLASSES, dtype=jnp.int32)
    return {"features": features, "predictions": predictions, "targets": targets}


def _forward(features, predictions, targets):
    B, C, H, W, D = features.shape
    # predictions/targets already at (H, W, D): interpolation branches are no-ops
    feats = features.reshape(B, C, -1).transpose(0, 2, 1)  # (B, N, C)
    tgt = targets.reshape(B, -1)  # (B, N)
    one_hot = (tgt[..., None] == jnp.arange(NUM_CLASSES)[None, None, :]).astype(jnp.float32)  # (B, N, K)
    counts = one_hot.sum(axis=1)  # (B, K)
    sums = jnp.einsum('bnk,bnc->bkc', one_hot, feats)  # (B, K, C)
    centers = sums / jnp.maximum(counts, 1.0)[..., None]  # masked mean per class
    valid = counts > 0
    total = jnp.float32(0.0)
    pairs = jnp.float32(0.0)
    for i in range(NUM_CLASSES):
        for j in range(i + 1, NUM_CLASSES):
            diff = centers[:, i, :] - centers[:, j, :]
            dist = jnp.linalg.norm(diff, axis=-1)
            loss = jax.nn.relu(MARGIN - dist)
            m = (valid[:, i] & valid[:, j]).astype(jnp.float32)
            total = total + jnp.sum(loss * m)
            pairs = pairs + jnp.sum(m)
    return jnp.where(pairs > 0, total / jnp.maximum(pairs, 1.0), jnp.float32(0.0))


def reference(features, predictions, targets):
    return _forward(features, predictions, targets)

if __name__ == "__main__":
    import jax
    _d = setup_inputs()
    print(jax.jit(kernel)(*tuple(_d.values())))

</pallas_src>

<mosaic_0001>
#map = affine_map<(d0, d1) -> (0, 0, 0)>
#map1 = affine_map<(d0, d1) -> (0, 0)>
module attributes {stable_mosaic.version = 14 : i64} {
  func.func @_sc_body(%arg0: i32, %arg1: i32, %arg2: memref<2x32x262144xf32, #tpu.memory_space<hbm>>, %arg3: memref<2x262144xi32, #tpu.memory_space<hbm>>, %arg4: memref<32x8704xf32, #tpu.memory_space<hbm>>, %arg5: memref<16384xi32, #tpu.memory_space<vmem>>, %arg6: memref<2x4x8192xf32, #tpu.memory_space<vmem>>, %arg7: memref<8704xf32, #tpu.memory_space<vmem>>, %arg8: memref<!tpu.dma_semaphore, #tpu.memory_space<semaphore_mem>>, %arg9: memref<!tpu.dma_semaphore, #tpu.memory_space<semaphore_mem>>) attributes {dimension_semantics = [#tpu.dimension_semantics<core_parallel>, #tpu.dimension_semantics<subcore_parallel>], iteration_bounds = array<i64: 2, 16>, scalar_prefetch = 0 : i64, scratch_operands = 5 : i64, tpu.core_type = #tpu.core_type<sc_vector_subcore>, window_params = [{transform_indices = #map}, {transform_indices = #map1}, {transform_indices = #map1}]} {
    %mul3A = arith.constant 2 : i32
    %mul3A_0 = arith.muli %arg1, %mul3A : i32
    %add3A = arith.addi %mul3A_0, %arg0 : i32
    %mul3A_1 = arith.constant 8192 : i32
    %mul3A_2 = arith.muli %add3A, %mul3A_1 : i32
    %dma_start3A = arith.constant 0 : i32
    %dma_start3A_3 = arith.constant 0 : i32
    %dma_start3A_4 = tpu.memref_slice %arg5[%dma_start3A_3] : memref<16384xi32, #tpu.memory_space<vmem>> -> memref<8192xi32, #tpu.memory_space<vmem>>
    %dma_start3A_5 = tpu.memref_slice %arg3[%dma_start3A, %mul3A_2] : memref<2x262144xi32, #tpu.memory_space<hbm>> -> memref<1x8192xi32, #tpu.memory_space<hbm>>
    %dma_start3A_6 = tpu.memref_squeeze %dma_start3A_5 : memref<1x8192xi32, #tpu.memory_space<hbm>> -> memref<8192xi32, #tpu.memory_space<hbm>>
    %dma_start3A_7 = arith.constant 0 : i32
    %dma_start3A_8 = tpu.memref_slice %arg5[%dma_start3A_7] : memref<16384xi32, #tpu.memory_space<vmem>> -> memref<8192xi32, #tpu.memory_space<vmem>>
    %dma_start3A_9 = tpu.memref_slice %arg3[%dma_start3A, %mul3A_2] : memref<2x262144xi32, #tpu.memory_space<hbm>> -> memref<1x8192xi32, #tpu.memory_space<hbm>>
    %dma_start3A_10 = tpu.memref_squeeze %dma_start3A_9 : memref<1x8192xi32, #tpu.memory_space<hbm>> -> memref<8192xi32, #tpu.memory_space<hbm>>
    tpu.enqueue_dma source(%dma_start3A_10 : memref<8192xi32, #tpu.memory_space<hbm>>) target(%dma_start3A_8 : memref<8192xi32, #tpu.memory_space<vmem>>) target_semaphore(%arg8 : memref<!tpu.dma_semaphore, #tpu.memory_space<semaphore_mem>>)
    %dma_start3A_11 = arith.constant 1 : i32
    %dma_start3A_12 = arith.constant 8192 : i32
    %dma_start3A_13 = tpu.memref_slice %arg5[%dma_start3A_12] : memref<16384xi32, #tpu.memory_space<vmem>> -> memref<8192xi32, #tpu.memory_space<vmem>>
    %dma_start3A_14 = tpu.memref_slice %arg3[%dma_start3A_11, %mul3A_2] : memref<2x262144xi32, #tpu.memory_space<hbm>> -> memref<1x8192xi32, #tpu.memory_space<hbm>>
    %dma_start3A_15 = tpu.memref_squeeze %dma_start3A_14 : memref<1x8192xi32, #tpu.memory_space<hbm>> -> memref<8192xi32, #tpu.memory_space<hbm>>
    %dma_start3A_16 = arith.constant 8192 : i32
    %dma_start3A_17 = tpu.memref_slice %arg5[%dma_start3A_16] : memref<16384xi32, #tpu.memory_space<vmem>> -> memref<8192xi32, #tpu.memory_space<vmem>>
    %dma_start3A_18 = tpu.memref_slice %arg3[%dma_start3A_11, %mul3A_2] : memref<2x262144xi32, #tpu.memory_space<hbm>> -> memref<1x8192xi32, #tpu.memory_space<hbm>>
    %dma_start3A_19 = tpu.memref_squeeze %dma_start3A_18 : memref<1x8192xi32, #tpu.memory_space<hbm>> -> memref<8192xi32, #tpu.memory_space<hbm>>
    tpu.enqueue_dma source(%dma_start3A_19 : memref<8192xi32, #tpu.memory_space<hbm>>) target(%dma_start3A_17 : memref<8192xi32, #tpu.memory_space<vmem>>) target_semaphore(%arg9 : memref<!tpu.dma_semaphore, #tpu.memory_space<semaphore_mem>>)
    %broadcast_in_dim3A = arith.constant 0.000000e+00 : f32
    %broadcast_in_dim3A_20 = vector.broadcast %broadcast_in_dim3A : f32 to vector<16xf32>
    %parallel_loop3A = arith.constant 0 : i32
    %parallel_loop3A_21 = arith.constant 544 : i32
    %parallel_loop3A_22 = arith.constant 1 : i32
    scf.for %parallel_loop3A_328 = %parallel_loop3A to %parallel_loop3A_21 step %parallel_loop3A_22  : i32 {
      %parallel_loop3A_329 = arith.constant 16 : i32
      %parallel_loop3A_330 = arith.muli %parallel_loop3A_328, %parallel_loop3A_329 : i32
      %parallel_loop3A_331 = arith.index_cast %parallel_loop3A_330 : i32 to index
      %parallel_loop3A_332 = tpu.vector_load %arg7[%parallel_loop3A_331] {strides = array<i32>} : memref<8704xf32, #tpu.memory_space<vmem>>, vector<16xf32>,
      tpu.vector_store %arg7[%parallel_loop3A_331], %broadcast_in_dim3A_20 {strides = array<i32>} : memref<8704xf32, #tpu.memory_space<vmem>>, vector<16xf32>,
    } {sc.loop_unroll_factor = 4 : i64, sc.parallel_access}
    %dma_wait3A = arith.constant 0 : i32
    %dma_wait3A_23 = arith.constant 0 : i32
    %dma_wait3A_24 = tpu.memref_slice %arg5[%dma_wait3A_23] : memref<16384xi32, #tpu.memory_space<vmem>> -> memref<8192xi32, #tpu.memory_space<vmem>>
    %dma_wait3A_25 = tpu.memref_slice %arg3[%dma_wait3A, %mul3A_2] : memref<2x262144xi32, #tpu.memory_space<hbm>> -> memref<1x8192xi32, #tpu.memory_space<hbm>>
    %dma_wait3A_26 = tpu.memref_squeeze %dma_wait3A_25 : memref<1x8192xi32, #tpu.memory_space<hbm>> -> memref<8192xi32, #tpu.memory_space<hbm>>
    %dma_wait3A_27 = arith.constant 0 : i32
    %dma_wait3A_28 = tpu.memref_slice %arg5[%dma_wait3A_27] : memref<16384xi32, #tpu.memory_space<vmem>> -> memref<8192xi32, #tpu.memory_space<vmem>>
    %dma_wait3A_29 = tpu.memref_slice %arg3[%dma_wait3A, %mul3A_2] : memref<2x262144xi32, #tpu.memory_space<hbm>> -> memref<1x8192xi32, #tpu.memory_space<hbm>>
    %dma_wait3A_30 = tpu.memref_squeeze %dma_wait3A_29 : memref<1x8192xi32, #tpu.memory_space<hbm>> -> memref<8192xi32, #tpu.memory_space<hbm>>
    tpu.wait_dma2 semaphore(%arg8 : memref<!tpu.dma_semaphore, #tpu.memory_space<semaphore_mem>>) src(%dma_wait3A_30 : memref<8192xi32, #tpu.memory_space<hbm>>) dst(%dma_wait3A_28 : memref<8192xi32, #tpu.memory_space<vmem>>)
    %dma_wait3A_31 = arith.constant 1 : i32
    %dma_wait3A_32 = arith.constant 8192 : i32
    %dma_wait3A_33 = tpu.memref_slice %arg5[%dma_wait3A_32] : memref<16384xi32, #tpu.memory_space<vmem>> -> memref<8192xi32, #tpu.memory_space<vmem>>
    %dma_wait3A_34 = tpu.memref_slice %arg3[%dma_wait3A_31, %mul3A_2] : memref<2x262144xi32, #tpu.memory_space<hbm>> -> memref<1x8192xi32, #tpu.memory_space<hbm>>
    %dma_wait3A_35 = tpu.memref_squeeze %dma_wait3A_34 : memref<1x8192xi32, #tpu.memory_space<hbm>> -> memref<8192xi32, #tpu.memory_space<hbm>>
    %dma_wait3A_36 = arith.constant 8192 : i32
    %dma_wait3A_37 = tpu.memref_slice %arg5[%dma_wait3A_36] : memref<16384xi32, #tpu.memory_space<vmem>> -> memref<8192xi32, #tpu.memory_space<vmem>>
    %dma_wait3A_38 = tpu.memref_slice %arg3[%dma_wait3A_31, %mul3A_2] : memref<2x262144xi32, #tpu.memory_space<hbm>> -> memref<1x8192xi32, #tpu.memory_space<hbm>>
    %dma_wait3A_39 = tpu.memref_squeeze %dma_wait3A_38 : memref<1x8192xi32, #tpu.memory_space<hbm>> -> memref<8192xi32, #tpu.memory_space<hbm>>
    tpu.wait_dma2 semaphore(%arg9 : memref<!tpu.dma_semaphore, #tpu.memory_space<semaphore_mem>>) src(%dma_wait3A_39 : memref<8192xi32, #tpu.memory_space<hbm>>) dst(%dma_wait3A_37 : memref<8192xi32, #tpu.memory_space<vmem>>)
    %iota3A = tpu.iota {dimensions = array<i32: 0>} : vector<16xi32>
    %broadcast_in_dim3A_40 = arith.constant 1.000000e+00 : f32
    %broadcast_in_dim3A_41 = vector.broadcast %broadcast_in_dim3A_40 : f32 to vector<16xf32>
    %parallel_loop3A_42 = arith.constant 0 : i32
    %parallel_loop3A_43 = arith.constant 512 : i32
    %parallel_loop3A_44 = arith.constant 1 : i32
    scf.for %parallel_loop3A_328 = %parallel_loop3A_42 to %parallel_loop3A_43 step %parallel_loop3A_44  : i32 {
      %parallel_loop3A_329 = arith.constant 16 : i32
      %parallel_loop3A_330 = arith.muli %parallel_loop3A_328, %parallel_loop3A_329 : i32
      %parallel_loop3A_331 = arith.constant 0 : i32
      %parallel_loop3A_332 = arith.addi %parallel_loop3A_331, %parallel_loop3A_330 : i32
      %parallel_loop3A_333 = arith.index_cast %parallel_loop3A_332 : i32 to index
      %parallel_loop3A_334 = tpu.vector_load %arg5[%parallel_loop3A_333] {strides = array<i32>} : memref<16384xi32, #tpu.memory_space<vmem>>, vector<16xi32>,
      %parallel_loop3A_335 = arith.constant 16 : i32
      %parallel_loop3A_336 = vector.broadcast %parallel_loop3A_335 : i32 to vector<16xi32>
      %parallel_loop3A_337 = arith.muli %parallel_loop3A_334, %parallel_loop3A_336 : vector<16xi32>
      %parallel_loop3A_338 = arith.addi %parallel_loop3A_337, %iota3A : vector<16xi32>
      %parallel_loop3A_339 = arith.constant 0 : i32
      %parallel_loop3A_340 = vector.broadcast %parallel_loop3A_339 : i32 to vector<16xi32>
      %parallel_loop3A_341 = arith.addi %parallel_loop3A_338, %parallel_loop3A_340 : vector<16xi32>
      %parallel_loop3A_342 = arith.index_cast %parallel_loop3A_332 : i32 to index
      %parallel_loop3A_343 = tpu.vector_load %arg5[%parallel_loop3A_342] {strides = array<i32>} : memref<16384xi32, #tpu.memory_space<vmem>>, vector<16xi32>,
      tpu.vector_store %arg5[%parallel_loop3A_342], %parallel_loop3A_341 {strides = array<i32>} : memref<16384xi32, #tpu.memory_space<vmem>>, vector<16xi32>,
      %parallel_loop3A_344 = arith.constant 3 : i32
      %parallel_loop3A_345 = arith.andi %parallel_loop3A_328, %parallel_loop3A_344 : i32
      %parallel_loop3A_346 = arith.constant 2176 : i32
      %parallel_loop3A_347 = arith.muli %parallel_loop3A_345, %parallel_loop3A_346 : i32
      %parallel_loop3A_348 = arith.constant 1024 : i32
      %parallel_loop3A_349 = arith.addi %parallel_loop3A_347, %parallel_loop3A_348 : i32
      %parallel_loop3A_350 = vector.broadcast %parallel_loop3A_349 : i32 to vector<16xi32>
      %parallel_loop3A_351 = arith.addi %parallel_loop3A_341, %parallel_loop3A_350 : vector<16xi32>
      tpu.vector_store_idx %arg7[%parallel_loop3A_351], %broadcast_in_dim3A_41 {add = true} : memref<8704xf32, #tpu.memory_space<vmem>>[vector<16xi32>], vector<16xf32>,
    } {sc.loop_unroll_factor = 4 : i64, sc.parallel_access}
    %parallel_loop3A_45 = arith.constant 0 : i32
    %parallel_loop3A_46 = arith.constant 512 : i32
    %parallel_loop3A_47 = arith.constant 1 : i32
    scf.for %parallel_loop3A_328 = %parallel_loop3A_45 to %parallel_loop3A_46 step %parallel_loop3A_47  : i32 {
      %parallel_loop3A_329 = arith.constant 16 : i32
      %parallel_loop3A_330 = arith.muli %parallel_loop3A_328, %parallel_loop3A_329 : i32
      %parallel_loop3A_331 = arith.constant 8192 : i32
      %parallel_loop3A_332 = arith.addi %parallel_loop3A_331, %parallel_loop3A_330 : i32
      %parallel_loop3A_333 = arith.index_cast %parallel_loop3A_332 : i32 to index
      %parallel_loop3A_334 = tpu.vector_load %arg5[%parallel_loop3A_333] {strides = array<i32>} : memref<16384xi32, #tpu.memory_space<vmem>>, vector<16xi32>,
      %parallel_loop3A_335 = arith.constant 16 : i32
      %parallel_loop3A_336 = vector.broadcast %parallel_loop3A_335 : i32 to vector<16xi32>
      %parallel_loop3A_337 = arith.muli %parallel_loop3A_334, %parallel_loop3A_336 : vector<16xi32>
      %parallel_loop3A_338 = arith.addi %parallel_loop3A_337, %iota3A : vector<16xi32>
      %parallel_loop3A_339 = arith.constant 1088 : i32
      %parallel_loop3A_340 = vector.broadcast %parallel_loop3A_339 : i32 to vector<16xi32>
      %parallel_loop3A_341 = arith.addi %parallel_loop3A_338, %parallel_loop3A_340 : vector<16xi32>
      %parallel_loop3A_342 = arith.index_cast %parallel_loop3A_332 : i32 to index
      %parallel_loop3A_343 = tpu.vector_load %arg5[%parallel_loop3A_342] {strides = array<i32>} : memref<16384xi32, #tpu.memory_space<vmem>>, vector<16xi32>,
      tpu.vector_store %arg5[%parallel_loop3A_342], %parallel_loop3A_341 {strides = array<i32>} : memref<16384xi32, #tpu.memory_space<vmem>>, vector<16xi32>,
      %parallel_loop3A_344 = arith.constant 3 : i32
      %parallel_loop3A_345 = arith.andi %parallel_loop3A_328, %parallel_loop3A_344 : i32
      %parallel_loop3A_346 = arith.constant 2176 : i32
      %parallel_loop3A_347 = arith.muli %parallel_loop3A_345, %parallel_loop3A_346 : i32
      %parallel_loop3A_348 = arith.constant 1024 : i32
      %parallel_loop3A_349 = arith.addi %parallel_loop3A_347, %parallel_loop3A_348 : i32
      %parallel_loop3A_350 = vector.broadcast %parallel_loop3A_349 : i32 to vector<16xi32>
      %parallel_loop3A_351 = arith.addi %parallel_loop3A_341, %parallel_loop3A_350 : vector<16xi32>
      tpu.vector_store_idx %arg7[%parallel_loop3A_351], %broadcast_in_dim3A_41 {add = true} : memref<8704xf32, #tpu.memory_space<vmem>>[vector<16xi32>], vector<16xf32>,
    } {sc.loop_unroll_factor = 4 : i64, sc.parallel_access}
    %dma_start3A_48 = arith.constant 0 : i32
    %dma_start3A_49 = arith.constant 0 : i32
    %dma_start3A_50 = arith.constant 0 : i32
    %dma_start3A_51 = arith.constant 0 : i32
    %dma_start3A_52 = tpu.memref_slice %arg6[%dma_start3A_49, %dma_start3A_50, %dma_start3A_51] : memref<2x4x8192xf32, #tpu.memory_space<vmem>> -> memref<1x4x8192xf32, #tpu.memory_space<vmem>>
    %dma_start3A_53 = tpu.memref_squeeze %dma_start3A_52 : memref<1x4x8192xf32, #tpu.memory_space<vmem>> -> memref<4x8192xf32, #tpu.memory_space<vmem>>
    %dma_start3A_54 = arith.constant 16 : i32
    %dma_start3A_55 = tpu.memref_slice %arg2[%dma_start3A_48, %dma_start3A_54, %mul3A_2] : memref<2x32x262144xf32, #tpu.memory_space<hbm>> -> memref<1x4x8192xf32, #tpu.memory_space<hbm>>
    %dma_start3A_56 = tpu.memref_squeeze %dma_start3A_55 : memref<1x4x8192xf32, #tpu.memory_space<hbm>> -> memref<4x8192xf32, #tpu.memory_space<hbm>>
    %dma_start3A_57 = arith.constant 0 : i32
    %dma_start3A_58 = arith.constant 0 : i32
    %dma_start3A_59 = tpu.memref_slice %arg6[%dma_start3A_49, %dma_start3A_57, %dma_start3A_58] : memref<2x4x8192xf32, #tpu.memory_space<vmem>> -> memref<1x4x8192xf32, #tpu.memory_space<vmem>>
    %dma_start3A_60 = tpu.memref_squeeze %dma_start3A_59 : memref<1x4x8192xf32, #tpu.memory_space<vmem>> -> memref<4x8192xf32, #tpu.memory_space<vmem>>
    %dma_start3A_61 = arith.constant 16 : i32
    %dma_start3A_62 = tpu.memref_slice %arg2[%dma_start3A_48, %dma_start3A_61, %mul3A_2] : memref<2x32x262144xf32, #tpu.memory_space<hbm>> -> memref<1x4x8192xf32, #tpu.memory_space<hbm>>
    %dma_start3A_63 = tpu.memref_squeeze %dma_start3A_62 : memref<1x4x8192xf32, #tpu.memory_space<hbm>> -> memref<4x8192xf32, #tpu.memory_space<hbm>>
    tpu.enqueue_dma source(%dma_start3A_63 : memref<4x8192xf32, #tpu.memory_space<hbm>>) target(%dma_start3A_60 : memref<4x8192xf32, #tpu.memory_space<vmem>>) target_semaphore(%arg8 : memref<!tpu.dma_semaphore, #tpu.memory_space<semaphore_mem>>)
    %dma_start3A_64 = arith.constant 0 : i32
    %dma_start3A_65 = arith.constant 1 : i32
    %dma_start3A_66 = arith.constant 0 : i32
    %dma_start3A_67 = arith.constant 0 : i32
    %dma_start3A_68 = tpu.memref_slice %arg6[%dma_start3A_65, %dma_start3A_66, %dma_start3A_67] : memref<2x4x8192xf32, #tpu.memory_space<vmem>> -> memref<1x4x8192xf32, #tpu.memory_space<vmem>>
    %dma_start3A_69 = tpu.memref_squeeze %dma_start3A_68 : memref<1x4x8192xf32, #tpu.memory_space<vmem>> -> memref<4x8192xf32, #tpu.memory_space<vmem>>
    %dma_start3A_70 = arith.constant 20 : i32
    %dma_start3A_71 = tpu.memref_slice %arg2[%dma_start3A_64, %dma_start3A_70, %mul3A_2] : memref<2x32x262144xf32, #tpu.memory_space<hbm>> -> memref<1x4x8192xf32, #tpu.memory_space<hbm>>
    %dma_start3A_72 = tpu.memref_squeeze %dma_start3A_71 : memref<1x4x8192xf32, #tpu.memory_space<hbm>> -> memref<4x8192xf32, #tpu.memory_space<hbm>>
    %dma_start3A_73 = arith.constant 0 : i32
    %dma_start3A_74 = arith.constant 0 : i32
    %dma_start3A_75 = tpu.memref_slice %arg6[%dma_start3A_65, %dma_start3A_73, %dma_start3A_74] : memref<2x4x8192xf32, #tpu.memory_space<vmem>> -> memref<1x4x8192xf32, #tpu.memory_space<vmem>>
    %dma_start3A_76 = tpu.memref_squeeze %dma_start3A_75 : memref<1x4x8192xf32, #tpu.memory_space<vmem>> -> memref<4x8192xf32, #tpu.memory_space<vmem>>
    %dma_start3A_77 = arith.constant 20 : i32
    %dma_start3A_78 = tpu.memref_slice %arg2[%dma_start3A_64, %dma_start3A_77, %mul3A_2] : memref<2x32x262144xf32, #tpu.memory_space<hbm>> -> memref<1x4x8192xf32, #tpu.memory_space<hbm>>
    %dma_start3A_79 = tpu.memref_squeeze %dma_start3A_78 : memref<1x4x8192xf32, #tpu.memory_space<hbm>> -> memref<4x8192xf32, #tpu.memory_space<hbm>>
    tpu.enqueue_dma source(%dma_start3A_79 : memref<4x8192xf32, #tpu.memory_space<hbm>>) target(%dma_start3A_76 : memref<4x8192xf32, #tpu.memory_space<vmem>>) target_semaphore(%arg9 : memref<!tpu.dma_semaphore, #tpu.memory_space<semaphore_mem>>)
    %dma_wait3A_80 = arith.constant 0 : i32
    %dma_wait3A_81 = arith.constant 0 : i32
    %dma_wait3A_82 = arith.constant 0 : i32
    %dma_wait3A_83 = arith.constant 0 : i32
    %dma_wait3A_84 = tpu.memref_slice %arg6[%dma_wait3A_81, %dma_wait3A_82, %dma_wait3A_83] : memref<2x4x8192xf32, #tpu.memory_space<vmem>> -> memref<1x4x8192xf32, #tpu.memory_space<vmem>>
    %dma_wait3A_85 = tpu.memref_squeeze %dma_wait3A_84 : memref<1x4x8192xf32, #tpu.memory_space<vmem>> -> memref<4x8192xf32, #tpu.memory_space<vmem>>
    %dma_wait3A_86 = arith.constant 16 : i32
    %dma_wait3A_87 = tpu.memref_slice %arg2[%dma_wait3A_80, %dma_wait3A_86, %mul3A_2] : memref<2x32x262144xf32, #tpu.memory_space<hbm>> -> memref<1x4x8192xf32, #tpu.memory_space<hbm>>
    %dma_wait3A_88 = tpu.memref_squeeze %dma_wait3A_87 : memref<1x4x8192xf32, #tpu.memory_space<hbm>> -> memref<4x8192xf32, #tpu.memory_space<hbm>>
    %dma_wait3A_89 = arith.constant 0 : i32
    %dma_wait3A_90 = arith.constant 0 : i32
    %dma_wait3A_91 = tpu.memref_slice %arg6[%dma_wait3A_81, %dma_wait3A_89, %dma_wait3A_90] : memref<2x4x8192xf32, #tpu.memory_space<vmem>> -> memref<1x4x8192xf32, #tpu.memory_space<vmem>>
    %dma_wait3A_92 = tpu.memref_squeeze %dma_wait3A_91 : memref<1x4x8192xf32, #tpu.memory_space<vmem>> -> memref<4x8192xf32, #tpu.memory_space<vmem>>
    %dma_wait3A_93 = arith.constant 16 : i32
    %dma_wait3A_94 = tpu.memref_slice %arg2[%dma_wait3A_80, %dma_wait3A_93, %mul3A_2] : memref<2x32x262144xf32, #tpu.memory_space<hbm>> -> memref<1x4x8192xf32, #tpu.memory_space<hbm>>
    %dma_wait3A_95 = tpu.memref_squeeze %dma_wait3A_94 : memref<1x4x8192xf32, #tpu.memory_space<hbm>> -> memref<4x8192xf32, #tpu.memory_space<hbm>>
    tpu.wait_dma2 semaphore(%arg8 : memref<!tpu.dma_semaphore, #tpu.memory_space<semaphore_mem>>) src(%dma_wait3A_95 : memref<4x8192xf32, #tpu.memory_space<hbm>>) dst(%dma_wait3A_92 : memref<4x8192xf32, #tpu.memory_space<vmem>>)
    %parallel_loop3A_96 = arith.constant 0 : i32
    %parallel_loop3A_97 = arith.constant 512 : i32
    %parallel_loop3A_98 = arith.constant 1 : i32
    scf.for %parallel_loop3A_328 = %parallel_loop3A_96 to %parallel_loop3A_97 step %parallel_loop3A_98  : i32 {
      %parallel_loop3A_329 = arith.constant 16 : i32
      %parallel_loop3A_330 = arith.muli %parallel_loop3A_328, %parallel_loop3A_329 : i32
      %parallel_loop3A_331 = arith.constant 0 : i32
      %parallel_loop3A_332 = arith.addi %parallel_loop3A_331, %parallel_loop3A_330 : i32
      %parallel_loop3A_333 = arith.index_cast %parallel_loop3A_332 : i32 to index
      %parallel_loop3A_334 = tpu.vector_load %arg5[%parallel_loop3A_333] {strides = array<i32>} : memref<16384xi32, #tpu.memory_space<vmem>>, vector<16xi32>,
      %parallel_loop3A_335 = arith.constant 3 : i32
      %parallel_loop3A_336 = arith.andi %parallel_loop3A_328, %parallel_loop3A_335 : i32
      %parallel_loop3A_337 = arith.constant 2176 : i32
      %parallel_loop3A_338 = arith.muli %parallel_loop3A_336, %parallel_loop3A_337 : i32
      %parallel_loop3A_339 = vector.broadcast %parallel_loop3A_338 : i32 to vector<16xi32>
      %parallel_loop3A_340 = arith.addi %parallel_loop3A_334, %parallel_loop3A_339 : vector<16xi32>
      %parallel_loop3A_341 = arith.constant 0 : i32
      %parallel_loop3A_342 = arith.constant 0 : i32
      %parallel_loop3A_343 = arith.index_cast %parallel_loop3A_341 : i32 to index
      %parallel_loop3A_344 = arith.index_cast %parallel_loop3A_342 : i32 to index
      %parallel_loop3A_345 = arith.index_cast %parallel_loop3A_330 : i32 to index
      %parallel_loop3A_346 = tpu.vector_load %arg6[%parallel_loop3A_343, %parallel_loop3A_344, %parallel_loop3A_345] {strides = array<i32>} : memref<2x4x8192xf32, #tpu.memory_space<vmem>>, vector<16xf32>,
      %parallel_loop3A_347 = arith.constant 0 : i32
      %parallel_loop3A_348 = vector.broadcast %parallel_loop3A_347 : i32 to vector<16xi32>
      %parallel_loop3A_349 = arith.addi %parallel_loop3A_340, %parallel_loop3A_348 : vector<16xi32>
      tpu.vector_store_idx %arg7[%parallel_loop3A_349], %parallel_loop3A_346 {add = true} : memref<8704xf32, #tpu.memory_space<vmem>>[vector<16xi32>], vector<16xf32>,
      %parallel_loop3A_350 = arith.constant 0 : i32
      %parallel_loop3A_351 = arith.constant 1 : i32
      %parallel_loop3A_352 = arith.index_cast %parallel_loop3A_350 : i32 to index
      %parallel_loop3A_353 = arith.index_cast %parallel_loop3A_351 : i32 to index
      %parallel_loop3A_354 = arith.index_cast %parallel_loop3A_330 : i32 to index
      %parallel_loop3A_355 = tpu.vector_load %arg6[%parallel_loop3A_352, %parallel_loop3A_353, %parallel_loop3A_354] {strides = array<i32>} : memref<2x4x8192xf32, #tpu.memory_space<vmem>>, vector<16xf32>,
      %parallel_loop3A_356 = arith.constant 64 : i32
      %parallel_loop3A_357 = vector.broadcast %parallel_loop3A_356 : i32 to vector<16xi32>
      %parallel_loop3A_358 = arith.addi %parallel_loop3A_340, %parallel_loop3A_357 : vector<16xi32>
      tpu.vector_store_idx %arg7[%parallel_loop3A_358], %parallel_loop3A_355 {add = true} : memref<8704xf32, #tpu.memory_space<vmem>>[vector<16xi32>], vector<16xf32>,
      %parallel_loop3A_359 = arith.constant 0 : i32
      %parallel_loop3A_360 = arith.constant 2 : i32
      %parallel_loop3A_361 = arith.index_cast %parallel_loop3A_359 : i32 to index
      %parallel_loop3A_362 = arith.index_cast %parallel_loop3A_360 : i32 to index
      %parallel_loop3A_363 = arith.index_cast %parallel_loop3A_330 : i32 to index
      %parallel_loop3A_364 = tpu.vector_load %arg6[%parallel_loop3A_361, %parallel_loop3A_362, %parallel_loop3A_363] {strides = array<i32>} : memref<2x4x8192xf32, #tpu.memory_space<vmem>>, vector<16xf32>,
      %parallel_loop3A_365 = arith.constant 128 : i32
      %parallel_loop3A_366 = vector.broadcast %parallel_loop3A_365 : i32 to vector<16xi32>
      %parallel_loop3A_367 = arith.addi %parallel_loop3A_340, %parallel_loop3A_366 : vector<16xi32>
      tpu.vector_store_idx %arg7[%parallel_loop3A_367], %parallel_loop3A_364 {add = true} : memref<8704xf32, #tpu.memory_space<vmem>>[vector<16xi32>], vector<16xf32>,
      %parallel_loop3A_368 = arith.constant 0 : i32
      %parallel_loop3A_369 = arith.constant 3 : i32
      %parallel_loop3A_370 = arith.index_cast %parallel_loop3A_368 : i32 to index
      %parallel_loop3A_371 = arith.index_cast %parallel_loop3A_369 : i32 to index
      %parallel_loop3A_372 = arith.index_cast %parallel_loop3A_330 : i32 to index
      %parallel_loop3A_373 = tpu.vector_load %arg6[%parallel_loop3A_370, %parallel_loop3A_371, %parallel_loop3A_372] {strides = array<i32>} : memref<2x4x8192xf32, #tpu.memory_space<vmem>>, vector<16xf32>,
      %parallel_loop3A_374 = arith.constant 192 : i32
      %parallel_loop3A_375 = vector.broadcast %parallel_loop3A_374 : i32 to vector<16xi32>
      %parallel_loop3A_376 = arith.addi %parallel_loop3A_340, %parallel_loop3A_375 : vector<16xi32>
      tpu.vector_store_idx %arg7[%parallel_loop3A_376], %parallel_loop3A_373 {add = true} : memref<8704xf32, #tpu.memory_space<vmem>>[vector<16xi32>], vector<16xf32>,
    } {sc.loop_unroll_factor = 4 : i64, sc.parallel_access}
    %dma_start3A_99 = arith.constant 0 : i32
    %dma_start3A_100 = arith.constant 0 : i32
    %dma_start3A_101 = arith.constant 0 : i32
    %dma_start3A_102 = arith.constant 0 : i32
    %dma_start3A_103 = tpu.memref_slice %arg6[%dma_start3A_100, %dma_start3A_101, %dma_start3A_102] : memref<2x4x8192xf32, #tpu.memory_space<vmem>> -> memref<1x4x8192xf32, #tpu.memory_space<vmem>>
    %dma_start3A_104 = tpu.memref_squeeze %dma_start3A_103 : memref<1x4x8192xf32, #tpu.memory_space<vmem>> -> memref<4x8192xf32, #tpu.memory_space<vmem>>
    %dma_start3A_105 = arith.constant 24 : i32
    %dma_start3A_106 = tpu.memref_slice %arg2[%dma_start3A_99, %dma_start3A_105, %mul3A_2] : memref<2x32x262144xf32, #tpu.memory_space<hbm>> -> memref<1x4x8192xf32, #tpu.memory_space<hbm>>
    %dma_start3A_107 = tpu.memref_squeeze %dma_start3A_106 : memref<1x4x8192xf32, #tpu.memory_space<hbm>> -> memref<4x8192xf32, #tpu.memory_space<hbm>>
    %dma_start3A_108 = arith.constant 0 : i32
    %dma_start3A_109 = arith.constant 0 : i32
    %dma_start3A_110 = tpu.memref_slice %arg6[%dma_start3A_100, %dma_start3A_108, %dma_start3A_109] : memref<2x4x8192xf32, #tpu.memory_space<vmem>> -> memref<1x4x8192xf32, #tpu.memory_space<vmem>>
    %dma_start3A_111 = tpu.memref_squeeze %dma_start3A_110 : memref<1x4x8192xf32, #tpu.memory_space<vmem>> -> memref<4x8192xf32, #tpu.memory_space<vmem>>
    %dma_start3A_112 = arith.constant 24 : i32
    %dma_start3A_113 = tpu.memref_slice %arg2[%dma_start3A_99, %dma_start3A_112, %mul3A_2] : memref<2x32x262144xf32, #tpu.memory_space<hbm>> -> memref<1x4x8192xf32, #tpu.memory_space<hbm>>
    %dma_start3A_114 = tpu.memref_squeeze %dma_start3A_113 : memref<1x4x8192xf32, #tpu.memory_space<hbm>> -> memref<4x8192xf32, #tpu.memory_space<hbm>>
    tpu.enqueue_dma source(%dma_start3A_114 : memref<4x8192xf32, #tpu.memory_space<hbm>>) target(%dma_start3A_111 : memref<4x8192xf32, #tpu.memory_space<vmem>>) target_semaphore(%arg8 : memref<!tpu.dma_semaphore, #tpu.memory_space<semaphore_mem>>)
    %dma_wait3A_115 = arith.constant 0 : i32
    %dma_wait3A_116 = arith.constant 1 : i32
    %dma_wait3A_117 = arith.constant 0 : i32
    %dma_wait3A_118 = arith.constant 0 : i32
    %dma_wait3A_119 = tpu.memref_slice %arg6[%dma_wait3A_116, %dma_wait3A_117, %dma_wait3A_118] : memref<2x4x8192xf32, #tpu.memory_space<vmem>> -> memref<1x4x8192xf32, #tpu.memory_space<vmem>>
    %dma_wait3A_120 = tpu.memref_squeeze %dma_wait3A_119 : memref<1x4x8192xf32, #tpu.memory_space<vmem>> -> memref<4x8192xf32, #tpu.memory_space<vmem>>
    %dma_wait3A_121 = arith.constant 20 : i32
    %dma_wait3A_122 = tpu.memref_slice %arg2[%dma_wait3A_115, %dma_wait3A_121, %mul3A_2] : memref<2x32x262144xf32, #tpu.memory_space<hbm>> -> memref<1x4x8192xf32, #tpu.memory_space<hbm>>
    %dma_wait3A_123 = tpu.memref_squeeze %dma_wait3A_122 : memref<1x4x8192xf32, #tpu.memory_space<hbm>> -> memref<4x8192xf32, #tpu.memory_space<hbm>>
    %dma_wait3A_124 = arith.constant 0 : i32
    %dma_wait3A_125 = arith.constant 0 : i32
    %dma_wait3A_126 = tpu.memref_slice %arg6[%dma_wait3A_116, %dma_wait3A_124, %dma_wait3A_125] : memref<2x4x8192xf32, #tpu.memory_space<vmem>> -> memref<1x4x8192xf32, #tpu.memory_space<vmem>>
    %dma_wait3A_127 = tpu.memref_squeeze %dma_wait3A_126 : memref<1x4x8192xf32, #tpu.memory_space<vmem>> -> memref<4x8192xf32, #tpu.memory_space<vmem>>
    %dma_wait3A_128 = arith.constant 20 : i32
    %dma_wait3A_129 = tpu.memref_slice %arg2[%dma_wait3A_115, %dma_wait3A_128, %mul3A_2] : memref<2x32x262144xf32, #tpu.memory_space<hbm>> -> memref<1x4x8192xf32, #tpu.memory_space<hbm>>
    %dma_wait3A_130 = tpu.memref_squeeze %dma_wait3A_129 : memref<1x4x8192xf32, #tpu.memory_space<hbm>> -> memref<4x8192xf32, #tpu.memory_space<hbm>>
    tpu.wait_dma2 semaphore(%arg9 : memref<!tpu.dma_semaphore, #tpu.memory_space<semaphore_mem>>) src(%dma_wait3A_130 : memref<4x8192xf32, #tpu.memory_space<hbm>>) dst(%dma_wait3A_127 : memref<4x8192xf32, #tpu.memory_space<vmem>>)
    %parallel_loop3A_131 = arith.constant 0 : i32
    %parallel_loop3A_132 = arith.constant 512 : i32
    %parallel_loop3A_133 = arith.constant 1 : i32
    scf.for %parallel_loop3A_328 = %parallel_loop3A_131 to %parallel_loop3A_132 step %parallel_loop3A_133  : i32 {
      %parallel_loop3A_329 = arith.constant 16 : i32
      %parallel_loop3A_330 = arith.muli %parallel_loop3A_328, %parallel_loop3A_329 : i32
      %parallel_loop3A_331 = arith.constant 0 : i32
      %parallel_loop3A_332 = arith.addi %parallel_loop3A_331, %parallel_loop3A_330 : i32
      %parallel_loop3A_333 = arith.index_cast %parallel_loop3A_332 : i32 to index
      %parallel_loop3A_334 = tpu.vector_load %arg5[%parallel_loop3A_333] {strides = array<i32>} : memref<16384xi32, #tpu.memory_space<vmem>>, vector<16xi32>,
      %parallel_loop3A_335 = arith.constant 3 : i32
      %parallel_loop3A_336 = arith.andi %parallel_loop3A_328, %parallel_loop3A_335 : i32
      %parallel_loop3A_337 = arith.constant 2176 : i32
      %parallel_loop3A_338 = arith.muli %parallel_loop3A_336, %parallel_loop3A_337 : i32
      %parallel_loop3A_339 = vector.broadcast %parallel_loop3A_338 : i32 to vector<16xi32>
      %parallel_loop3A_340 = arith.addi %parallel_loop3A_334, %parallel_loop3A_339 : vector<16xi32>
      %parallel_loop3A_341 = arith.constant 1 : i32
      %parallel_loop3A_342 = arith.constant 0 : i32
      %parallel_loop3A_343 = arith.index_cast %parallel_loop3A_341 : i32 to index
      %parallel_loop3A_344 = arith.index_cast %parallel_loop3A_342 : i32 to index
      %parallel_loop3A_345 = arith.index_cast %parallel_loop3A_330 : i32 to index
      %parallel_loop3A_346 = tpu.vector_load %arg6[%parallel_loop3A_343, %parallel_loop3A_344, %parallel_loop3A_345] {strides = array<i32>} : memref<2x4x8192xf32, #tpu.memory_space<vmem>>, vector<16xf32>,
      %parallel_loop3A_347 = arith.constant 256 : i32
      %parallel_loop3A_348 = vector.broadcast %parallel_loop3A_347 : i32 to vector<16xi32>
      %parallel_loop3A_349 = arith.addi %parallel_loop3A_340, %parallel_loop3A_348 : vector<16xi32>
      tpu.vector_store_idx %arg7[%parallel_loop3A_349], %parallel_loop3A_346 {add = true} : memref<8704xf32, #tpu.memory_space<vmem>>[vector<16xi32>], vector<16xf32>,
      %parallel_loop3A_350 = arith.constant 1 : i32
      %parallel_loop3A_351 = arith.constant 1 : i32
      %parallel_loop3A_352 = arith.index_cast %parallel_loop3A_350 : i32 to index
      %parallel_loop3A_353 = arith.index_cast %parallel_loop3A_351 : i32 to index
      %parallel_loop3A_354 = arith.index_cast %parallel_loop3A_330 : i32 to index
      %parallel_loop3A_355 = tpu.vector_load %arg6[%parallel_loop3A_352, %parallel_loop3A_353, %parallel_loop3A_354] {strides = array<i32>} : memref<2x4x8192xf32, #tpu.memory_space<vmem>>, vector<16xf32>,
      %parallel_loop3A_356 = arith.constant 320 : i32
      %parallel_loop3A_357 = vector.broadcast %parallel_loop3A_356 : i32 to vector<16xi32>
      %parallel_loop3A_358 = arith.addi %parallel_loop3A_340, %parallel_loop3A_357 : vector<16xi32>
      tpu.vector_store_idx %arg7[%parallel_loop3A_358], %parallel_loop3A_355 {add = true} : memref<8704xf32, #tpu.memory_space<vmem>>[vector<16xi32>], vector<16xf32>,
      %parallel_loop3A_359 = arith.constant 1 : i32
      %parallel_loop3A_360 = arith.constant 2 : i32
      %parallel_loop3A_361 = arith.index_cast %parallel_loop3A_359 : i32 to index
      %parallel_loop3A_362 = arith.index_cast %parallel_loop3A_360 : i32 to index
      %parallel_loop3A_363 = arith.index_cast %parallel_loop3A_330 : i32 to index
      %parallel_loop3A_364 = tpu.vector_load %arg6[%parallel_loop3A_361, %parallel_loop3A_362, %parallel_loop3A_363] {strides = array<i32>} : memref<2x4x8192xf32, #tpu.memory_space<vmem>>, vector<16xf32>,
      %parallel_loop3A_365 = arith.constant 384 : i32
      %parallel_loop3A_366 = vector.broadcast %parallel_loop3A_365 : i32 to vector<16xi32>
      %parallel_loop3A_367 = arith.addi %parallel_loop3A_340, %parallel_loop3A_366 : vector<16xi32>
      tpu.vector_store_idx %arg7[%parallel_loop3A_367], %parallel_loop3A_364 {add = true} : memref<8704xf32, #tpu.memory_space<vmem>>[vector<16xi32>], vector<16xf32>,
      %parallel_loop3A_368 = arith.constant 1 : i32
      %parallel_loop3A_369 = arith.constant 3 : i32
      %parallel_loop3A_370 = arith.index_cast %parallel_loop3A_368 : i32 to index
      %parallel_loop3A_371 = arith.index_cast %parallel_loop3A_369 : i32 to index
      %parallel_loop3A_372 = arith.index_cast %parallel_loop3A_330 : i32 to index
      %parallel_loop3A_373 = tpu.vector_load %arg6[%parallel_loop3A_370, %parallel_loop3A_371, %parallel_loop3A_372] {strides = array<i32>} : memref<2x4x8192xf32, #tpu.memory_space<vmem>>, vector<16xf32>,
      %parallel_loop3A_374 = arith.constant 448 : i32
      %parallel_loop3A_375 = vector.broadcast %parallel_loop3A_374 : i32 to vector<16xi32>
      %parallel_loop3A_376 = arith.addi %parallel_loop3A_340, %parallel_loop3A_375 : vector<16xi32>
      tpu.vector_store_idx %arg7[%parallel_loop3A_376], %parallel_loop3A_373 {add = true} : memref<8704xf32, #tpu.memory_space<vmem>>[vector<16xi32>], vector<16xf32>,
    } {sc.loop_unroll_factor = 4 : i64, sc.parallel_access}
    %dma_start3A_134 = arith.constant 0 : i32
    %dma_start3A_135 = arith.constant 1 : i32
    %dma_start3A_136 = arith.constant 0 : i32
    %dma_start3A_137 = arith.constant 0 : i32
    %dma_start3A_138 = tpu.memref_slice %arg6[%dma_start3A_135, %dma_start3A_136, %dma_start3A_137] : memref<2x4x8192xf32, #tpu.memory_space<vmem>> -> memref<1x4x8192xf32, #tpu.memory_space<vmem>>
    %dma_start3A_139 = tpu.memref_squeeze %dma_start3A_138 : memref<1x4x8192xf32, #tpu.memory_space<vmem>> -> memref<4x8192xf32, #tpu.memory_space<vmem>>
    %dma_start3A_140 = arith.constant 28 : i32
    %dma_start3A_141 = tpu.memref_slice %arg2[%dma_start3A_134, %dma_start3A_140, %mul3A_2] : memref<2x32x262144xf32, #tpu.memory_space<hbm>> -> memref<1x4x8192xf32, #tpu.memory_space<hbm>>
    %dma_start3A_142 = tpu.memref_squeeze %dma_start3A_141 : memref<1x4x8192xf32, #tpu.memory_space<hbm>> -> memref<4x8192xf32, #tpu.memory_space<hbm>>
    %dma_start3A_143 = arith.constant 0 : i32
    %dma_start3A_144 = arith.constant 0 : i32
    %dma_start3A_145 = tpu.memref_slice %arg6[%dma_start3A_135, %dma_start3A_143, %dma_start3A_144] : memref<2x4x8192xf32, #tpu.memory_space<vmem>> -> memref<1x4x8192xf32, #tpu.memory_space<vmem>>
    %dma_start3A_146 = tpu.memref_squeeze %dma_start3A_145 : memref<1x4x8192xf32, #tpu.memory_space<vmem>> -> memref<4x8192xf32, #tpu.memory_space<vmem>>
    %dma_start3A_147 = arith.constant 28 : i32
    %dma_start3A_148 = tpu.memref_slice %arg2[%dma_start3A_134, %dma_start3A_147, %mul3A_2] : memref<2x32x262144xf32, #tpu.memory_space<hbm>> -> memref<1x4x8192xf32, #tpu.memory_space<hbm>>
    %dma_start3A_149 = tpu.memref_squeeze %dma_start3A_148 : memref<1x4x8192xf32, #tpu.memory_space<hbm>> -> memref<4x8192xf32, #tpu.memory_space<hbm>>
    tpu.enqueue_dma source(%dma_start3A_149 : memref<4x8192xf32, #tpu.memory_space<hbm>>) target(%dma_start3A_146 : memref<4x8192xf32, #tpu.memory_space<vmem>>) target_semaphore(%arg9 : memref<!tpu.dma_semaphore, #tpu.memory_space<semaphore_mem>>)
    %dma_wait3A_150 = arith.constant 0 : i32
    %dma_wait3A_151 = arith.constant 0 : i32
    %dma_wait3A_152 = arith.constant 0 : i32
    %dma_wait3A_153 = arith.constant 0 : i32
    %dma_wait3A_154 = tpu.memref_slice %arg6[%dma_wait3A_151, %dma_wait3A_152, %dma_wait3A_153] : memref<2x4x8192xf32, #tpu.memory_space<vmem>> -> memref<1x4x8192xf32, #tpu.memory_space<vmem>>
    %dma_wait3A_155 = tpu.memref_squeeze %dma_wait3A_154 : memref<1x4x8192xf32, #tpu.memory_space<vmem>> -> memref<4x8192xf32, #tpu.memory_space<vmem>>
    %dma_wait3A_156 = arith.constant 24 : i32
    %dma_wait3A_157 = tpu.memref_slice %arg2[%dma_wait3A_150, %dma_wait3A_156, %mul3A_2] : memref<2x32x262144xf32, #tpu.memory_space<hbm>> -> memref<1x4x8192xf32, #tpu.memory_space<hbm>>
    %dma_wait3A_158 = tpu.memref_squeeze %dma_wait3A_157 : memref<1x4x8192xf32, #tpu.memory_space<hbm>> -> memref<4x8192xf32, #tpu.memory_space<hbm>>
    %dma_wait3A_159 = arith.constant 0 : i32
    %dma_wait3A_160 = arith.constant 0 : i32
    %dma_wait3A_161 = tpu.memref_slice %arg6[%dma_wait3A_151, %dma_wait3A_159, %dma_wait3A_160] : memref<2x4x8192xf32, #tpu.memory_space<vmem>> -> memref<1x4x8192xf32, #tpu.memory_space<vmem>>
    %dma_wait3A_162 = tpu.memref_squeeze %dma_wait3A_161 : memref<1x4x8192xf32, #tpu.memory_space<vmem>> -> memref<4x8192xf32, #tpu.memory_space<vmem>>
    %dma_wait3A_163 = arith.constant 24 : i32
    %dma_wait3A_164 = tpu.memref_slice %arg2[%dma_wait3A_150, %dma_wait3A_163, %mul3A_2] : memref<2x32x262144xf32, #tpu.memory_space<hbm>> -> memref<1x4x8192xf32, #tpu.memory_space<hbm>>
    %dma_wait3A_165 = tpu.memref_squeeze %dma_wait3A_164 : memref<1x4x8192xf32, #tpu.memory_space<hbm>> -> memref<4x8192xf32, #tpu.memory_space<hbm>>
    tpu.wait_dma2 semaphore(%arg8 : memref<!tpu.dma_semaphore, #tpu.memory_space<semaphore_mem>>) src(%dma_wait3A_165 : memref<4x8192xf32, #tpu.memory_space<hbm>>) dst(%dma_wait3A_162 : memref<4x8192xf32, #tpu.memory_space<vmem>>)
    %parallel_loop3A_166 = arith.constant 0 : i32
    %parallel_loop3A_167 = arith.constant 512 : i32
    %parallel_loop3A_168 = arith.constant 1 : i32
    scf.for %parallel_loop3A_328 = %parallel_loop3A_166 to %parallel_loop3A_167 step %parallel_loop3A_168  : i32 {
      %parallel_loop3A_329 = arith.constant 16 : i32
      %parallel_loop3A_330 = arith.muli %parallel_loop3A_328, %parallel_loop3A_329 : i32
      %parallel_loop3A_331 = arith.constant 0 : i32
      %parallel_loop3A_332 = arith.addi %parallel_loop3A_331, %parallel_loop3A_330 : i32
      %parallel_loop3A_333 = arith.index_cast %parallel_loop3A_332 : i32 to index
      %parallel_loop3A_334 = tpu.vector_load %arg5[%parallel_loop3A_333] {strides = array<i32>} : memref<16384xi32, #tpu.memory_space<vmem>>, vector<16xi32>,
      %parallel_loop3A_335 = arith.constant 3 : i32
      %parallel_loop3A_336 = arith.andi %parallel_loop3A_328, %parallel_loop3A_335 : i32
      %parallel_loop3A_337 = arith.constant 2176 : i32
      %parallel_loop3A_338 = arith.muli %parallel_loop3A_336, %parallel_loop3A_337 : i32
      %parallel_loop3A_339 = vector.broadcast %parallel_loop3A_338 : i32 to vector<16xi32>
      %parallel_loop3A_340 = arith.addi %parallel_loop3A_334, %parallel_loop3A_339 : vector<16xi32>
      %parallel_loop3A_341 = arith.constant 0 : i32
      %parallel_loop3A_342 = arith.constant 0 : i32
      %parallel_loop3A_343 = arith.index_cast %parallel_loop3A_341 : i32 to index
      %parallel_loop3A_344 = arith.index_cast %parallel_loop3A_342 : i32 to index
      %parallel_loop3A_345 = arith.index_cast %parallel_loop3A_330 : i32 to index
      %parallel_loop3A_346 = tpu.vector_load %arg6[%parallel_loop3A_343, %parallel_loop3A_344, %parallel_loop3A_345] {strides = array<i32>} : memref<2x4x8192xf32, #tpu.memory_space<vmem>>, vector<16xf32>,
      %parallel_loop3A_347 = arith.constant 512 : i32
      %parallel_loop3A_348 = vector.broadcast %parallel_loop3A_347 : i32 to vector<16xi32>
      %parallel_loop3A_349 = arith.addi %parallel_loop3A_340, %parallel_loop3A_348 : vector<16xi32>
      tpu.vector_store_idx %arg7[%parallel_loop3A_349], %parallel_loop3A_346 {add = true} : memref<8704xf32, #tpu.memory_space<vmem>>[vector<16xi32>], vector<16xf32>,
      %parallel_loop3A_350 = arith.constant 0 : i32
      %parallel_loop3A_351 = arith.constant 1 : i32
      %parallel_loop3A_352 = arith.index_cast %parallel_loop3A_350 : i32 to index
      %parallel_loop3A_353 = arith.index_cast %parallel_loop3A_351 : i32 to index
      %parallel_loop3A_354 = arith.index_cast %parallel_loop3A_330 : i32 to index
      %parallel_loop3A_355 = tpu.vector_load %arg6[%parallel_loop3A_352, %parallel_loop3A_353, %parallel_loop3A_354] {strides = array<i32>} : memref<2x4x8192xf32, #tpu.memory_space<vmem>>, vector<16xf32>,
      %parallel_loop3A_356 = arith.constant 576 : i32
      %parallel_loop3A_357 = vector.broadcast %parallel_loop3A_356 : i32 to vector<16xi32>
      %parallel_loop3A_358 = arith.addi %parallel_loop3A_340, %parallel_loop3A_357 : vector<16xi32>
      tpu.vector_store_idx %arg7[%parallel_loop3A_358], %parallel_loop3A_355 {add = true} : memref<8704xf32, #tpu.memory_space<vmem>>[vector<16xi32>], vector<16xf32>,
      %parallel_loop3A_359 = arith.constant 0 : i32
      %parallel_loop3A_360 = arith.constant 2 : i32
      %parallel_loop3A_361 = arith.index_cast %parallel_loop3A_359 : i32 to index
      %parallel_loop3A_362 = arith.index_cast %parallel_loop3A_360 : i32 to index
      %parallel_loop3A_363 = arith.index_cast %parallel_loop3A_330 : i32 to index
      %parallel_loop3A_364 = tpu.vector_load %arg6[%parallel_loop3A_361, %parallel_loop3A_362, %parallel_loop3A_363] {strides = array<i32>} : memref<2x4x8192xf32, #tpu.memory_space<vmem>>, vector<16xf32>,
      %parallel_loop3A_365 = arith.constant 640 : i32
      %parallel_loop3A_366 = vector.broadcast %parallel_loop3A_365 : i32 to vector<16xi32>
      %parallel_loop3A_367 = arith.addi %parallel_loop3A_340, %parallel_loop3A_366 : vector<16xi32>
      tpu.vector_store_idx %arg7[%parallel_loop3A_367], %parallel_loop3A_364 {add = true} : memref<8704xf32, #tpu.memory_space<vmem>>[vector<16xi32>], vector<16xf32>,
      %parallel_loop3A_368 = arith.constant 0 : i32
      %parallel_loop3A_369 = arith.constant 3 : i32
      %parallel_loop3A_370 = arith.index_cast %parallel_loop3A_368 : i32 to index
      %parallel_loop3A_371 = arith.index_cast %parallel_loop3A_369 : i32 to index
      %parallel_loop3A_372 = arith.index_cast %parallel_loop3A_330 : i32 to index
      %parallel_loop3A_373 = tpu.vector_load %arg6[%parallel_loop3A_370, %parallel_loop3A_371, %parallel_loop3A_372] {strides = array<i32>} : memref<2x4x8192xf32, #tpu.memory_space<vmem>>, vector<16xf32>,
      %parallel_loop3A_374 = arith.constant 704 : i32
      %parallel_loop3A_375 = vector.broadcast %parallel_loop3A_374 : i32 to vector<16xi32>
      %parallel_loop3A_376 = arith.addi %parallel_loop3A_340, %parallel_loop3A_375 : vector<16xi32>
      tpu.vector_store_idx %arg7[%parallel_loop3A_376], %parallel_loop3A_373 {add = true} : memref<8704xf32, #tpu.memory_space<vmem>>[vector<16xi32>], vector<16xf32>,
    } {sc.loop_unroll_factor = 4 : i64, sc.parallel_access}
    %dma_start3A_169 = arith.constant 1 : i32
    %dma_start3A_170 = arith.constant 0 : i32
    %dma_start3A_171 = arith.constant 0 : i32
    %dma_start3A_172 = arith.constant 0 : i32
    %dma_start3A_173 = tpu.memref_slice %arg6[%dma_start3A_170, %dma_start3A_171, %dma_start3A_172] : memref<2x4x8192xf32, #tpu.memory_space<vmem>> -> memref<1x4x8192xf32, #tpu.memory_space<vmem>>
    %dma_start3A_174 = tpu.memref_squeeze %dma_start3A_173 : memref<1x4x8192xf32, #tpu.memory_space<vmem>> -> memref<4x8192xf32, #tpu.memory_space<vmem>>
    %dma_start3A_175 = arith.constant 16 : i32
    %dma_start3A_176 = tpu.memref_slice %arg2[%dma_start3A_169, %dma_start3A_175, %mul3A_2] : memref<2x32x262144xf32, #tpu.memory_space<hbm>> -> memref<1x4x8192xf32, #tpu.memory_space<hbm>>
    %dma_start3A_177 = tpu.memref_squeeze %dma_start3A_176 : memref<1x4x8192xf32, #tpu.memory_space<hbm>> -> memref<4x8192xf32, #tpu.memory_space<hbm>>
    %dma_start3A_178 = arith.constant 0 : i32
    %dma_start3A_179 = arith.constant 0 : i32
    %dma_start3A_180 = tpu.memref_slice %arg6[%dma_start3A_170, %dma_start3A_178, %dma_start3A_179] : memref<2x4x8192xf32, #tpu.memory_space<vmem>> -> memref<1x4x8192xf32, #tpu.memory_space<vmem>>
    %dma_start3A_181 = tpu.memref_squeeze %dma_start3A_180 : memref<1x4x8192xf32, #tpu.memory_space<vmem>> -> memref<4x8192xf32, #tpu.memory_space<vmem>>
    %dma_start3A_182 = arith.constant 16 : i32
    %dma_start3A_183 = tpu.memref_slice %arg2[%dma_start3A_169, %dma_start3A_182, %mul3A_2] : memref<2x32x262144xf32, #tpu.memory_space<hbm>> -> memref<1x4x8192xf32, #tpu.memory_space<hbm>>
    %dma_start3A_184 = tpu.memref_squeeze %dma_start3A_183 : memref<1x4x8192xf32, #tpu.memory_space<hbm>> -> memref<4x8192xf32, #tpu.memory_space<hbm>>
    tpu.enqueue_dma source(%dma_start3A_184 : memref<4x8192xf32, #tpu.memory_space<hbm>>) target(%dma_start3A_181 : memref<4x8192xf32, #tpu.memory_space<vmem>>) target_semaphore(%arg8 : memref<!tpu.dma_semaphore, #tpu.memory_space<semaphore_mem>>)
    %dma_wait3A_185 = arith.constant 0 : i32
    %dma_wait3A_186 = arith.constant 1 : i32
    %dma_wait3A_187 = arith.constant 0 : i32
    %dma_wait3A_188 = arith.constant 0 : i32
    %dma_wait3A_189 = tpu.memref_slice %arg6[%dma_wait3A_186, %dma_wait3A_187, %dma_wait3A_188] : memref<2x4x8192xf32, #tpu.memory_space<vmem>> -> memref<1x4x8192xf32, #tpu.memory_space<vmem>>
    %dma_wait3A_190 = tpu.memref_squeeze %dma_wait3A_189 : memref<1x4x8192xf32, #tpu.memory_space<vmem>> -> memref<4x8192xf32, #tpu.memory_space<vmem>>
    %dma_wait3A_191 = arith.constant 28 : i32
    %dma_wait3A_192 = tpu.memref_slice %arg2[%dma_wait3A_185, %dma_wait3A_191, %mul3A_2] : memref<2x32x262144xf32, #tpu.memory_space<hbm>> -> memref<1x4x8192xf32, #tpu.memory_space<hbm>>
    %dma_wait3A_193 = tpu.memref_squeeze %dma_wait3A_192 : memref<1x4x8192xf32, #tpu.memory_space<hbm>> -> memref<4x8192xf32, #tpu.memory_space<hbm>>
    %dma_wait3A_194 = arith.constant 0 : i32
    %dma_wait3A_195 = arith.constant 0 : i32
    %dma_wait3A_196 = tpu.memref_slice %arg6[%dma_wait3A_186, %dma_wait3A_194, %dma_wait3A_195] : memref<2x4x8192xf32, #tpu.memory_space<vmem>> -> memref<1x4x8192xf32, #tpu.memory_space<vmem>>
    %dma_wait3A_197 = tpu.memref_squeeze %dma_wait3A_196 : memref<1x4x8192xf32, #tpu.memory_space<vmem>> -> memref<4x8192xf32, #tpu.memory_space<vmem>>
    %dma_wait3A_198 = arith.constant 28 : i32
    %dma_wait3A_199 = tpu.memref_slice %arg2[%dma_wait3A_185, %dma_wait3A_198, %mul3A_2] : memref<2x32x262144xf32, #tpu.memory_space<hbm>> -> memref<1x4x8192xf32, #tpu.memory_space<hbm>>
    %dma_wait3A_200 = tpu.memref_squeeze %dma_wait3A_199 : memref<1x4x8192xf32, #tpu.memory_space<hbm>> -> memref<4x8192xf32, #tpu.memory_space<hbm>>
    tpu.wait_dma2 semaphore(%arg9 : memref<!tpu.dma_semaphore, #tpu.memory_space<semaphore_mem>>) src(%dma_wait3A_200 : memref<4x8192xf32, #tpu.memory_space<hbm>>) dst(%dma_wait3A_197 : memref<4x8192xf32, #tpu.memory_space<vmem>>)
    %parallel_loop3A_201 = arith.constant 0 : i32
    %parallel_loop3A_202 = arith.constant 512 : i32
    %parallel_loop3A_203 = arith.constant 1 : i32
    scf.for %parallel_loop3A_328 = %parallel_loop3A_201 to %parallel_loop3A_202 step %parallel_loop3A_203  : i32 {
      %parallel_loop3A_329 = arith.constant 16 : i32
      %parallel_loop3A_330 = arith.muli %parallel_loop3A_328, %parallel_loop3A_329 : i32
      %parallel_loop3A_331 = arith.constant 0 : i32
      %parallel_loop3A_332 = arith.addi %parallel_loop3A_331, %parallel_loop3A_330 : i32
      %parallel_loop3A_333 = arith.index_cast %parallel_loop3A_332 : i32 to index
      %parallel_loop3A_334 = tpu.vector_load %arg5[%parallel_loop3A_333] {strides = array<i32>} : memref<16384xi32, #tpu.memory_space<vmem>>, vector<16xi32>,
      %parallel_loop3A_335 = arith.constant 3 : i32
      %parallel_loop3A_336 = arith.andi %parallel_loop3A_328, %parallel_loop3A_335 : i32
      %parallel_loop3A_337 = arith.constant 2176 : i32
      %parallel_loop3A_338 = arith.muli %parallel_loop3A_336, %parallel_loop3A_337 : i32
      %parallel_loop3A_339 = vector.broadcast %parallel_loop3A_338 : i32 to vector<16xi32>
      %parallel_loop3A_340 = arith.addi %parallel_loop3A_334, %parallel_loop3A_339 : vector<16xi32>
      %parallel_loop3A_341 = arith.constant 1 : i32
      %parallel_loop3A_342 = arith.constant 0 : i32
      %parallel_loop3A_343 = arith.index_cast %parallel_loop3A_341 : i32 to index
      %parallel_loop3A_344 = arith.index_cast %parallel_loop3A_342 : i32 to index
      %parallel_loop3A_345 = arith.index_cast %parallel_loop3A_330 : i32 to index
      %parallel_loop3A_346 = tpu.vector_load %arg6[%parallel_loop3A_343, %parallel_loop3A_344, %parallel_loop3A_345] {strides = array<i32>} : memref<2x4x8192xf32, #tpu.memory_space<vmem>>, vector<16xf32>,
      %parallel_loop3A_347 = arith.constant 768 : i32
      %parallel_loop3A_348 = vector.broadcast %parallel_loop3A_347 : i32 to vector<16xi32>
      %parallel_loop3A_349 = arith.addi %parallel_loop3A_340, %parallel_loop3A_348 : vector<16xi32>
      tpu.vector_store_idx %arg7[%parallel_loop3A_349], %parallel_loop3A_346 {add = true} : memref<8704xf32, #tpu.memory_space<vmem>>[vector<16xi32>], vector<16xf32>,
      %parallel_loop3A_350 = arith.constant 1 : i32
      %parallel_loop3A_351 = arith.constant 1 : i32
      %parallel_loop3A_352 = arith.index_cast %parallel_loop3A_350 : i32 to index
      %parallel_loop3A_353 = arith.index_cast %parallel_loop3A_351 : i32 to index
      %parallel_loop3A_354 = arith.index_cast %parallel_loop3A_330 : i32 to index
      %parallel_loop3A_355 = tpu.vector_load %arg6[%parallel_loop3A_352, %parallel_loop3A_353, %parallel_loop3A_354] {strides = array<i32>} : memref<2x4x8192xf32, #tpu.memory_space<vmem>>, vector<16xf32>,
      %parallel_loop3A_356 = arith.constant 832 : i32
      %parallel_loop3A_357 = vector.broadcast %parallel_loop3A_356 : i32 to vector<16xi32>
      %parallel_loop3A_358 = arith.addi %parallel_loop3A_340, %parallel_loop3A_357 : vector<16xi32>
      tpu.vector_store_idx %arg7[%parallel_loop3A_358], %parallel_loop3A_355 {add = true} : memref<8704xf32, #tpu.memory_space<vmem>>[vector<16xi32>], vector<16xf32>,
      %parallel_loop3A_359 = arith.constant 1 : i32
      %parallel_loop3A_360 = arith.constant 2 : i32
      %parallel_loop3A_361 = arith.index_cast %parallel_loop3A_359 : i32 to index
      %parallel_loop3A_362 = arith.index_cast %parallel_loop3A_360 : i32 to index
      %parallel_loop3A_363 = arith.index_cast %parallel_loop3A_330 : i32 to index
      %parallel_loop3A_364 = tpu.vector_load %arg6[%parallel_loop3A_361, %parallel_loop3A_362, %parallel_loop3A_363] {strides = array<i32>} : memref<2x4x8192xf32, #tpu.memory_space<vmem>>, vector<16xf32>,
      %parallel_loop3A_365 = arith.constant 896 : i32
      %parallel_loop3A_366 = vector.broadcast %parallel_loop3A_365 : i32 to vector<16xi32>
      %parallel_loop3A_367 = arith.addi %parallel_loop3A_340, %parallel_loop3A_366 : vector<16xi32>
      tpu.vector_store_idx %arg7[%parallel_loop3A_367], %parallel_loop3A_364 {add = true} : memref<8704xf32, #tpu.memory_space<vmem>>[vector<16xi32>], vector<16xf32>,
      %parallel_loop3A_368 = arith.constant 1 : i32
      %parallel_loop3A_369 = arith.constant 3 : i32
      %parallel_loop3A_370 = arith.index_cast %parallel_loop3A_368 : i32 to index
      %parallel_loop3A_371 = arith.index_cast %parallel_loop3A_369 : i32 to index
      %parallel_loop3A_372 = arith.index_cast %parallel_loop3A_330 : i32 to index
      %parallel_loop3A_373 = tpu.vector_load %arg6[%parallel_loop3A_370, %parallel_loop3A_371, %parallel_loop3A_372] {strides = array<i32>} : memref<2x4x8192xf32, #tpu.memory_space<vmem>>, vector<16xf32>,
      %parallel_loop3A_374 = arith.constant 960 : i32
      %parallel_loop3A_375 = vector.broadcast %parallel_loop3A_374 : i32 to vector<16xi32>
      %parallel_loop3A_376 = arith.addi %parallel_loop3A_340, %parallel_loop3A_375 : vector<16xi32>
      tpu.vector_store_idx %arg7[%parallel_loop3A_376], %parallel_loop3A_373 {add = true} : memref<8704xf32, #tpu.memory_space<vmem>>[vector<16xi32>], vector<16xf32>,
    } {sc.loop_unroll_factor = 4 : i64, sc.parallel_access}
    %dma_start3A_204 = arith.constant 1 : i32
    %dma_start3A_205 = arith.constant 1 : i32
    %dma_start3A_206 = arith.constant 0 : i32
    %dma_start3A_207 = arith.constant 0 : i32
    %dma_start3A_208 = tpu.memref_slice %arg6[%dma_start3A_205, %dma_start3A_206, %dma_start3A_207] : memref<2x4x8192xf32, #tpu.memory_space<vmem>> -> memref<1x4x8192xf32, #tpu.memory_space<vmem>>
    %dma_start3A_209 = tpu.memref_squeeze %dma_start3A_208 : memref<1x4x8192xf32, #tpu.memory_space<vmem>> -> memref<4x8192xf32, #tpu.memory_space<vmem>>
    %dma_start3A_210 = arith.constant 20 : i32
    %dma_start3A_211 = tpu.memref_slice %arg2[%dma_start3A_204, %dma_start3A_210, %mul3A_2] : memref<2x32x262144xf32, #tpu.memory_space<hbm>> -> memref<1x4x8192xf32, #tpu.memory_space<hbm>>
    %dma_start3A_212 = tpu.memref_squeeze %dma_start3A_211 : memref<1x4x8192xf32, #tpu.memory_space<hbm>> -> memref<4x8192xf32, #tpu.memory_space<hbm>>
    %dma_start3A_213 = arith.constant 0 : i32
    %dma_start3A_214 = arith.constant 0 : i32
    %dma_start3A_215 = tpu.memref_slice %arg6[%dma_start3A_205, %dma_start3A_213, %dma_start3A_214] : memref<2x4x8192xf32, #tpu.memory_space<vmem>> -> memref<1x4x8192xf32, #tpu.memory_space<vmem>>
    %dma_start3A_216 = tpu.memref_squeeze %dma_start3A_215 : memref<1x4x8192xf32, #tpu.memory_space<vmem>> -> memref<4x8192xf32, #tpu.memory_space<vmem>>
    %dma_start3A_217 = arith.constant 20 : i32
    %dma_start3A_218 = tpu.memref_slice %arg2[%dma_start3A_204, %dma_start3A_217, %mul3A_2] : memref<2x32x262144xf32, #tpu.memory_space<hbm>> -> memref<1x4x8192xf32, #tpu.memory_space<hbm>>
    %dma_start3A_219 = tpu.memref_squeeze %dma_start3A_218 : memref<1x4x8192xf32, #tpu.memory_space<hbm>> -> memref<4x8192xf32, #tpu.memory_space<hbm>>
    tpu.enqueue_dma source(%dma_start3A_219 : memref<4x8192xf32, #tpu.memory_space<hbm>>) target(%dma_start3A_216 : memref<4x8192xf32, #tpu.memory_space<vmem>>) target_semaphore(%arg9 : memref<!tpu.dma_semaphore, #tpu.memory_space<semaphore_mem>>)
    %dma_wait3A_220 = arith.constant 1 : i32
    %dma_wait3A_221 = arith.constant 0 : i32
    %dma_wait3A_222 = arith.constant 0 : i32
    %dma_wait3A_223 = arith.constant 0 : i32
    %dma_wait3A_224 = tpu.memref_slice %arg6[%dma_wait3A_221, %dma_wait3A_222, %dma_wait3A_223] : memref<2x4x8192xf32, #tpu.memory_space<vmem>> -> memref<1x4x8192xf32, #tpu.memory_space<vmem>>
    %dma_wait3A_225 = tpu.memref_squeeze %dma_wait3A_224 : memref<1x4x8192xf32, #tpu.memory_space<vmem>> -> memref<4x8192xf32, #tpu.memory_space<vmem>>
    %dma_wait3A_226 = arith.constant 16 : i32
    %dma_wait3A_227 = tpu.memref_slice %arg2[%dma_wait3A_220, %dma_wait3A_226, %mul3A_2] : memref<2x32x262144xf32, #tpu.memory_space<hbm>> -> memref<1x4x8192xf32, #tpu.memory_space<hbm>>
    %dma_wait3A_228 = tpu.memref_squeeze %dma_wait3A_227 : memref<1x4x8192xf32, #tpu.memory_space<hbm>> -> memref<4x8192xf32, #tpu.memory_space<hbm>>
    %dma_wait3A_229 = arith.constant 0 : i32
    %dma_wait3A_230 = arith.constant 0 : i32
    %dma_wait3A_231 = tpu.memref_slice %arg6[%dma_wait3A_221, %dma_wait3A_229, %dma_wait3A_230] : memref<2x4x8192xf32, #tpu.memory_space<vmem>> -> memref<1x4x8192xf32, #tpu.memory_space<vmem>>
    %dma_wait3A_232 = tpu.memref_squeeze %dma_wait3A_231 : memref<1x4x8192xf32, #tpu.memory_space<vmem>> -> memref<4x8192xf32, #tpu.memory_space<vmem>>
    %dma_wait3A_233 = arith.constant 16 : i32
    %dma_wait3A_234 = tpu.memref_slice %arg2[%dma_wait3A_220, %dma_wait3A_233, %mul3A_2] : memref<2x32x262144xf32, #tpu.memory_space<hbm>> -> memref<1x4x8192xf32, #tpu.memory_space<hbm>>
    %dma_wait3A_235 = tpu.memref_squeeze %dma_wait3A_234 : memref<1x4x8192xf32, #tpu.memory_space<hbm>> -> memref<4x8192xf32, #tpu.memory_space<hbm>>
    tpu.wait_dma2 semaphore(%arg8 : memref<!tpu.dma_semaphore, #tpu.memory_space<semaphore_mem>>) src(%dma_wait3A_235 : memref<4x8192xf32, #tpu.memory_space<hbm>>) dst(%dma_wait3A_232 : memref<4x8192xf32, #tpu.memory_space<vmem>>)
    %parallel_loop3A_236 = arith.constant 0 : i32
    %parallel_loop3A_237 = arith.constant 512 : i32
    %parallel_loop3A_238 = arith.constant 1 : i32
    scf.for %parallel_loop3A_328 = %parallel_loop3A_236 to %parallel_loop3A_237 step %parallel_loop3A_238  : i32 {
      %parallel_loop3A_329 = arith.constant 16 : i32
      %parallel_loop3A_330 = arith.muli %parallel_loop3A_328, %parallel_loop3A_329 : i32
      %parallel_loop3A_331 = arith.constant 8192 : i32
      %parallel_loop3A_332 = arith.addi %parallel_loop3A_331, %parallel_loop3A_330 : i32
      %parallel_loop3A_333 = arith.index_cast %parallel_loop3A_332 : i32 to index
      %parallel_loop3A_334 = tpu.vector_load %arg5[%parallel_loop3A_333] {strides = array<i32>} : memref<16384xi32, #tpu.memory_space<vmem>>, vector<16xi32>,
      %parallel_loop3A_335 = arith.constant 3 : i32
      %parallel_loop3A_336 = arith.andi %parallel_loop3A_328, %parallel_loop3A_335 : i32
      %parallel_loop3A_337 = arith.constant 2176 : i32
      %parallel_loop3A_338 = arith.muli %parallel_loop3A_336, %parallel_loop3A_337 : i32
      %parallel_loop3A_339 = vector.broadcast %parallel_loop3A_338 : i32 to vector<16xi32>
      %parallel_loop3A_340 = arith.addi %parallel_loop3A_334, %parallel_loop3A_339 : vector<16xi32>
      %parallel_loop3A_341 = arith.constant 0 : i32
      %parallel_loop3A_342 = arith.constant 0 : i32
      %parallel_loop3A_343 = arith.index_cast %parallel_loop3A_341 : i32 to index
      %parallel_loop3A_344 = arith.index_cast %parallel_loop3A_342 : i32 to index
      %parallel_loop3A_345 = arith.index_cast %parallel_loop3A_330 : i32 to index
      %parallel_loop3A_346 = tpu.vector_load %arg6[%parallel_loop3A_343, %parallel_loop3A_344, %parallel_loop3A_345] {strides = array<i32>} : memref<2x4x8192xf32, #tpu.memory_space<vmem>>, vector<16xf32>,
      %parallel_loop3A_347 = arith.constant 0 : i32
      %parallel_loop3A_348 = vector.broadcast %parallel_loop3A_347 : i32 to vector<16xi32>
      %parallel_loop3A_349 = arith.addi %parallel_loop3A_340, %parallel_loop3A_348 : vector<16xi32>
      tpu.vector_store_idx %arg7[%parallel_loop3A_349], %parallel_loop3A_346 {add = true} : memref<8704xf32, #tpu.memory_space<vmem>>[vector<16xi32>], vector<16xf32>,
      %parallel_loop3A_350 = arith.constant 0 : i32
      %parallel_loop3A_351 = arith.constant 1 : i32
      %parallel_loop3A_352 = arith.index_cast %parallel_loop3A_350 : i32 to index
      %parallel_loop3A_353 = arith.index_cast %parallel_loop3A_351 : i32 to index
      %parallel_loop3A_354 = arith.index_cast %parallel_loop3A_330 : i32 to index
      %parallel_loop3A_355 = tpu.vector_load %arg6[%parallel_loop3A_352, %parallel_loop3A_353, %parallel_loop3A_354] {strides = array<i32>} : memref<2x4x8192xf32, #tpu.memory_space<vmem>>, vector<16xf32>,
      %parallel_loop3A_356 = arith.constant 64 : i32
      %parallel_loop3A_357 = vector.broadcast %parallel_loop3A_356 : i32 to vector<16xi32>
      %parallel_loop3A_358 = arith.addi %parallel_loop3A_340, %parallel_loop3A_357 : vector<16xi32>
      tpu.vector_store_idx %arg7[%parallel_loop3A_358], %parallel_loop3A_355 {add = true} : memref<8704xf32, #tpu.memory_space<vmem>>[vector<16xi32>], vector<16xf32>,
      %parallel_loop3A_359 = arith.constant 0 : i32
      %parallel_loop3A_360 = arith.constant 2 : i32
      %parallel_loop3A_361 = arith.index_cast %parallel_loop3A_359 : i32 to index
      %parallel_loop3A_362 = arith.index_cast %parallel_loop3A_360 : i32 to index
      %parallel_loop3A_363 = arith.index_cast %parallel_loop3A_330 : i32 to index
      %parallel_loop3A_364 = tpu.vector_load %arg6[%parallel_loop3A_361, %parallel_loop3A_362, %parallel_loop3A_363] {strides = array<i32>} : memref<2x4x8192xf32, #tpu.memory_space<vmem>>, vector<16xf32>,
      %parallel_loop3A_365 = arith.constant 128 : i32
      %parallel_loop3A_366 = vector.broadcast %parallel_loop3A_365 : i32 to vector<16xi32>
      %parallel_loop3A_367 = arith.addi %parallel_loop3A_340, %parallel_loop3A_366 : vector<16xi32>
      tpu.vector_store_idx %arg7[%parallel_loop3A_367], %parallel_loop3A_364 {add = true} : memref<8704xf32, #tpu.memory_space<vmem>>[vector<16xi32>], vector<16xf32>,
      %parallel_loop3A_368 = arith.constant 0 : i32
      %parallel_loop3A_369 = arith.constant 3 : i32
      %parallel_loop3A_370 = arith.index_cast %parallel_loop3A_368 : i32 to index
      %parallel_loop3A_371 = arith.index_cast %parallel_loop3A_369 : i32 to index
      %parallel_loop3A_372 = arith.index_cast %parallel_loop3A_330 : i32 to index
      %parallel_loop3A_373 = tpu.vector_load %arg6[%parallel_loop3A_370, %parallel_loop3A_371, %parallel_loop3A_372] {strides = array<i32>} : memref<2x4x8192xf32, #tpu.memory_space<vmem>>, vector<16xf32>,
      %parallel_loop3A_374 = arith.constant 192 : i32
      %parallel_loop3A_375 = vector.broadcast %parallel_loop3A_374 : i32 to vector<16xi32>
      %parallel_loop3A_376 = arith.addi %parallel_loop3A_340, %parallel_loop3A_375 : vector<16xi32>
      tpu.vector_store_idx %arg7[%parallel_loop3A_376], %parallel_loop3A_373 {add = true} : memref<8704xf32, #tpu.memory_space<vmem>>[vector<16xi32>], vector<16xf32>,
    } {sc.loop_unroll_factor = 4 : i64, sc.parallel_access}
    %dma_start3A_239 = arith.constant 1 : i32
    %dma_start3A_240 = arith.constant 0 : i32
    %dma_start3A_241 = arith.constant 0 : i32
    %dma_start3A_242 = arith.constant 0 : i32
    %dma_start3A_243 = tpu.memref_slice %arg6[%dma_start3A_240, %dma_start3A_241, %dma_start3A_242] : memref<2x4x8192xf32, #tpu.memory_space<vmem>> -> memref<1x4x8192xf32, #tpu.memory_space<vmem>>
    %dma_start3A_244 = tpu.memref_squeeze %dma_start3A_243 : memref<1x4x8192xf32, #tpu.memory_space<vmem>> -> memref<4x8192xf32, #tpu.memory_space<vmem>>
    %dma_start3A_245 = arith.constant 24 : i32
    %dma_start3A_246 = tpu.memref_slice %arg2[%dma_start3A_239, %dma_start3A_245, %mul3A_2] : memref<2x32x262144xf32, #tpu.memory_space<hbm>> -> memref<1x4x8192xf32, #tpu.memory_space<hbm>>
    %dma_start3A_247 = tpu.memref_squeeze %dma_start3A_246 : memref<1x4x8192xf32, #tpu.memory_space<hbm>> -> memref<4x8192xf32, #tpu.memory_space<hbm>>
    %dma_start3A_248 = arith.constant 0 : i32
    %dma_start3A_249 = arith.constant 0 : i32
    %dma_start3A_250 = tpu.memref_slice %arg6[%dma_start3A_240, %dma_start3A_248, %dma_start3A_249] : memref<2x4x8192xf32, #tpu.memory_space<vmem>> -> memref<1x4x8192xf32, #tpu.memory_space<vmem>>
    %dma_start3A_251 = tpu.memref_squeeze %dma_start3A_250 : memref<1x4x8192xf32, #tpu.memory_space<vmem>> -> memref<4x8192xf32, #tpu.memory_space<vmem>>
    %dma_start3A_252 = arith.constant 24 : i32
    %dma_start3A_253 = tpu.memref_slice %arg2[%dma_start3A_239, %dma_start3A_252, %mul3A_2] : memref<2x32x262144xf32, #tpu.memory_space<hbm>> -> memref<1x4x8192xf32, #tpu.memory_space<hbm>>
    %dma_start3A_254 = tpu.memref_squeeze %dma_start3A_253 : memref<1x4x8192xf32, #tpu.memory_space<hbm>> -> memref<4x8192xf32, #tpu.memory_space<hbm>>
    tpu.enqueue_dma source(%dma_start3A_254 : memref<4x8192xf32, #tpu.memory_space<hbm>>) target(%dma_start3A_251 : memref<4x8192xf32, #tpu.memory_space<vmem>>) target_semaphore(%arg8 : memref<!tpu.dma_semaphore, #tpu.memory_space<semaphore_mem>>)
    %dma_wait3A_255 = arith.constant 1 : i32
    %dma_wait3A_256 = arith.constant 1 : i32
    %dma_wait3A_257 = arith.constant 0 : i32
    %dma_wait3A_258 = arith.constant 0 : i32
    %dma_wait3A_259 = tpu.memref_slice %arg6[%dma_wait3A_256, %dma_wait3A_257, %dma_wait3A_258] : memref<2x4x8192xf32, #tpu.memory_space<vmem>> -> memref<1x4x8192xf32, #tpu.memory_space<vmem>>
    %dma_wait3A_260 = tpu.memref_squeeze %dma_wait3A_259 : memref<1x4x8192xf32, #tpu.memory_space<vmem>> -> memref<4x8192xf32, #tpu.memory_space<vmem>>
    %dma_wait3A_261 = arith.constant 20 : i32
    %dma_wait3A_262 = tpu.memref_slice %arg2[%dma_wait3A_255, %dma_wait3A_261, %mul3A_2] : memref<2x32x262144xf32, #tpu.memory_space<hbm>> -> memref<1x4x8192xf32, #tpu.memory_space<hbm>>
    %dma_wait3A_263 = tpu.memref_squeeze %dma_wait3A_262 : memref<1x4x8192xf32, #tpu.memory_space<hbm>> -> memref<4x8192xf32, #tpu.memory_space<hbm>>
    %dma_wait3A_264 = arith.constant 0 : i32
    %dma_wait3A_265 = arith.constant 0 : i32
    %dma_wait3A_266 = tpu.memref_slice %arg6[%dma_wait3A_256, %dma_wait3A_264, %dma_wait3A_265] : memref<2x4x8192xf32, #tpu.memory_space<vmem>> -> memref<1x4x8192xf32, #tpu.memory_space<vmem>>
    %dma_wait3A_267 = tpu.memref_squeeze %dma_wait3A_266 : memref<1x4x8192xf32, #tpu.memory_space<vmem>> -> memref<4x8192xf32, #tpu.memory_space<vmem>>
    %dma_wait3A_268 = arith.constant 20 : i32
    %dma_wait3A_269 = tpu.memref_slice %arg2[%dma_wait3A_255, %dma_wait3A_268, %mul3A_2] : memref<2x32x262144xf32, #tpu.memory_space<hbm>> -> memref<1x4x8192xf32, #tpu.memory_space<hbm>>
    %dma_wait3A_270 = tpu.memref_squeeze %dma_wait3A_269 : memref<1x4x8192xf32, #tpu.memory_space<hbm>> -> memref<4x8192xf32, #tpu.memory_space<hbm>>
    tpu.wait_dma2 semaphore(%arg9 : memref<!tpu.dma_semaphore, #tpu.memory_space<semaphore_mem>>) src(%dma_wait3A_270 : memref<4x8192xf32, #tpu.memory_space<hbm>>) dst(%dma_wait3A_267 : memref<4x8192xf32, #tpu.memory_space<vmem>>)
    %parallel_loop3A_271 = arith.constant 0 : i32
    %parallel_loop3A_272 = arith.constant 512 : i32
    %parallel_loop3A_273 = arith.constant 1 : i32
    scf.for %parallel_loop3A_328 = %parallel_loop3A_271 to %parallel_loop3A_272 step %parallel_loop3A_273  : i32 {
      %parallel_loop3A_329 = arith.constant 16 : i32
      %parallel_loop3A_330 = arith.muli %parallel_loop3A_328, %parallel_loop3A_329 : i32
      %parallel_loop3A_331 = arith.constant 8192 : i32
      %parallel_loop3A_332 = arith.addi %parallel_loop3A_331, %parallel_loop3A_330 : i32
      %parallel_loop3A_333 = arith.index_cast %parallel_loop3A_332 : i32 to index
      %parallel_loop3A_334 = tpu.vector_load %arg5[%parallel_loop3A_333] {strides = array<i32>} : memref<16384xi32, #tpu.memory_space<vmem>>, vector<16xi32>,
      %parallel_loop3A_335 = arith.constant 3 : i32
      %parallel_loop3A_336 = arith.andi %parallel_loop3A_328, %parallel_loop3A_335 : i32
      %parallel_loop3A_337 = arith.constant 2176 : i32
      %parallel_loop3A_338 = arith.muli %parallel_loop3A_336, %parallel_loop3A_337 : i32
      %parallel_loop3A_339 = vector.broadcast %parallel_loop3A_338 : i32 to vector<16xi32>
      %parallel_loop3A_340 = arith.addi %parallel_loop3A_334, %parallel_loop3A_339 : vector<16xi32>
      %parallel_loop3A_341 = arith.constant 1 : i32
      %parallel_loop3A_342 = arith.constant 0 : i32
      %parallel_loop3A_343 = arith.index_cast %parallel_loop3A_341 : i32 to index
      %parallel_loop3A_344 = arith.index_cast %parallel_loop3A_342 : i32 to index
      %parallel_loop3A_345 = arith.index_cast %parallel_loop3A_330 : i32 to index
      %parallel_loop3A_346 = tpu.vector_load %arg6[%parallel_loop3A_343, %parallel_loop3A_344, %parallel_loop3A_345] {strides = array<i32>} : memref<2x4x8192xf32, #tpu.memory_space<vmem>>, vector<16xf32>,
      %parallel_loop3A_347 = arith.constant 256 : i32
      %parallel_loop3A_348 = vector.broadcast %parallel_loop3A_347 : i32 to vector<16xi32>
      %parallel_loop3A_349 = arith.addi %parallel_loop3A_340, %parallel_loop3A_348 : vector<16xi32>
      tpu.vector_store_idx %arg7[%parallel_loop3A_349], %parallel_loop3A_346 {add = true} : memref<8704xf32, #tpu.memory_space<vmem>>[vector<16xi32>], vector<16xf32>,
      %parallel_loop3A_350 = arith.constant 1 : i32
      %parallel_loop3A_351 = arith.constant 1 : i32
      %parallel_loop3A_352 = arith.index_cast %parallel_loop3A_350 : i32 to index
      %parallel_loop3A_353 = arith.index_cast %parallel_loop3A_351 : i32 to index
      %parallel_loop3A_354 = arith.index_cast %parallel_loop3A_330 : i32 to index
      %parallel_loop3A_355 = tpu.vector_load %arg6[%parallel_loop3A_352, %parallel_loop3A_353, %parallel_loop3A_354] {strides = array<i32>} : memref<2x4x8192xf32, #tpu.memory_space<vmem>>, vector<16xf32>,
      %parallel_loop3A_356 = arith.constant 320 : i32
      %parallel_loop3A_357 = vector.broadcast %parallel_loop3A_356 : i32 to vector<16xi32>
      %parallel_loop3A_358 = arith.addi %parallel_loop3A_340, %parallel_loop3A_357 : vector<16xi32>
      tpu.vector_store_idx %arg7[%parallel_loop3A_358], %parallel_loop3A_355 {add = true} : memref<8704xf32, #tpu.memory_space<vmem>>[vector<16xi32>], vector<16xf32>,
      %parallel_loop3A_359 = arith.constant 1 : i32
      %parallel_loop3A_360 = arith.constant 2 : i32
      %parallel_loop3A_361 = arith.index_cast %parallel_loop3A_359 : i32 to index
      %parallel_loop3A_362 = arith.index_cast %parallel_loop3A_360 : i32 to index
      %parallel_loop3A_363 = arith.index_cast %parallel_loop3A_330 : i32 to index
      %parallel_loop3A_364 = tpu.vector_load %arg6[%parallel_loop3A_361, %parallel_loop3A_362, %parallel_loop3A_363] {strides = array<i32>} : memref<2x4x8192xf32, #tpu.memory_space<vmem>>, vector<16xf32>,
      %parallel_loop3A_365 = arith.constant 384 : i32
      %parallel_loop3A_366 = vector.broadcast %parallel_loop3A_365 : i32 to vector<16xi32>
      %parallel_loop3A_367 = arith.addi %parallel_loop3A_340, %parallel_loop3A_366 : vector<16xi32>
      tpu.vector_store_idx %arg7[%parallel_loop3A_367], %parallel_loop3A_364 {add = true} : memref<8704xf32, #tpu.memory_space<vmem>>[vector<16xi32>], vector<16xf32>,
      %parallel_loop3A_368 = arith.constant 1 : i32
      %parallel_loop3A_369 = arith.constant 3 : i32
      %parallel_loop3A_370 = arith.index_cast %parallel_loop3A_368 : i32 to index
      %parallel_loop3A_371 = arith.index_cast %parallel_loop3A_369 : i32 to index
      %parallel_loop3A_372 = arith.index_cast %parallel_loop3A_330 : i32 to index
      %parallel_loop3A_373 = tpu.vector_load %arg6[%parallel_loop3A_370, %parallel_loop3A_371, %parallel_loop3A_372] {strides = array<i32>} : memref<2x4x8192xf32, #tpu.memory_space<vmem>>, vector<16xf32>,
      %parallel_loop3A_374 = arith.constant 448 : i32
      %parallel_loop3A_375 = vector.broadcast %parallel_loop3A_374 : i32 to vector<16xi32>
      %parallel_loop3A_376 = arith.addi %parallel_loop3A_340, %parallel_loop3A_375 : vector<16xi32>
      tpu.vector_store_idx %arg7[%parallel_loop3A_376], %parallel_loop3A_373 {add = true} : memref<8704xf32, #tpu.memory_space<vmem>>[vector<16xi32>], vector<16xf32>,
    } {sc.loop_unroll_factor = 4 : i64, sc.parallel_access}
    %dma_start3A_274 = arith.constant 1 : i32
    %dma_start3A_275 = arith.constant 1 : i32
    %dma_start3A_276 = arith.constant 0 : i32
    %dma_start3A_277 = arith.constant 0 : i32
    %dma_start3A_278 = tpu.memref_slice %arg6[%dma_start3A_275, %dma_start3A_276, %dma_start3A_277] : memref<2x4x8192xf32, #tpu.memory_space<vmem>> -> memref<1x4x8192xf32, #tpu.memory_space<vmem>>
    %dma_start3A_279 = tpu.memref_squeeze %dma_start3A_278 : memref<1x4x8192xf32, #tpu.memory_space<vmem>> -> memref<4x8192xf32, #tpu.memory_space<vmem>>
    %dma_start3A_280 = arith.constant 28 : i32
    %dma_start3A_281 = tpu.memref_slice %arg2[%dma_start3A_274, %dma_start3A_280, %mul3A_2] : memref<2x32x262144xf32, #tpu.memory_space<hbm>> -> memref<1x4x8192xf32, #tpu.memory_space<hbm>>
    %dma_start3A_282 = tpu.memref_squeeze %dma_start3A_281 : memref<1x4x8192xf32, #tpu.memory_space<hbm>> -> memref<4x8192xf32, #tpu.memory_space<hbm>>
    %dma_start3A_283 = arith.constant 0 : i32
    %dma_start3A_284 = arith.constant 0 : i32
    %dma_start3A_285 = tpu.memref_slice %arg6[%dma_start3A_275, %dma_start3A_283, %dma_start3A_284] : memref<2x4x8192xf32, #tpu.memory_space<vmem>> -> memref<1x4x8192xf32, #tpu.memory_space<vmem>>
    %dma_start3A_286 = tpu.memref_squeeze %dma_start3A_285 : memref<1x4x8192xf32, #tpu.memory_space<vmem>> -> memref<4x8192xf32, #tpu.memory_space<vmem>>
    %dma_start3A_287 = arith.constant 28 : i32
    %dma_start3A_288 = tpu.memref_slice %arg2[%dma_start3A_274, %dma_start3A_287, %mul3A_2] : memref<2x32x262144xf32, #tpu.memory_space<hbm>> -> memref<1x4x8192xf32, #tpu.memory_space<hbm>>
    %dma_start3A_289 = tpu.memref_squeeze %dma_start3A_288 : memref<1x4x8192xf32, #tpu.memory_space<hbm>> -> memref<4x8192xf32, #tpu.memory_space<hbm>>
    tpu.enqueue_dma source(%dma_start3A_289 : memref<4x8192xf32, #tpu.memory_space<hbm>>) target(%dma_start3A_286 : memref<4x8192xf32, #tpu.memory_space<vmem>>) target_semaphore(%arg9 : memref<!tpu.dma_semaphore, #tpu.memory_space<semaphore_mem>>)
    %dma_wait3A_290 = arith.constant 1 : i32
    %dma_wait3A_291 = arith.constant 0 : i32
    %dma_wait3A_292 = arith.constant 0 : i32
    %dma_wait3A_293 = arith.constant 0 : i32
    %dma_wait3A_294 = tpu.memref_slice %arg6[%dma_wait3A_291, %dma_wait3A_292, %dma_wait3A_293] : memref<2x4x8192xf32, #tpu.memory_space<vmem>> -> memref<1x4x8192xf32, #tpu.memory_space<vmem>>
    %dma_wait3A_295 = tpu.memref_squeeze %dma_wait3A_294 : memref<1x4x8192xf32, #tpu.memory_space<vmem>> -> memref<4x8192xf32, #tpu.memory_space<vmem>>
    %dma_wait3A_296 = arith.constant 24 : i32
    %dma_wait3A_297 = tpu.memref_slice %arg2[%dma_wait3A_290, %dma_wait3A_296, %mul3A_2] : memref<2x32x262144xf32, #tpu.memory_space<hbm>> -> memref<1x4x8192xf32, #tpu.memory_space<hbm>>
    %dma_wait3A_298 = tpu.memref_squeeze %dma_wait3A_297 : memref<1x4x8192xf32, #tpu.memory_space<hbm>> -> memref<4x8192xf32, #tpu.memory_space<hbm>>
    %dma_wait3A_299 = arith.constant 0 : i32
    %dma_wait3A_300 = arith.constant 0 : i32
    %dma_wait3A_301 = tpu.memref_slice %arg6[%dma_wait3A_291, %dma_wait3A_299, %dma_wait3A_300] : memref<2x4x8192xf32, #tpu.memory_space<vmem>> -> memref<1x4x8192xf32, #tpu.memory_space<vmem>>
    %dma_wait3A_302 = tpu.memref_squeeze %dma_wait3A_301 : memref<1x4x8192xf32, #tpu.memory_space<vmem>> -> memref<4x8192xf32, #tpu.memory_space<vmem>>
    %dma_wait3A_303 = arith.constant 24 : i32
    %dma_wait3A_304 = tpu.memref_slice %arg2[%dma_wait3A_290, %dma_wait3A_303, %mul3A_2] : memref<2x32x262144xf32, #tpu.memory_space<hbm>> -> memref<1x4x8192xf32, #tpu.memory_space<hbm>>
    %dma_wait3A_305 = tpu.memref_squeeze %dma_wait3A_304 : memref<1x4x8192xf32, #tpu.memory_space<hbm>> -> memref<4x8192xf32, #tpu.memory_space<hbm>>
    tpu.wait_dma2 semaphore(%arg8 : memref<!tpu.dma_semaphore, #tpu.memory_space<semaphore_mem>>) src(%dma_wait3A_305 : memref<4x8192xf32, #tpu.memory_space<hbm>>) dst(%dma_wait3A_302 : memref<4x8192xf32, #tpu.memory_space<vmem>>)
    %parallel_loop3A_306 = arith.constant 0 : i32
    %parallel_loop3A_307 = arith.constant 512 : i32
    %parallel_loop3A_308 = arith.constant 1 : i32
    scf.for %parallel_loop3A_328 = %parallel_loop3A_306 to %parallel_loop3A_307 step %parallel_loop3A_308  : i32 {
      %parallel_loop3A_329 = arith.constant 16 : i32
      %parallel_loop3A_330 = arith.muli %parallel_loop3A_328, %parallel_loop3A_329 : i32
      %parallel_loop3A_331 = arith.constant 8192 : i32
      %parallel_loop3A_332 = arith.addi %parallel_loop3A_331, %parallel_loop3A_330 : i32
      %parallel_loop3A_333 = arith.index_cast %parallel_loop3A_332 : i32 to index
      %parallel_loop3A_334 = tpu.vector_load %arg5[%parallel_loop3A_333] {strides = array<i32>} : memref<16384xi32, #tpu.memory_space<vmem>>, vector<16xi32>,
      %parallel_loop3A_335 = arith.constant 3 : i32
      %parallel_loop3A_336 = arith.andi %parallel_loop3A_328, %parallel_loop3A_335 : i32
      %parallel_loop3A_337 = arith.constant 2176 : i32
      %parallel_loop3A_338 = arith.muli %parallel_loop3A_336, %parallel_loop3A_337 : i32
      %parallel_loop3A_339 = vector.broadcast %parallel_loop3A_338 : i32 to vector<16xi32>
      %parallel_loop3A_340 = arith.addi %parallel_loop3A_334, %parallel_loop3A_339 : vector<16xi32>
      %parallel_loop3A_341 = arith.constant 0 : i32
      %parallel_loop3A_342 = arith.constant 0 : i32
      %parallel_loop3A_343 = arith.index_cast %parallel_loop3A_341 : i32 to index
      %parallel_loop3A_344 = arith.index_cast %parallel_loop3A_342 : i32 to index
      %parallel_loop3A_345 = arith.index_cast %parallel_loop3A_330 : i32 to index
      %parallel_loop3A_346 = tpu.vector_load %arg6[%parallel_loop3A_343, %parallel_loop3A_344, %parallel_loop3A_345] {strides = array<i32>} : memref<2x4x8192xf32, #tpu.memory_space<vmem>>, vector<16xf32>,
      %parallel_loop3A_347 = arith.constant 512 : i32
      %parallel_loop3A_348 = vector.broadcast %parallel_loop3A_347 : i32 to vector<16xi32>
      %parallel_loop3A_349 = arith.addi %parallel_loop3A_340, %parallel_loop3A_348 : vector<16xi32>
      tpu.vector_store_idx %arg7[%parallel_loop3A_349], %parallel_loop3A_346 {add = true} : memref<8704xf32, #tpu.memory_space<vmem>>[vector<16xi32>], vector<16xf32>,
      %parallel_loop3A_350 = arith.constant 0 : i32
      %parallel_loop3A_351 = arith.constant 1 : i32
      %parallel_loop3A_352 = arith.index_cast %parallel_loop3A_350 : i32 to index
      %parallel_loop3A_353 = arith.index_cast %parallel_loop3A_351 : i32 to index
      %parallel_loop3A_354 = arith.index_cast %parallel_loop3A_330 : i32 to index
      %parallel_loop3A_355 = tpu.vector_load %arg6[%parallel_loop3A_352, %parallel_loop3A_353, %parallel_loop3A_354] {strides = array<i32>} : memref<2x4x8192xf32, #tpu.memory_space<vmem>>, vector<16xf32>,
      %parallel_loop3A_356 = arith.constant 576 : i32
      %parallel_loop3A_357 = vector.broadcast %parallel_loop3A_356 : i32 to vector<16xi32>
      %parallel_loop3A_358 = arith.addi %parallel_loop3A_340, %parallel_loop3A_357 : vector<16xi32>
      tpu.vector_store_idx %arg7[%parallel_loop3A_358], %parallel_loop3A_355 {add = true} : memref<8704xf32, #tpu.memory_space<vmem>>[vector<16xi32>], vector<16xf32>,
      %parallel_loop3A_359 = arith.constant 0 : i32
      %parallel_loop3A_360 = arith.constant 2 : i32
      %parallel_loop3A_361 = arith.index_cast %parallel_loop3A_359 : i32 to index
      %parallel_loop3A_362 = arith.index_cast %parallel_loop3A_360 : i32 to index
      %parallel_loop3A_363 = arith.index_cast %parallel_loop3A_330 : i32 to index
      %parallel_loop3A_364 = tpu.vector_load %arg6[%parallel_loop3A_361, %parallel_loop3A_362, %parallel_loop3A_363] {strides = array<i32>} : memref<2x4x8192xf32, #tpu.memory_space<vmem>>, vector<16xf32>,
      %parallel_loop3A_365 = arith.constant 640 : i32
      %parallel_loop3A_366 = vector.broadcast %parallel_loop3A_365 : i32 to vector<16xi32>
      %parallel_loop3A_367 = arith.addi %parallel_loop3A_340, %parallel_loop3A_366 : vector<16xi32>
      tpu.vector_store_idx %arg7[%parallel_loop3A_367], %parallel_loop3A_364 {add = true} : memref<8704xf32, #tpu.memory_space<vmem>>[vector<16xi32>], vector<16xf32>,
      %parallel_loop3A_368 = arith.constant 0 : i32
      %parallel_loop3A_369 = arith.constant 3 : i32
      %parallel_loop3A_370 = arith.index_cast %parallel_loop3A_368 : i32 to index
      %parallel_loop3A_371 = arith.index_cast %parallel_loop3A_369 : i32 to index
      %parallel_loop3A_372 = arith.index_cast %parallel_loop3A_330 : i32 to index
      %parallel_loop3A_373 = tpu.vector_load %arg6[%parallel_loop3A_370, %parallel_loop3A_371, %parallel_loop3A_372] {strides = array<i32>} : memref<2x4x8192xf32, #tpu.memory_space<vmem>>, vector<16xf32>,
      %parallel_loop3A_374 = arith.constant 704 : i32
      %parallel_loop3A_375 = vector.broadcast %parallel_loop3A_374 : i32 to vector<16xi32>
      %parallel_loop3A_376 = arith.addi %parallel_loop3A_340, %parallel_loop3A_375 : vector<16xi32>
      tpu.vector_store_idx %arg7[%parallel_loop3A_376], %parallel_loop3A_373 {add = true} : memref<8704xf32, #tpu.memory_space<vmem>>[vector<16xi32>], vector<16xf32>,
    } {sc.loop_unroll_factor = 4 : i64, sc.parallel_access}
    %dma_wait3A_309 = arith.constant 1 : i32
    %dma_wait3A_310 = arith.constant 1 : i32
    %dma_wait3A_311 = arith.constant 0 : i32
    %dma_wait3A_312 = arith.constant 0 : i32
    %dma_wait3A_313 = tpu.memref_slice %arg6[%dma_wait3A_310, %dma_wait3A_311, %dma_wait3A_312] : memref<2x4x8192xf32, #tpu.memory_space<vmem>> -> memref<1x4x8192xf32, #tpu.memory_space<vmem>>
    %dma_wait3A_314 = tpu.memref_squeeze %dma_wait3A_313 : memref<1x4x8192xf32, #tpu.memory_space<vmem>> -> memref<4x8192xf32, #tpu.memory_space<vmem>>
    %dma_wait3A_315 = arith.constant 28 : i32
    %dma_wait3A_316 = tpu.memref_slice %arg2[%dma_wait3A_309, %dma_wait3A_315, %mul3A_2] : memref<2x32x262144xf32, #tpu.memory_space<hbm>> -> memref<1x4x8192xf32, #tpu.memory_space<hbm>>
    %dma_wait3A_317 = tpu.memref_squeeze %dma_wait3A_316 : memref<1x4x8192xf32, #tpu.memory_space<hbm>> -> memref<4x8192xf32, #tpu.memory_space<hbm>>
    %dma_wait3A_318 = arith.constant 0 : i32
    %dma_wait3A_319 = arith.constant 0 : i32
    %dma_wait3A_320 = tpu.memref_slice %arg6[%dma_wait3A_310, %dma_wait3A_318, %dma_wait3A_319] : memref<2x4x8192xf32, #tpu.memory_space<vmem>> -> memref<1x4x8192xf32, #tpu.memory_space<vmem>>
    %dma_wait3A_321 = tpu.memref_squeeze %dma_wait3A_320 : memref<1x4x8192xf32, #tpu.memory_space<vmem>> -> memref<4x8192xf32, #tpu.memory_space<vmem>>
    %dma_wait3A_322 = arith.constant 28 : i32
    %dma_wait3A_323 = tpu.memref_slice %arg2[%dma_wait3A_309, %dma_wait3A_322, %mul3A_2] : memref<2x32x262144xf32, #tpu.memory_space<hbm>> -> memref<1x4x8192xf32, #tpu.memory_space<hbm>>
    %dma_wait3A_324 = tpu.memref_squeeze %dma_wait3A_323 : memref<1x4x8192xf32, #tpu.memory_space<hbm>> -> memref<4x8192xf32, #tpu.memory_space<hbm>>
    tpu.wait_dma2 semaphore(%arg9 : memref<!tpu.dma_semaphore, #tpu.memory_space<semaphore_mem>>) src(%dma_wait3A_324 : memref<4x8192xf32, #tpu.memory_space<hbm>>) dst(%dma_wait3A_321 : memref<4x8192xf32, #tpu.memory_space<vmem>>)
    %parallel_loop3A_325 = arith.constant 0 : i32
    %parallel_loop3A_326 = arith.constant 512 : i32
    %parallel_loop3A_327 = arith.constant 1 : i32
    scf.for %parallel_loop3A_328 = %parallel_loop3A_325 to %parallel_loop3A_326 step %parallel_loop3A_327  : i32 {
      %parallel_loop3A_329 = arith.constant 16 : i32
      %parallel_loop3A_330 = arith.muli %parallel_loop3A_328, %parallel_loop3A_329 : i32
      %parallel_loop3A_331 = arith.constant 8192 : i32
      %parallel_loop3A_332 = arith.addi %parallel_loop3A_331, %parallel_loop3A_330 : i32
      %parallel_loop3A_333 = arith.index_cast %parallel_loop3A_332 : i32 to index
      %parallel_loop3A_334 = tpu.vector_load %arg5[%parallel_loop3A_333] {strides = array<i32>} : memref<16384xi32, #tpu.memory_space<vmem>>, vector<16xi32>,
      %parallel_loop3A_335 = arith.constant 3 : i32
      %parallel_loop3A_336 = arith.andi %parallel_loop3A_328, %parallel_loop3A_335 : i32
      %parallel_loop3A_337 = arith.constant 2176 : i32
      %parallel_loop3A_338 = arith.muli %parallel_loop3A_336, %parallel_loop3A_337 : i32
      %parallel_loop3A_339 = vector.broadcast %parallel_loop3A_338 : i32 to vector<16xi32>
      %parallel_loop3A_340 = arith.addi %parallel_loop3A_334, %parallel_loop3A_339 : vector<16xi32>
      %parallel_loop3A_341 = arith.constant 1 : i32
      %parallel_loop3A_342 = arith.constant 0 : i32
      %parallel_loop3A_343 = arith.index_cast %parallel_loop3A_341 : i32 to index
      %parallel_loop3A_344 = arith.index_cast %parallel_loop3A_342 : i32 to index
      %parallel_loop3A_345 = arith.index_cast %parallel_loop3A_330 : i32 to index
      %parallel_loop3A_346 = tpu.vector_load %arg6[%parallel_loop3A_343, %parallel_loop3A_344, %parallel_loop3A_345] {strides = array<i32>} : memref<2x4x8192xf32, #tpu.memory_space<vmem>>, vector<16xf32>,
      %parallel_loop3A_347 = arith.constant 768 : i32
      %parallel_loop3A_348 = vector.broadcast %parallel_loop3A_347 : i32 to vector<16xi32>
      %parallel_loop3A_349 = arith.addi %parallel_loop3A_340, %parallel_loop3A_348 : vector<16xi32>
      tpu.vector_store_idx %arg7[%parallel_loop3A_349], %parallel_loop3A_346 {add = true} : memref<8704xf32, #tpu.memory_space<vmem>>[vector<16xi32>], vector<16xf32>,
      %parallel_loop3A_350 = arith.constant 1 : i32
      %parallel_loop3A_351 = arith.constant 1 : i32
      %parallel_loop3A_352 = arith.index_cast %parallel_loop3A_350 : i32 to index
      %parallel_loop3A_353 = arith.index_cast %parallel_loop3A_351 : i32 to index
      %parallel_loop3A_354 = arith.index_cast %parallel_loop3A_330 : i32 to index
      %parallel_loop3A_355 = tpu.vector_load %arg6[%parallel_loop3A_352, %parallel_loop3A_353, %parallel_loop3A_354] {strides = array<i32>} : memref<2x4x8192xf32, #tpu.memory_space<vmem>>, vector<16xf32>,
      %parallel_loop3A_356 = arith.constant 832 : i32
      %parallel_loop3A_357 = vector.broadcast %parallel_loop3A_356 : i32 to vector<16xi32>
      %parallel_loop3A_358 = arith.addi %parallel_loop3A_340, %parallel_loop3A_357 : vector<16xi32>
      tpu.vector_store_idx %arg7[%parallel_loop3A_358], %parallel_loop3A_355 {add = true} : memref<8704xf32, #tpu.memory_space<vmem>>[vector<16xi32>], vector<16xf32>,
      %parallel_loop3A_359 = arith.constant 1 : i32
      %parallel_loop3A_360 = arith.constant 2 : i32
      %parallel_loop3A_361 = arith.index_cast %parallel_loop3A_359 : i32 to index
      %parallel_loop3A_362 = arith.index_cast %parallel_loop3A_360 : i32 to index
      %parallel_loop3A_363 = arith.index_cast %parallel_loop3A_330 : i32 to index
      %parallel_loop3A_364 = tpu.vector_load %arg6[%parallel_loop3A_361, %parallel_loop3A_362, %parallel_loop3A_363] {strides = array<i32>} : memref<2x4x8192xf32, #tpu.memory_space<vmem>>, vector<16xf32>,
      %parallel_loop3A_365 = arith.constant 896 : i32
      %parallel_loop3A_366 = vector.broadcast %parallel_loop3A_365 : i32 to vector<16xi32>
      %parallel_loop3A_367 = arith.addi %parallel_loop3A_340, %parallel_loop3A_366 : vector<16xi32>
      tpu.vector_store_idx %arg7[%parallel_loop3A_367], %parallel_loop3A_364 {add = true} : memref<8704xf32, #tpu.memory_space<vmem>>[vector<16xi32>], vector<16xf32>,
      %parallel_loop3A_368 = arith.constant 1 : i32
      %parallel_loop3A_369 = arith.constant 3 : i32
      %parallel_loop3A_370 = arith.index_cast %parallel_loop3A_368 : i32 to index
      %parallel_loop3A_371 = arith.index_cast %parallel_loop3A_369 : i32 to index
      %parallel_loop3A_372 = arith.index_cast %parallel_loop3A_330 : i32 to index
      %parallel_loop3A_373 = tpu.vector_load %arg6[%parallel_loop3A_370, %parallel_loop3A_371, %parallel_loop3A_372] {strides = array<i32>} : memref<2x4x8192xf32, #tpu.memory_space<vmem>>, vector<16xf32>,
      %parallel_loop3A_374 = arith.constant 960 : i32
      %parallel_loop3A_375 = vector.broadcast %parallel_loop3A_374 : i32 to vector<16xi32>
      %parallel_loop3A_376 = arith.addi %parallel_loop3A_340, %parallel_loop3A_375 : vector<16xi32>
      tpu.vector_store_idx %arg7[%parallel_loop3A_376], %parallel_loop3A_373 {add = true} : memref<8704xf32, #tpu.memory_space<vmem>>[vector<16xi32>], vector<16xf32>,
    } {sc.loop_unroll_factor = 4 : i64, sc.parallel_access}
    "tpu.region"() ({
      %run_scoped3A = tpu.sem_alloc : memref<!tpu.dma_semaphore, #tpu.memory_space<semaphore_mem>>
      %dma_start3A_328 = arith.constant 0 : i32
      %dma_start3A_329 = tpu.memref_slice %arg4[%add3A, %dma_start3A_328] : memref<32x8704xf32, #tpu.memory_space<hbm>> -> memref<1x8704xf32, #tpu.memory_space<hbm>>
      %dma_start3A_330 = tpu.memref_squeeze %dma_start3A_329 : memref<1x8704xf32, #tpu.memory_space<hbm>> -> memref<8704xf32, #tpu.memory_space<hbm>>
      %dma_start3A_331 = arith.constant 0 : i32
      %dma_start3A_332 = tpu.memref_slice %arg4[%add3A, %dma_start3A_331] : memref<32x8704xf32, #tpu.memory_space<hbm>> -> memref<1x8704xf32, #tpu.memory_space<hbm>>
      %dma_start3A_333 = tpu.memref_squeeze %dma_start3A_332 : memref<1x8704xf32, #tpu.memory_space<hbm>> -> memref<8704xf32, #tpu.memory_space<hbm>>
      tpu.enqueue_dma source(%arg7 : memref<8704xf32, #tpu.memory_space<vmem>>) target(%dma_start3A_333 : memref<8704xf32, #tpu.memory_space<hbm>>) target_semaphore(%run_scoped3A : memref<!tpu.dma_semaphore, #tpu.memory_space<semaphore_mem>>)
      %dma_wait3A_334 = arith.constant 0 : i32
      %dma_wait3A_335 = tpu.memref_slice %arg4[%add3A, %dma_wait3A_334] : memref<32x8704xf32, #tpu.memory_space<hbm>> -> memref<1x8704xf32, #tpu.memory_space<hbm>>
      %dma_wait3A_336 = tpu.memref_squeeze %dma_wait3A_335 : memref<1x8704xf32, #tpu.memory_space<hbm>> -> memref<8704xf32, #tpu.memory_space<hbm>>
      %dma_wait3A_337 = arith.constant 0 : i32
      %dma_wait3A_338 = tpu.memref_slice %arg4[%add3A, %dma_wait3A_337] : memref<32x8704xf32, #tpu.memory_space<hbm>> -> memref<1x8704xf32, #tpu.memory_space<hbm>>
      %dma_wait3A_339 = tpu.memref_squeeze %dma_wait3A_338 : memref<1x8704xf32, #tpu.memory_space<hbm>> -> memref<8704xf32, #tpu.memory_space<hbm>>
      tpu.wait_dma2 semaphore(%run_scoped3A : memref<!tpu.dma_semaphore, #tpu.memory_space<semaphore_mem>>) src(%arg7 : memref<8704xf32, #tpu.memory_space<vmem>>) dst(%dma_wait3A_339 : memref<8704xf32, #tpu.memory_space<hbm>>)
      tpu.yield
    }) : () -> ()
    return
  }
}

module attributes {stable_mosaic.version = 14 : i64} {
  func.func @_tc_body(%arg0: i32, %arg1: i32, %arg2: memref<1x16x32768xf32, #tpu.memory_space<vmem>>, %arg3: memref<1x1x32768xi32, #tpu.memory_space<vmem>>, %arg4: memref<2x16x4xf32, #tpu.memory_space<vmem>>) attributes {dimension_semantics = [#tpu.dimension_semantics<arbitrary>, #tpu.dimension_semantics<arbitrary>], iteration_bounds = array<i64: 2, 8>, scalar_prefetch = 0 : i64, scratch_operands = 0 : i64, tpu.core_type = #tpu.core_type<tc>, window_params = [{transform_indices = @transform_0, window_bounds = array<i64: 1, 16, 32768>}, {transform_indices = @transform_1, window_bounds = array<i64: 1, 1, 32768>}, {pipeline_mode = #tpu.pipeline_mode<synchronous>, transform_indices = @transform_2, window_bounds = array<i64: 2, 16, 4>}]} {
    %eq3A = arith.constant 0 : i32
    %eq3A_0 = arith.cmpi eq, %arg0, %eq3A : i32
    %eq3A_1 = arith.constant 0 : i32
    %eq3A_2 = arith.cmpi eq, %arg1, %eq3A_1 : i32
    %and3A = arith.andi %eq3A_0, %eq3A_2 : i1
    %convert_element_type3A = arith.extui %and3A : i1 to i32
    %cond3A = arith.constant 0 : i32
    %cond3A_3 = arith.cmpi ne, %convert_element_type3A, %cond3A : i32
    scf.if %cond3A_3 {
      %broadcast_in_dim3A_93 = arith.constant 0.000000e+00 : f32
      %broadcast_in_dim3A_94 = vector.broadcast %broadcast_in_dim3A_93 : f32 to vector<2x16x4xf32>
      %swap3A_95 = arith.constant 0 : index
      %swap3A_96 = arith.constant 0 : index
      %swap3A_97 = arith.constant 0 : index
      %swap3A_98 = vector.load %arg4[%swap3A_95, %swap3A_96, %swap3A_97] : memref<2x16x4xf32, #tpu.memory_space<vmem>>, vector<2x16x4xf32>
      tpu.vector_store %arg4[%swap3A_95, %swap3A_96, %swap3A_97], %broadcast_in_dim3A_94 {strides = array<i32>} : memref<2x16x4xf32, #tpu.memory_space<vmem>>, vector<2x16x4xf32>,
    } else {
    }
    %get3A = arith.constant 0 : index
    %get3A_4 = arith.constant 0 : index
    %get3A_5 = arith.constant 0 : index
    %get3A_6 = vector.load %arg2[%get3A, %get3A_4, %get3A_5] : memref<1x16x32768xf32, #tpu.memory_space<vmem>>, vector<1x16x32768xf32>
    %get3A_7 = vector.shape_cast %get3A_6 : vector<1x16x32768xf32> to vector<16x32768xf32>
    %get3A_8 = arith.constant 0 : index
    %get3A_9 = arith.constant 0 : index
    %get3A_10 = arith.constant 0 : index
    %get3A_11 = vector.load %arg3[%get3A_8, %get3A_9, %get3A_10] : memref<1x1x32768xi32, #tpu.memory_space<vmem>>, vector<1x1x32768xi32>
    %get3A_12 = vector.shape_cast %get3A_11 : vector<1x1x32768xi32> to vector<1x32768xi32>
    %reduce_sum3A = arith.constant dense<0.000000e+00> : vector<16xf32>
    %reduce_sum3A_13 = vector.multi_reduction <add>, %get3A_7, %reduce_sum3A [1] : vector<16x32768xf32> to vector<16xf32>
    %broadcast_in_dim3A = vector.shape_cast %reduce_sum3A_13 : vector<16xf32> to vector<16x1xf32>
    %broadcast_in_dim3A_14 = arith.constant 0.000000e+00 : f32
    %broadcast_in_dim3A_15 = vector.broadcast %broadcast_in_dim3A_14 : f32 to vector<16x32768xf32>
    %broadcast_in_dim3A_16 = arith.constant 0.000000e+00 : f32
    %broadcast_in_dim3A_17 = vector.broadcast %broadcast_in_dim3A_16 : f32 to vector<16x1xf32>
    %eq3A_18 = arith.constant 1 : i32
    %eq3A_19 = vector.broadcast %eq3A_18 : i32 to vector<1x32768xi32>
    %eq3A_20 = arith.cmpi eq, %get3A_12, %eq3A_19 : vector<1x32768xi32>
    %broadcast_in_dim3A_21 = vector.shape_cast %eq3A_20 : vector<1x32768xi1> to vector<1x32768xi1>
    %broadcast_in_dim3A_22 = vector.broadcast %broadcast_in_dim3A_21 : vector<1x32768xi1> to vector<16x32768xi1>
    %select_n3A = arith.select %broadcast_in_dim3A_22, %get3A_7, %broadcast_in_dim3A_15 : vector<16x32768xi1>, vector<16x32768xf32>
    %reduce_sum3A_23 = arith.constant dense<0.000000e+00> : vector<16xf32>
    %reduce_sum3A_24 = vector.multi_reduction <add>, %select_n3A, %reduce_sum3A_23 [1] : vector<16x32768xf32> to vector<16xf32>
    %broadcast_in_dim3A_25 = vector.shape_cast %reduce_sum3A_24 : vector<16xf32> to vector<16x1xf32>
    %get3A_26 = arith.index_cast %arg0 : i32 to index
    %get3A_27 = arith.constant 0 : index
    %get3A_28 = arith.constant 1 : index
    %get3A_29 = vector.load %arg4[%get3A_26, %get3A_27, %get3A_28] : memref<2x16x4xf32, #tpu.memory_space<vmem>>, vector<1x16x1xf32>
    %get3A_30 = vector.shape_cast %get3A_29 : vector<1x16x1xf32> to vector<16x1xf32>
    %add3A = arith.addf %get3A_30, %broadcast_in_dim3A_25 : vector<16x1xf32>
    %swap3A = arith.index_cast %arg0 : i32 to index
    %swap3A_31 = arith.constant 0 : index
    %swap3A_32 = arith.constant 1 : index
    %swap3A_33 = vector.load %arg4[%swap3A, %swap3A_31, %swap3A_32] : memref<2x16x4xf32, #tpu.memory_space<vmem>>, vector<1x16x1xf32>
    %swap3A_34 = vector.shape_cast %swap3A_33 : vector<1x16x1xf32> to vector<16x1xf32>
    %swap3A_35 = vector.shape_cast %add3A : vector<16x1xf32> to vector<1x16x1xf32>
    tpu.vector_store %arg4[%swap3A, %swap3A_31, %swap3A_32], %swap3A_35 {strides = array<i32>} : memref<2x16x4xf32, #tpu.memory_space<vmem>>, vector<1x16x1xf32>,
    %add3A_36 = arith.addf %broadcast_in_dim3A_17, %broadcast_in_dim3A_25 : vector<16x1xf32>
    %eq3A_37 = arith.constant 2 : i32
    %eq3A_38 = vector.broadcast %eq3A_37 : i32 to vector<1x32768xi32>
    %eq3A_39 = arith.cmpi eq, %get3A_12, %eq3A_38 : vector<1x32768xi32>
    %broadcast_in_dim3A_40 = vector.shape_cast %eq3A_39 : vector<1x32768xi1> to vector<1x32768xi1>
    %broadcast_in_dim3A_41 = vector.broadcast %broadcast_in_dim3A_40 : vector<1x32768xi1> to vector<16x32768xi1>
    %select_n3A_42 = arith.select %broadcast_in_dim3A_41, %get3A_7, %broadcast_in_dim3A_15 : vector<16x32768xi1>, vector<16x32768xf32>
    %reduce_sum3A_43 = arith.constant dense<0.000000e+00> : vector<16xf32>
    %reduce_sum3A_44 = vector.multi_reduction <add>, %select_n3A_42, %reduce_sum3A_43 [1] : vector<16x32768xf32> to vector<16xf32>
    %broadcast_in_dim3A_45 = vector.shape_cast %reduce_sum3A_44 : vector<16xf32> to vector<16x1xf32>
    %get3A_46 = arith.index_cast %arg0 : i32 to index
    %get3A_47 = arith.constant 0 : index
    %get3A_48 = arith.constant 2 : index
    %get3A_49 = vector.load %arg4[%get3A_46, %get3A_47, %get3A_48] : memref<2x16x4xf32, #tpu.memory_space<vmem>>, vector<1x16x1xf32>
    %get3A_50 = vector.shape_cast %get3A_49 : vector<1x16x1xf32> to vector<16x1xf32>
    %add3A_51 = arith.addf %get3A_50, %broadcast_in_dim3A_45 : vector<16x1xf32>
    %swap3A_52 = arith.index_cast %arg0 : i32 to index
    %swap3A_53 = arith.constant 0 : index
    %swap3A_54 = arith.constant 2 : index
    %swap3A_55 = vector.load %arg4[%swap3A_52, %swap3A_53, %swap3A_54] : memref<2x16x4xf32, #tpu.memory_space<vmem>>, vector<1x16x1xf32>
    %swap3A_56 = vector.shape_cast %swap3A_55 : vector<1x16x1xf32> to vector<16x1xf32>
    %swap3A_57 = vector.shape_cast %add3A_51 : vector<16x1xf32> to vector<1x16x1xf32>
    tpu.vector_store %arg4[%swap3A_52, %swap3A_53, %swap3A_54], %swap3A_57 {strides = array<i32>} : memref<2x16x4xf32, #tpu.memory_space<vmem>>, vector<1x16x1xf32>,
    %add3A_58 = arith.addf %add3A_36, %broadcast_in_dim3A_45 : vector<16x1xf32>
    %eq3A_59 = arith.constant 3 : i32
    %eq3A_60 = vector.broadcast %eq3A_59 : i32 to vector<1x32768xi32>
    %eq3A_61 = arith.cmpi eq, %get3A_12, %eq3A_60 : vector<1x32768xi32>
    %broadcast_in_dim3A_62 = vector.shape_cast %eq3A_61 : vector<1x32768xi1> to vector<1x32768xi1>
    %broadcast_in_dim3A_63 = vector.broadcast %broadcast_in_dim3A_62 : vector<1x32768xi1> to vector<16x32768xi1>
    %select_n3A_64 = arith.select %broadcast_in_dim3A_63, %get3A_7, %broadcast_in_dim3A_15 : vector<16x32768xi1>, vector<16x32768xf32>
    %reduce_sum3A_65 = arith.constant dense<0.000000e+00> : vector<16xf32>
    %reduce_sum3A_66 = vector.multi_reduction <add>, %select_n3A_64, %reduce_sum3A_65 [1] : vector<16x32768xf32> to vector<16xf32>
    %broadcast_in_dim3A_67 = vector.shape_cast %reduce_sum3A_66 : vector<16xf32> to vector<16x1xf32>
    %get3A_68 = arith.index_cast %arg0 : i32 to index
    %get3A_69 = arith.constant 0 : index
    %get3A_70 = arith.constant 3 : index
    %get3A_71 = vector.load %arg4[%get3A_68, %get3A_69, %get3A_70] : memref<2x16x4xf32, #tpu.memory_space<vmem>>, vector<1x16x1xf32>
    %get3A_72 = vector.shape_cast %get3A_71 : vector<1x16x1xf32> to vector<16x1xf32>
    %add3A_73 = arith.addf %get3A_72, %broadcast_in_dim3A_67 : vector<16x1xf32>
    %swap3A_74 = arith.index_cast %arg0 : i32 to index
    %swap3A_75 = arith.constant 0 : index
    %swap3A_76 = arith.constant 3 : index
    %swap3A_77 = vector.load %arg4[%swap3A_74, %swap3A_75, %swap3A_76] : memref<2x16x4xf32, #tpu.memory_space<vmem>>, vector<1x16x1xf32>
    %swap3A_78 = vector.shape_cast %swap3A_77 : vector<1x16x1xf32> to vector<16x1xf32>
    %swap3A_79 = vector.shape_cast %add3A_73 : vector<16x1xf32> to vector<1x16x1xf32>
    tpu.vector_store %arg4[%swap3A_74, %swap3A_75, %swap3A_76], %swap3A_79 {strides = array<i32>} : memref<2x16x4xf32, #tpu.memory_space<vmem>>, vector<1x16x1xf32>,
    %add3A_80 = arith.addf %add3A_58, %broadcast_in_dim3A_67 : vector<16x1xf32>
    %get3A_81 = arith.index_cast %arg0 : i32 to index
    %get3A_82 = arith.constant 0 : index
    %get3A_83 = arith.constant 0 : index
    %get3A_84 = vector.load %arg4[%get3A_81, %get3A_82, %get3A_83] : memref<2x16x4xf32, #tpu.memory_space<vmem>>, vector<1x16x1xf32>
    %get3A_85 = vector.shape_cast %get3A_84 : vector<1x16x1xf32> to vector<16x1xf32>
    %sub3A = arith.subf %broadcast_in_dim3A, %add3A_80 : vector<16x1xf32>
    %add3A_86 = arith.addf %get3A_85, %sub3A : vector<16x1xf32>
    %swap3A_87 = arith.index_cast %arg0 : i32 to index
    %swap3A_88 = arith.constant 0 : index
    %swap3A_89 = arith.constant 0 : index
    %swap3A_90 = vector.load %arg4[%swap3A_87, %swap3A_88, %swap3A_89] : memref<2x16x4xf32, #tpu.memory_space<vmem>>, vector<1x16x1xf32>
    %swap3A_91 = vector.shape_cast %swap3A_90 : vector<1x16x1xf32> to vector<16x1xf32>
    %swap3A_92 = vector.shape_cast %add3A_86 : vector<16x1xf32> to vector<1x16x1xf32>
    tpu.vector_store %arg4[%swap3A_87, %swap3A_88, %swap3A_89], %swap3A_92 {strides = array<i32>} : memref<2x16x4xf32, #tpu.memory_space<vmem>>, vector<1x16x1xf32>,
    return
  }
  func.func @transform_0(%arg0: i32, %arg1: i32) -> (i32, i32, i32) {
    %c0_i32 = arith.constant 0 : i32
    %c0_i32_0 = arith.constant 0 : i32
    return %arg0, %c0_i32, %arg1 : i32, i32, i32
  }
  func.func @transform_1(%arg0: i32, %arg1: i32) -> (i32, i32, i32) {
    %c0_i32 = arith.constant 0 : i32
    %c0_i32_0 = arith.constant 0 : i32
    return %arg0, %c0_i32, %arg1 : i32, i32, i32
  }
  func.func @transform_2(%arg0: i32, %arg1: i32) -> (i32, i32, i32) {
    %c0_i32 = arith.constant 0 : i32
    %c0_i32_0 = arith.constant 0 : i32
    %c0_i32_1 = arith.constant 0 : i32
    %c0_i32_2 = arith.constant 0 : i32
    return %c0_i32, %c0_i32_0, %c0_i32_1 : i32, i32, i32
  }
}

module attributes {stable_mosaic.version = 14 : i64} {
  func.func @_fin_body(%arg0: memref<128x2x17x4x16xf32, #tpu.memory_space<vmem>>, %arg1: memref<2x16x4xf32, #tpu.memory_space<vmem>>, %arg2: memref<1x1xf32, #tpu.memory_space<vmem>>) attributes {dimension_semantics = [], scalar_prefetch = 0 : i64, scratch_operands = 0 : i64, tpu.core_type = #tpu.core_type<tc>} {
    %get3A = arith.constant 0 : index
    %get3A_0 = arith.constant 0 : index
    %get3A_1 = arith.constant 0 : index
    %get3A_2 = arith.constant 0 : index
    %get3A_3 = arith.constant 0 : index
    %get3A_4 = vector.load %arg0[%get3A, %get3A_0, %get3A_1, %get3A_2, %get3A_3] : memref<128x2x17x4x16xf32, #tpu.memory_space<vmem>>, vector<128x2x17x4x16xf32>
    %reduce_sum3A = arith.constant dense<0.000000e+00> : vector<2x17x4xf32>
    %reduce_sum3A_5 = vector.multi_reduction <add>, %get3A_4, %reduce_sum3A [0, 4] : vector<128x2x17x4x16xf32> to vector<2x17x4xf32>
    %slice3A = vector.extract_strided_slice %reduce_sum3A_5 {offsets = [0, 16, 0], sizes = [2, 1, 4], strides = [1, 1, 1]} : vector<2x17x4xf32> to vector<2x1x4xf32>
    %squeeze3A = vector.shape_cast %slice3A : vector<2x1x4xf32> to vector<2x4xf32>
    %max3A = arith.constant 1.000000e+00 : f32
    %max3A_6 = vector.broadcast %max3A : f32 to vector<2x4xf32>
    %max3A_7 = arith.maximumf %squeeze3A, %max3A_6 : vector<2x4xf32>
    %broadcast_in_dim3A = vector.shape_cast %max3A_7 : vector<2x4xf32> to vector<2x1x4xf32>
    %slice3A_8 = vector.extract_strided_slice %reduce_sum3A_5 {offsets = [0, 0, 0], sizes = [2, 16, 4], strides = [1, 1, 1]} : vector<2x17x4xf32> to vector<2x16x4xf32>
    %div3A = vector.broadcast %broadcast_in_dim3A : vector<2x1x4xf32> to vector<2x16x4xf32>
    %div3A_9 = arith.divf %slice3A_8, %div3A : vector<2x16x4xf32>
    %get3A_10 = arith.constant 0 : index
    %get3A_11 = arith.constant 0 : index
    %get3A_12 = arith.constant 0 : index
    %get3A_13 = vector.load %arg1[%get3A_10, %get3A_11, %get3A_12] : memref<2x16x4xf32, #tpu.memory_space<vmem>>, vector<2x16x4xf32>
    %div3A_14 = vector.broadcast %broadcast_in_dim3A : vector<2x1x4xf32> to vector<2x16x4xf32>
    %div3A_15 = arith.divf %get3A_13, %div3A_14 : vector<2x16x4xf32>
    %gt3A = arith.constant 0.000000e+00 : f32
    %gt3A_16 = vector.broadcast %gt3A : f32 to vector<2x4xf32>
    %gt3A_17 = arith.cmpf ogt, %squeeze3A, %gt3A_16 : vector<2x4xf32>
    %slice3A_18 = vector.extract_strided_slice %div3A_15 {offsets = [0, 0, 0], sizes = [2, 16, 1], strides = [1, 1, 1]} : vector<2x16x4xf32> to vector<2x16x1xf32>
    %squeeze3A_19 = vector.shape_cast %slice3A_18 : vector<2x16x1xf32> to vector<2x16xf32>
    %slice3A_20 = vector.extract_strided_slice %div3A_15 {offsets = [0, 0, 1], sizes = [2, 16, 1], strides = [1, 1, 1]} : vector<2x16x4xf32> to vector<2x16x1xf32>
    %squeeze3A_21 = vector.shape_cast %slice3A_20 : vector<2x16x1xf32> to vector<2x16xf32>
    %sub3A = arith.subf %squeeze3A_19, %squeeze3A_21 : vector<2x16xf32>
    %slice3A_22 = vector.extract_strided_slice %div3A_9 {offsets = [0, 0, 0], sizes = [2, 16, 1], strides = [1, 1, 1]} : vector<2x16x4xf32> to vector<2x16x1xf32>
    %squeeze3A_23 = vector.shape_cast %slice3A_22 : vector<2x16x1xf32> to vector<2x16xf32>
    %slice3A_24 = vector.extract_strided_slice %div3A_9 {offsets = [0, 0, 1], sizes = [2, 16, 1], strides = [1, 1, 1]} : vector<2x16x4xf32> to vector<2x16x1xf32>
    %squeeze3A_25 = vector.shape_cast %slice3A_24 : vector<2x16x1xf32> to vector<2x16xf32>
    %sub3A_26 = arith.subf %squeeze3A_23, %squeeze3A_25 : vector<2x16xf32>
    %mul3A = arith.mulf %sub3A, %sub3A : vector<2x16xf32>
    %reduce_sum3A_27 = arith.constant dense<0.000000e+00> : vector<2xf32>
    %reduce_sum3A_28 = vector.multi_reduction <add>, %mul3A, %reduce_sum3A_27 [1] : vector<2x16xf32> to vector<2xf32>
    %mul3A_29 = arith.mulf %sub3A_26, %sub3A_26 : vector<2x16xf32>
    %reduce_sum3A_30 = arith.constant dense<0.000000e+00> : vector<2xf32>
    %reduce_sum3A_31 = vector.multi_reduction <add>, %mul3A_29, %reduce_sum3A_30 [1] : vector<2x16xf32> to vector<2xf32>
    %add3A = arith.addf %reduce_sum3A_28, %reduce_sum3A_31 : vector<2xf32>
    %sqrt3A = math.sqrt %add3A : vector<2xf32>
    %sub3A_32 = arith.constant 1.000000e+00 : f32
    %sub3A_33 = vector.broadcast %sub3A_32 : f32 to vector<2xf32>
    %sub3A_34 = arith.subf %sub3A_33, %sqrt3A : vector<2xf32>
    %max3A_35 = arith.constant 0.000000e+00 : f32
    %max3A_36 = vector.broadcast %max3A_35 : f32 to vector<2xf32>
    %max3A_37 = arith.maximumf %sub3A_34, %max3A_36 : vector<2xf32>
    %slice3A_38 = vector.extract_strided_slice %gt3A_17 {offsets = [0, 0], sizes = [2, 1], strides = [1, 1]} : vector<2x4xi1> to vector<2x1xi1>
    %squeeze3A_39 = vector.shape_cast %slice3A_38 : vector<2x1xi1> to vector<2xi1>
    %slice3A_40 = vector.extract_strided_slice %gt3A_17 {offsets = [0, 1], sizes = [2, 1], strides = [1, 1]} : vector<2x4xi1> to vector<2x1xi1>
    %squeeze3A_41 = vector.shape_cast %slice3A_40 : vector<2x1xi1> to vector<2xi1>
    %and3A = arith.andi %squeeze3A_39, %squeeze3A_41 : vector<2xi1>
    %convert_element_type3A = arith.extui %and3A : vector<2xi1> to vector<2xi32>
    %convert_element_type3A_42 = arith.sitofp %convert_element_type3A : vector<2xi32> to vector<2xf32>
    %mul3A_43 = arith.mulf %max3A_37, %convert_element_type3A_42 : vector<2xf32>
    %reduce_sum3A_44 = vector.shape_cast %mul3A_43 : vector<2xf32> to vector<1x2xf32>
    %reduce_sum3A_45 = arith.constant dense<0.000000e+00> : vector<1xf32>
    %reduce_sum3A_46 = vector.multi_reduction <add>, %reduce_sum3A_44, %reduce_sum3A_45 [1] : vector<1x2xf32> to vector<1xf32>
    %reduce_sum3A_47 = vector.shape_cast %reduce_sum3A_46 : vector<1xf32> to vector<1x1xf32>
    %reduce_sum3A_48 = vector.extract %reduce_sum3A_47[0, 0] : f32 from vector<1x1xf32>
    %add3A_49 = arith.constant 0.000000e+00 : f32
    %add3A_50 = arith.addf %add3A_49, %reduce_sum3A_48 : f32
    %reduce_sum3A_51 = vector.shape_cast %convert_element_type3A_42 : vector<2xf32> to vector<1x2xf32>
    %reduce_sum3A_52 = arith.constant dense<0.000000e+00> : vector<1xf32>
    %reduce_sum3A_53 = vector.multi_reduction <add>, %reduce_sum3A_51, %reduce_sum3A_52 [1] : vector<1x2xf32> to vector<1xf32>
    %reduce_sum3A_54 = vector.shape_cast %reduce_sum3A_53 : vector<1xf32> to vector<1x1xf32>
    %reduce_sum3A_55 = vector.extract %reduce_sum3A_54[0, 0] : f32 from vector<1x1xf32>
    %add3A_56 = arith.constant 0.000000e+00 : f32
    %add3A_57 = arith.addf %add3A_56, %reduce_sum3A_55 : f32
    %slice3A_58 = vector.extract_strided_slice %div3A_15 {offsets = [0, 0, 0], sizes = [2, 16, 1], strides = [1, 1, 1]} : vector<2x16x4xf32> to vector<2x16x1xf32>
    %squeeze3A_59 = vector.shape_cast %slice3A_58 : vector<2x16x1xf32> to vector<2x16xf32>
    %slice3A_60 = vector.extract_strided_slice %div3A_15 {offsets = [0, 0, 2], sizes = [2, 16, 1], strides = [1, 1, 1]} : vector<2x16x4xf32> to vector<2x16x1xf32>
    %squeeze3A_61 = vector.shape_cast %slice3A_60 : vector<2x16x1xf32> to vector<2x16xf32>
    %sub3A_62 = arith.subf %squeeze3A_59, %squeeze3A_61 : vector<2x16xf32>
    %slice3A_63 = vector.extract_strided_slice %div3A_9 {offsets = [0, 0, 0], sizes = [2, 16, 1], strides = [1, 1, 1]} : vector<2x16x4xf32> to vector<2x16x1xf32>
    %squeeze3A_64 = vector.shape_cast %slice3A_63 : vector<2x16x1xf32> to vector<2x16xf32>
    %slice3A_65 = vector.extract_strided_slice %div3A_9 {offsets = [0, 0, 2], sizes = [2, 16, 1], strides = [1, 1, 1]} : vector<2x16x4xf32> to vector<2x16x1xf32>
    %squeeze3A_66 = vector.shape_cast %slice3A_65 : vector<2x16x1xf32> to vector<2x16xf32>
    %sub3A_67 = arith.subf %squeeze3A_64, %squeeze3A_66 : vector<2x16xf32>
    %mul3A_68 = arith.mulf %sub3A_62, %sub3A_62 : vector<2x16xf32>
    %reduce_sum3A_69 = arith.constant dense<0.000000e+00> : vector<2xf32>
    %reduce_sum3A_70 = vector.multi_reduction <add>, %mul3A_68, %reduce_sum3A_69 [1] : vector<2x16xf32> to vector<2xf32>
    %mul3A_71 = arith.mulf %sub3A_67, %sub3A_67 : vector<2x16xf32>
    %reduce_sum3A_72 = arith.constant dense<0.000000e+00> : vector<2xf32>
    %reduce_sum3A_73 = vector.multi_reduction <add>, %mul3A_71, %reduce_sum3A_72 [1] : vector<2x16xf32> to vector<2xf32>
    %add3A_74 = arith.addf %reduce_sum3A_70, %reduce_sum3A_73 : vector<2xf32>
    %sqrt3A_75 = math.sqrt %add3A_74 : vector<2xf32>
    %sub3A_76 = arith.constant 1.000000e+00 : f32
    %sub3A_77 = vector.broadcast %sub3A_76 : f32 to vector<2xf32>
    %sub3A_78 = arith.subf %sub3A_77, %sqrt3A_75 : vector<2xf32>
    %max3A_79 = arith.constant 0.000000e+00 : f32
    %max3A_80 = vector.broadcast %max3A_79 : f32 to vector<2xf32>
    %max3A_81 = arith.maximumf %sub3A_78, %max3A_80 : vector<2xf32>
    %slice3A_82 = vector.extract_strided_slice %gt3A_17 {offsets = [0, 0], sizes = [2, 1], strides = [1, 1]} : vector<2x4xi1> to vector<2x1xi1>
    %squeeze3A_83 = vector.shape_cast %slice3A_82 : vector<2x1xi1> to vector<2xi1>
    %slice3A_84 = vector.extract_strided_slice %gt3A_17 {offsets = [0, 2], sizes = [2, 1], strides = [1, 1]} : vector<2x4xi1> to vector<2x1xi1>
    %squeeze3A_85 = vector.shape_cast %slice3A_84 : vector<2x1xi1> to vector<2xi1>
    %and3A_86 = arith.andi %squeeze3A_83, %squeeze3A_85 : vector<2xi1>
    %convert_element_type3A_87 = arith.extui %and3A_86 : vector<2xi1> to vector<2xi32>
    %convert_element_type3A_88 = arith.sitofp %convert_element_type3A_87 : vector<2xi32> to vector<2xf32>
    %mul3A_89 = arith.mulf %max3A_81, %convert_element_type3A_88 : vector<2xf32>
    %reduce_sum3A_90 = vector.shape_cast %mul3A_89 : vector<2xf32> to vector<1x2xf32>
    %reduce_sum3A_91 = arith.constant dense<0.000000e+00> : vector<1xf32>
    %reduce_sum3A_92 = vector.multi_reduction <add>, %reduce_sum3A_90, %reduce_sum3A_91 [1] : vector<1x2xf32> to vector<1xf32>
    %reduce_sum3A_93 = vector.shape_cast %reduce_sum3A_92 : vector<1xf32> to vector<1x1xf32>
    %reduce_sum3A_94 = vector.extract %reduce_sum3A_93[0, 0] : f32 from vector<1x1xf32>
    %add3A_95 = arith.addf %add3A_50, %reduce_sum3A_94 : f32
    %reduce_sum3A_96 = vector.shape_cast %convert_element_type3A_88 : vector<2xf32> to vector<1x2xf32>
    %reduce_sum3A_97 = arith.constant dense<0.000000e+00> : vector<1xf32>
    %reduce_sum3A_98 = vector.multi_reduction <add>, %reduce_sum3A_96, %reduce_sum3A_97 [1] : vector<1x2xf32> to vector<1xf32>
    %reduce_sum3A_99 = vector.shape_cast %reduce_sum3A_98 : vector<1xf32> to vector<1x1xf32>
    %reduce_sum3A_100 = vector.extract %reduce_sum3A_99[0, 0] : f32 from vector<1x1xf32>
    %add3A_101 = arith.addf %add3A_57, %reduce_sum3A_100 : f32
    %slice3A_102 = vector.extract_strided_slice %div3A_15 {offsets = [0, 0, 0], sizes = [2, 16, 1], strides = [1, 1, 1]} : vector<2x16x4xf32> to vector<2x16x1xf32>
    %squeeze3A_103 = vector.shape_cast %slice3A_102 : vector<2x16x1xf32> to vector<2x16xf32>
    %slice3A_104 = vector.extract_strided_slice %div3A_15 {offsets = [0, 0, 3], sizes = [2, 16, 1], strides = [1, 1, 1]} : vector<2x16x4xf32> to vector<2x16x1xf32>
    %squeeze3A_105 = vector.shape_cast %slice3A_104 : vector<2x16x1xf32> to vector<2x16xf32>
    %sub3A_106 = arith.subf %squeeze3A_103, %squeeze3A_105 : vector<2x16xf32>
    %slice3A_107 = vector.extract_strided_slice %div3A_9 {offsets = [0, 0, 0], sizes = [2, 16, 1], strides = [1, 1, 1]} : vector<2x16x4xf32> to vector<2x16x1xf32>
    %squeeze3A_108 = vector.shape_cast %slice3A_107 : vector<2x16x1xf32> to vector<2x16xf32>
    %slice3A_109 = vector.extract_strided_slice %div3A_9 {offsets = [0, 0, 3], sizes = [2, 16, 1], strides = [1, 1, 1]} : vector<2x16x4xf32> to vector<2x16x1xf32>
    %squeeze3A_110 = vector.shape_cast %slice3A_109 : vector<2x16x1xf32> to vector<2x16xf32>
    %sub3A_111 = arith.subf %squeeze3A_108, %squeeze3A_110 : vector<2x16xf32>
    %mul3A_112 = arith.mulf %sub3A_106, %sub3A_106 : vector<2x16xf32>
    %reduce_sum3A_113 = arith.constant dense<0.000000e+00> : vector<2xf32>
    %reduce_sum3A_114 = vector.multi_reduction <add>, %mul3A_112, %reduce_sum3A_113 [1] : vector<2x16xf32> to vector<2xf32>
    %mul3A_115 = arith.mulf %sub3A_111, %sub3A_111 : vector<2x16xf32>
    %reduce_sum3A_116 = arith.constant dense<0.000000e+00> : vector<2xf32>
    %reduce_sum3A_117 = vector.multi_reduction <add>, %mul3A_115, %reduce_sum3A_116 [1] : vector<2x16xf32> to vector<2xf32>
    %add3A_118 = arith.addf %reduce_sum3A_114, %reduce_sum3A_117 : vector<2xf32>
    %sqrt3A_119 = math.sqrt %add3A_118 : vector<2xf32>
    %sub3A_120 = arith.constant 1.000000e+00 : f32
    %sub3A_121 = vector.broadcast %sub3A_120 : f32 to vector<2xf32>
    %sub3A_122 = arith.subf %sub3A_121, %sqrt3A_119 : vector<2xf32>
    %max3A_123 = arith.constant 0.000000e+00 : f32
    %max3A_124 = vector.broadcast %max3A_123 : f32 to vector<2xf32>
    %max3A_125 = arith.maximumf %sub3A_122, %max3A_124 : vector<2xf32>
    %slice3A_126 = vector.extract_strided_slice %gt3A_17 {offsets = [0, 0], sizes = [2, 1], strides = [1, 1]} : vector<2x4xi1> to vector<2x1xi1>
    %squeeze3A_127 = vector.shape_cast %slice3A_126 : vector<2x1xi1> to vector<2xi1>
    %slice3A_128 = vector.extract_strided_slice %gt3A_17 {offsets = [0, 3], sizes = [2, 1], strides = [1, 1]} : vector<2x4xi1> to vector<2x1xi1>
    %squeeze3A_129 = vector.shape_cast %slice3A_128 : vector<2x1xi1> to vector<2xi1>
    %and3A_130 = arith.andi %squeeze3A_127, %squeeze3A_129 : vector<2xi1>
    %convert_element_type3A_131 = arith.extui %and3A_130 : vector<2xi1> to vector<2xi32>
    %convert_element_type3A_132 = arith.sitofp %convert_element_type3A_131 : vector<2xi32> to vector<2xf32>
    %mul3A_133 = arith.mulf %max3A_125, %convert_element_type3A_132 : vector<2xf32>
    %reduce_sum3A_134 = vector.shape_cast %mul3A_133 : vector<2xf32> to vector<1x2xf32>
    %reduce_sum3A_135 = arith.constant dense<0.000000e+00> : vector<1xf32>
    %reduce_sum3A_136 = vector.multi_reduction <add>, %reduce_sum3A_134, %reduce_sum3A_135 [1] : vector<1x2xf32> to vector<1xf32>
    %reduce_sum3A_137 = vector.shape_cast %reduce_sum3A_136 : vector<1xf32> to vector<1x1xf32>
    %reduce_sum3A_138 = vector.extract %reduce_sum3A_137[0, 0] : f32 from vector<1x1xf32>
    %add3A_139 = arith.addf %add3A_95, %reduce_sum3A_138 : f32
    %reduce_sum3A_140 = vector.shape_cast %convert_element_type3A_132 : vector<2xf32> to vector<1x2xf32>
    %reduce_sum3A_141 = arith.constant dense<0.000000e+00> : vector<1xf32>
    %reduce_sum3A_142 = vector.multi_reduction <add>, %reduce_sum3A_140, %reduce_sum3A_141 [1] : vector<1x2xf32> to vector<1xf32>
    %reduce_sum3A_143 = vector.shape_cast %reduce_sum3A_142 : vector<1xf32> to vector<1x1xf32>
    %reduce_sum3A_144 = vector.extract %reduce_sum3A_143[0, 0] : f32 from vector<1x1xf32>
    %add3A_145 = arith.addf %add3A_101, %reduce_sum3A_144 : f32
    %slice3A_146 = vector.extract_strided_slice %div3A_15 {offsets = [0, 0, 1], sizes = [2, 16, 1], strides = [1, 1, 1]} : vector<2x16x4xf32> to vector<2x16x1xf32>
    %squeeze3A_147 = vector.shape_cast %slice3A_146 : vector<2x16x1xf32> to vector<2x16xf32>
    %slice3A_148 = vector.extract_strided_slice %div3A_15 {offsets = [0, 0, 2], sizes = [2, 16, 1], strides = [1, 1, 1]} : vector<2x16x4xf32> to vector<2x16x1xf32>
    %squeeze3A_149 = vector.shape_cast %slice3A_148 : vector<2x16x1xf32> to vector<2x16xf32>
    %sub3A_150 = arith.subf %squeeze3A_147, %squeeze3A_149 : vector<2x16xf32>
    %slice3A_151 = vector.extract_strided_slice %div3A_9 {offsets = [0, 0, 1], sizes = [2, 16, 1], strides = [1, 1, 1]} : vector<2x16x4xf32> to vector<2x16x1xf32>
    %squeeze3A_152 = vector.shape_cast %slice3A_151 : vector<2x16x1xf32> to vector<2x16xf32>
    %slice3A_153 = vector.extract_strided_slice %div3A_9 {offsets = [0, 0, 2], sizes = [2, 16, 1], strides = [1, 1, 1]} : vector<2x16x4xf32> to vector<2x16x1xf32>
    %squeeze3A_154 = vector.shape_cast %slice3A_153 : vector<2x16x1xf32> to vector<2x16xf32>
    %sub3A_155 = arith.subf %squeeze3A_152, %squeeze3A_154 : vector<2x16xf32>
    %mul3A_156 = arith.mulf %sub3A_150, %sub3A_150 : vector<2x16xf32>
    %reduce_sum3A_157 = arith.constant dense<0.000000e+00> : vector<2xf32>
    %reduce_sum3A_158 = vector.multi_reduction <add>, %mul3A_156, %reduce_sum3A_157 [1] : vector<2x16xf32> to vector<2xf32>
    %mul3A_159 = arith.mulf %sub3A_155, %sub3A_155 : vector<2x16xf32>
    %reduce_sum3A_160 = arith.constant dense<0.000000e+00> : vector<2xf32>
    %reduce_sum3A_161 = vector.multi_reduction <add>, %mul3A_159, %reduce_sum3A_160 [1] : vector<2x16xf32> to vector<2xf32>
    %add3A_162 = arith.addf %reduce_sum3A_158, %reduce_sum3A_161 : vector<2xf32>
    %sqrt3A_163 = math.sqrt %add3A_162 : vector<2xf32>
    %sub3A_164 = arith.constant 1.000000e+00 : f32
    %sub3A_165 = vector.broadcast %sub3A_164 : f32 to vector<2xf32>
    %sub3A_166 = arith.subf %sub3A_165, %sqrt3A_163 : vector<2xf32>
    %max3A_167 = arith.constant 0.000000e+00 : f32
    %max3A_168 = vector.broadcast %max3A_167 : f32 to vector<2xf32>
    %max3A_169 = arith.maximumf %sub3A_166, %max3A_168 : vector<2xf32>
    %slice3A_170 = vector.extract_strided_slice %gt3A_17 {offsets = [0, 1], sizes = [2, 1], strides = [1, 1]} : vector<2x4xi1> to vector<2x1xi1>
    %squeeze3A_171 = vector.shape_cast %slice3A_170 : vector<2x1xi1> to vector<2xi1>
    %slice3A_172 = vector.extract_strided_slice %gt3A_17 {offsets = [0, 2], sizes = [2, 1], strides = [1, 1]} : vector<2x4xi1> to vector<2x1xi1>
    %squeeze3A_173 = vector.shape_cast %slice3A_172 : vector<2x1xi1> to vector<2xi1>
    %and3A_174 = arith.andi %squeeze3A_171, %squeeze3A_173 : vector<2xi1>
    %convert_element_type3A_175 = arith.extui %and3A_174 : vector<2xi1> to vector<2xi32>
    %convert_element_type3A_176 = arith.sitofp %convert_element_type3A_175 : vector<2xi32> to vector<2xf32>
    %mul3A_177 = arith.mulf %max3A_169, %convert_element_type3A_176 : vector<2xf32>
    %reduce_sum3A_178 = vector.shape_cast %mul3A_177 : vector<2xf32> to vector<1x2xf32>
    %reduce_sum3A_179 = arith.constant dense<0.000000e+00> : vector<1xf32>
    %reduce_sum3A_180 = vector.multi_reduction <add>, %reduce_sum3A_178, %reduce_sum3A_179 [1] : vector<1x2xf32> to vector<1xf32>
    %reduce_sum3A_181 = vector.shape_cast %reduce_sum3A_180 : vector<1xf32> to vector<1x1xf32>
    %reduce_sum3A_182 = vector.extract %reduce_sum3A_181[0, 0] : f32 from vector<1x1xf32>
    %add3A_183 = arith.addf %add3A_139, %reduce_sum3A_182 : f32
    %reduce_sum3A_184 = vector.shape_cast %convert_element_type3A_176 : vector<2xf32> to vector<1x2xf32>
    %reduce_sum3A_185 = arith.constant dense<0.000000e+00> : vector<1xf32>
    %reduce_sum3A_186 = vector.multi_reduction <add>, %reduce_sum3A_184, %reduce_sum3A_185 [1] : vector<1x2xf32> to vector<1xf32>
    %reduce_sum3A_187 = vector.shape_cast %reduce_sum3A_186 : vector<1xf32> to vector<1x1xf32>
    %reduce_sum3A_188 = vector.extract %reduce_sum3A_187[0, 0] : f32 from vector<1x1xf32>
    %add3A_189 = arith.addf %add3A_145, %reduce_sum3A_188 : f32
    %slice3A_190 = vector.extract_strided_slice %div3A_15 {offsets = [0, 0, 1], sizes = [2, 16, 1], strides = [1, 1, 1]} : vector<2x16x4xf32> to vector<2x16x1xf32>
    %squeeze3A_191 = vector.shape_cast %slice3A_190 : vector<2x16x1xf32> to vector<2x16xf32>
    %slice3A_192 = vector.extract_strided_slice %div3A_15 {offsets = [0, 0, 3], sizes = [2, 16, 1], strides = [1, 1, 1]} : vector<2x16x4xf32> to vector<2x16x1xf32>
    %squeeze3A_193 = vector.shape_cast %slice3A_192 : vector<2x16x1xf32> to vector<2x16xf32>
    %sub3A_194 = arith.subf %squeeze3A_191, %squeeze3A_193 : vector<2x16xf32>
    %slice3A_195 = vector.extract_strided_slice %div3A_9 {offsets = [0, 0, 1], sizes = [2, 16, 1], strides = [1, 1, 1]} : vector<2x16x4xf32> to vector<2x16x1xf32>
    %squeeze3A_196 = vector.shape_cast %slice3A_195 : vector<2x16x1xf32> to vector<2x16xf32>
    %slice3A_197 = vector.extract_strided_slice %div3A_9 {offsets = [0, 0, 3], sizes = [2, 16, 1], strides = [1, 1, 1]} : vector<2x16x4xf32> to vector<2x16x1xf32>
    %squeeze3A_198 = vector.shape_cast %slice3A_197 : vector<2x16x1xf32> to vector<2x16xf32>
    %sub3A_199 = arith.subf %squeeze3A_196, %squeeze3A_198 : vector<2x16xf32>
    %mul3A_200 = arith.mulf %sub3A_194, %sub3A_194 : vector<2x16xf32>
    %reduce_sum3A_201 = arith.constant dense<0.000000e+00> : vector<2xf32>
    %reduce_sum3A_202 = vector.multi_reduction <add>, %mul3A_200, %reduce_sum3A_201 [1] : vector<2x16xf32> to vector<2xf32>
    %mul3A_203 = arith.mulf %sub3A_199, %sub3A_199 : vector<2x16xf32>
    %reduce_sum3A_204 = arith.constant dense<0.000000e+00> : vector<2xf32>
    %reduce_sum3A_205 = vector.multi_reduction <add>, %mul3A_203, %reduce_sum3A_204 [1] : vector<2x16xf32> to vector<2xf32>
    %add3A_206 = arith.addf %reduce_sum3A_202, %reduce_sum3A_205 : vector<2xf32>
    %sqrt3A_207 = math.sqrt %add3A_206 : vector<2xf32>
    %sub3A_208 = arith.constant 1.000000e+00 : f32
    %sub3A_209 = vector.broadcast %sub3A_208 : f32 to vector<2xf32>
    %sub3A_210 = arith.subf %sub3A_209, %sqrt3A_207 : vector<2xf32>
    %max3A_211 = arith.constant 0.000000e+00 : f32
    %max3A_212 = vector.broadcast %max3A_211 : f32 to vector<2xf32>
    %max3A_213 = arith.maximumf %sub3A_210, %max3A_212 : vector<2xf32>
    %slice3A_214 = vector.extract_strided_slice %gt3A_17 {offsets = [0, 1], sizes = [2, 1], strides = [1, 1]} : vector<2x4xi1> to vector<2x1xi1>
    %squeeze3A_215 = vector.shape_cast %slice3A_214 : vector<2x1xi1> to vector<2xi1>
    %slice3A_216 = vector.extract_strided_slice %gt3A_17 {offsets = [0, 3], sizes = [2, 1], strides = [1, 1]} : vector<2x4xi1> to vector<2x1xi1>
    %squeeze3A_217 = vector.shape_cast %slice3A_216 : vector<2x1xi1> to vector<2xi1>
    %and3A_218 = arith.andi %squeeze3A_215, %squeeze3A_217 : vector<2xi1>
    %convert_element_type3A_219 = arith.extui %and3A_218 : vector<2xi1> to vector<2xi32>
    %convert_element_type3A_220 = arith.sitofp %convert_element_type3A_219 : vector<2xi32> to vector<2xf32>
    %mul3A_221 = arith.mulf %max3A_213, %convert_element_type3A_220 : vector<2xf32>
    %reduce_sum3A_222 = vector.shape_cast %mul3A_221 : vector<2xf32> to vector<1x2xf32>
    %reduce_sum3A_223 = arith.constant dense<0.000000e+00> : vector<1xf32>
    %reduce_sum3A_224 = vector.multi_reduction <add>, %reduce_sum3A_222, %reduce_sum3A_223 [1] : vector<1x2xf32> to vector<1xf32>
    %reduce_sum3A_225 = vector.shape_cast %reduce_sum3A_224 : vector<1xf32> to vector<1x1xf32>
    %reduce_sum3A_226 = vector.extract %reduce_sum3A_225[0, 0] : f32 from vector<1x1xf32>
    %add3A_227 = arith.addf %add3A_183, %reduce_sum3A_226 : f32
    %reduce_sum3A_228 = vector.shape_cast %convert_element_type3A_220 : vector<2xf32> to vector<1x2xf32>
    %reduce_sum3A_229 = arith.constant dense<0.000000e+00> : vector<1xf32>
    %reduce_sum3A_230 = vector.multi_reduction <add>, %reduce_sum3A_228, %reduce_sum3A_229 [1] : vector<1x2xf32> to vector<1xf32>
    %reduce_sum3A_231 = vector.shape_cast %reduce_sum3A_230 : vector<1xf32> to vector<1x1xf32>
    %reduce_sum3A_232 = vector.extract %reduce_sum3A_231[0, 0] : f32 from vector<1x1xf32>
    %add3A_233 = arith.addf %add3A_189, %reduce_sum3A_232 : f32
    %slice3A_234 = vector.extract_strided_slice %div3A_15 {offsets = [0, 0, 2], sizes = [2, 16, 1], strides = [1, 1, 1]} : vector<2x16x4xf32> to vector<2x16x1xf32>
    %squeeze3A_235 = vector.shape_cast %slice3A_234 : vector<2x16x1xf32> to vector<2x16xf32>
    %slice3A_236 = vector.extract_strided_slice %div3A_15 {offsets = [0, 0, 3], sizes = [2, 16, 1], strides = [1, 1, 1]} : vector<2x16x4xf32> to vector<2x16x1xf32>
    %squeeze3A_237 = vector.shape_cast %slice3A_236 : vector<2x16x1xf32> to vector<2x16xf32>
    %sub3A_238 = arith.subf %squeeze3A_235, %squeeze3A_237 : vector<2x16xf32>
    %slice3A_239 = vector.extract_strided_slice %div3A_9 {offsets = [0, 0, 2], sizes = [2, 16, 1], strides = [1, 1, 1]} : vector<2x16x4xf32> to vector<2x16x1xf32>
    %squeeze3A_240 = vector.shape_cast %slice3A_239 : vector<2x16x1xf32> to vector<2x16xf32>
    %slice3A_241 = vector.extract_strided_slice %div3A_9 {offsets = [0, 0, 3], sizes = [2, 16, 1], strides = [1, 1, 1]} : vector<2x16x4xf32> to vector<2x16x1xf32>
    %squeeze3A_242 = vector.shape_cast %slice3A_241 : vector<2x16x1xf32> to vector<2x16xf32>
    %sub3A_243 = arith.subf %squeeze3A_240, %squeeze3A_242 : vector<2x16xf32>
    %mul3A_244 = arith.mulf %sub3A_238, %sub3A_238 : vector<2x16xf32>
    %reduce_sum3A_245 = arith.constant dense<0.000000e+00> : vector<2xf32>
    %reduce_sum3A_246 = vector.multi_reduction <add>, %mul3A_244, %reduce_sum3A_245 [1] : vector<2x16xf32> to vector<2xf32>
    %mul3A_247 = arith.mulf %sub3A_243, %sub3A_243 : vector<2x16xf32>
    %reduce_sum3A_248 = arith.constant dense<0.000000e+00> : vector<2xf32>
    %reduce_sum3A_249 = vector.multi_reduction <add>, %mul3A_247, %reduce_sum3A_248 [1] : vector<2x16xf32> to vector<2xf32>
    %add3A_250 = arith.addf %reduce_sum3A_246, %reduce_sum3A_249 : vector<2xf32>
    %sqrt3A_251 = math.sqrt %add3A_250 : vector<2xf32>
    %sub3A_252 = arith.constant 1.000000e+00 : f32
    %sub3A_253 = vector.broadcast %sub3A_252 : f32 to vector<2xf32>
    %sub3A_254 = arith.subf %sub3A_253, %sqrt3A_251 : vector<2xf32>
    %max3A_255 = arith.constant 0.000000e+00 : f32
    %max3A_256 = vector.broadcast %max3A_255 : f32 to vector<2xf32>
    %max3A_257 = arith.maximumf %sub3A_254, %max3A_256 : vector<2xf32>
    %slice3A_258 = vector.extract_strided_slice %gt3A_17 {offsets = [0, 2], sizes = [2, 1], strides = [1, 1]} : vector<2x4xi1> to vector<2x1xi1>
    %squeeze3A_259 = vector.shape_cast %slice3A_258 : vector<2x1xi1> to vector<2xi1>
    %slice3A_260 = vector.extract_strided_slice %gt3A_17 {offsets = [0, 3], sizes = [2, 1], strides = [1, 1]} : vector<2x4xi1> to vector<2x1xi1>
    %squeeze3A_261 = vector.shape_cast %slice3A_260 : vector<2x1xi1> to vector<2xi1>
    %and3A_262 = arith.andi %squeeze3A_259, %squeeze3A_261 : vector<2xi1>
    %convert_element_type3A_263 = arith.extui %and3A_262 : vector<2xi1> to vector<2xi32>
    %convert_element_type3A_264 = arith.sitofp %convert_element_type3A_263 : vector<2xi32> to vector<2xf32>
    %mul3A_265 = arith.mulf %max3A_257, %convert_element_type3A_264 : vector<2xf32>
    %reduce_sum3A_266 = vector.shape_cast %mul3A_265 : vector<2xf32> to vector<1x2xf32>
    %reduce_sum3A_267 = arith.constant dense<0.000000e+00> : vector<1xf32>
    %reduce_sum3A_268 = vector.multi_reduction <add>, %reduce_sum3A_266, %reduce_sum3A_267 [1] : vector<1x2xf32> to vector<1xf32>
    %reduce_sum3A_269 = vector.shape_cast %reduce_sum3A_268 : vector<1xf32> to vector<1x1xf32>
    %reduce_sum3A_270 = vector.extract %reduce_sum3A_269[0, 0] : f32 from vector<1x1xf32>
    %add3A_271 = arith.addf %add3A_227, %reduce_sum3A_270 : f32
    %reduce_sum3A_272 = vector.shape_cast %convert_element_type3A_264 : vector<2xf32> to vector<1x2xf32>
    %reduce_sum3A_273 = arith.constant dense<0.000000e+00> : vector<1xf32>
    %reduce_sum3A_274 = vector.multi_reduction <add>, %reduce_sum3A_272, %reduce_sum3A_273 [1] : vector<1x2xf32> to vector<1xf32>
    %reduce_sum3A_275 = vector.shape_cast %reduce_sum3A_274 : vector<1xf32> to vector<1x1xf32>
    %reduce_sum3A_276 = vector.extract %reduce_sum3A_275[0, 0] : f32 from vector<1x1xf32>
    %add3A_277 = arith.addf %add3A_233, %reduce_sum3A_276 : f32
    %gt3A_278 = arith.constant 0.000000e+00 : f32
    %gt3A_279 = arith.cmpf ogt, %add3A_277, %gt3A_278 : f32
    %max3A_280 = arith.constant 1.000000e+00 : f32
    %max3A_281 = arith.maximumf %add3A_277, %max3A_280 : f32
    %div3A_282 = arith.divf %add3A_271, %max3A_281 : f32
    %jit3A = arith.constant 0.000000e+00 : f32
    %select_n3A = arith.select %gt3A_279, %div3A_282, %jit3A : f32
    %reshape3A = vector.broadcast %select_n3A : f32 to vector<1x1xf32>
    %swap3A = arith.constant 0 : index
    %swap3A_283 = arith.constant 0 : index
    %swap3A_284 = vector.load %arg2[%swap3A, %swap3A_283] : memref<1x1xf32, #tpu.memory_space<vmem>>, vector<1x1xf32>
    tpu.vector_store %arg2[%swap3A, %swap3A_283], %reshape3A {strides = array<i32>} : memref<1x1xf32, #tpu.memory_space<vmem>>, vector<1x1xf32>,
    return
  }
}

</mosaic_0001>

<sc_bundles>
// kernel: kernel.5.cloned.1.call-start
scs
__scs_entry_jumppad:
0x0: {  	(pc) =	sbr.rel $0x88, $3  }
0x1: {  	(tag) =	ssettag $0x0;
	lr =	simm.s32 $0x1  }
0x2: {  	[smem:$0x3F9F] =	sst lr;
	_ =	strace $0xD0000000  }
0x3: {  	_ = 	snop  }
0x4: {  	_ = 	snop  }
0x5: {  	_ = 	snop  }
0x6: {  	_ = 	snop  }
0x7: {  	_ = 	snop  }
__scs_overlays_trampoline_lowered:
0x8: {  	[smem:$0x3FAE] =	sst s0  }
0x9: {  	[smem:$0x3FAF] =	sst s1  }
0xa: {  	[smem:$0x3FB0] =	sst s2  }
0xb: {  	[smem:$0x3FB1] =	sst s3  }
0xc: {  	[smem:$0x3FB2] =	sst s4  }
0xd: {  	[smem:$0x3FB3] =	sst s5  }
0xe: {  	[smem:$0x3FB4] =	sst s6  }
0xf: {  	[smem:$0x3FB5] =	sst s7  }
0x10: {  	[smem:$0x3FB6] =	sst s8  }
0x11: {  	[smem:$0x3FB7] =	sst s9;
	s0 =	simm.s32 @!p0 $0x0  }
0x12: {  	s1 =	sld [smem:$0x3F9D];
	s0 =	simm.s32 @p0 $0x1  }
0x13: {  	[smem:$0x3FB8] =	sst s0;
	s0 =	simm.s32 @!p1 $0x0  }
0x14: {  	s2 =	sld [smem:$0x3F9C];
	s0 =	simm.s32 @p1 $0x1  }
0x15: {  	[smem:$0x3FB9] =	sst s0;
	s0 =	simm.s32 @!p2 $0x0  }
0x16: {  	s3 =	sld [smem:$0x3FDB];
	s0 =	simm.s32 @p2 $0x1  }
0x17: {  	s4 =	simm.s32 $0x1BF5;
	[smem:$0x3FBB] =	sst s0  }
0x18: {  	s0 =	sld [smem:$0x3F9E];
	_ =	swait.ge [sflag:s4], $0x0  }
0x19: {  	s7 =	sld [smem:$0x3F9F]  }
0x1a: {  	s8 =	sadd.s32 $0xFFFFE003, lr  }
0x1b: {  	s9 =	sadd.s32 $0xFFFFFEF7, lr;
	s5 =	simm.s32 $0xFFFFFFFF;
	p2 =	slt.u32 s8, $0xFFFFF086  }
0x1c: {  	p1 =	slt.u32 s9, $0xF7A;
	s5 =	simm.s32 @!p2 $0x0  }
0x1d: {  	s5 =	simm.s32 @p1 $0x1;
	p0 =	seq.s32 s7, s2  }
0x1e: {  	s7 =	smul.u32 @!p0 $0xF7A, s2;
	p2 =	seq.s32 @!p0 s5, $0x0  }
0x1f: {  	s9 =	smul.u32 $0xF7A, s1;
	s8 =	simm.s32 @!p0 $0x1BF5;
	p2 =	por !p2, p0  }
0x20: {  	[sflag:s8] =	ssyncset.s32 @!p0 $0xFFFFF086;
	s6 =	sadd.s32 @!p0 s3, s7;
	s7 =	simm.s32 @!p0 $0x108  }
0x21: {  	s3 =	sadd.s32 s3, s9;
	s6 =	sadd.s32 @!p0 $0x88, s6;
	s7 =	simm.s32 @p2 $0x1082  }
0x22: {  	[simem:s7], [sflag:s8] =	dma.local @!p0 [hbm:s6], $0xF7A  }
0x23: {  	s9 =	sor.u32 $0xD0000000, s2;
	s6 =	simm.s32 $0x108;
	_ =	swait.ge @!p0 [sflag:s8], $0x0  }
0x24: {  	s3 =	sadd.s32 $0x88, s3;
	s6 =	simm.s32 @!p1 $0x1082;
	[sflag:s4] =	ssyncset.s32 $0xFFFFF086  }
0x25: {  	[simem:s6], [sflag:s4] =	dma.local [hbm:s3], $0xF7A  }
0x26: {  	[smem:$0x3F9F] =	sst s1;
	(tag) =	ssettag s2;
	_ =	strace s9  }
0x27: {  	s1 =	sld [smem:$0x3FAF]  }
0x28: {  	s2 =	sld [smem:$0x3FB0]  }
0x29: {  	s4 =	sld [smem:$0x3FB2]  }
0x2a: {  	p0 =	seq.s32 s5, $0x0;
	s5 =	sld [smem:$0x3FB3]  }
0x2b: {  	s6 =	sld [smem:$0x3FB4]  }
0x2c: {  	s7 =	sld [smem:$0x3FB5]  }
0x2d: {  	s3 =	simm.s32 $0x108;
	s8 =	sld [smem:$0x3FB6]  }
0x2e: {  	s3 =	simm.s32 @!p0 $0x1082;
	s9 =	sld [smem:$0x3FB7]  }
0x2f: {  	lr =	sadd.s32 s0, s3;
	s0 =	sld [smem:$0x3FAE]  }
0x30: {  	s3 =	sld [smem:$0x3FB1]  }
0x31: {  	[smem:$0x3FBA] =	sst s10  }
0x32: {  	s10 =	sld [smem:$0x3FB8];
	_ =	sdelay $0x3  }
0x33: {  	p0 =	seq.s32 s10, $0x1;
	s10 =	sld [smem:$0x3FBA];
	_ =	sdelay $0x3  }
0x34: {  	[smem:$0x3FBA] =	sst s10  }
0x35: {  	s10 =	sld [smem:$0x3FB9];
	_ =	sdelay $0x3  }
0x36: {  	p1 =	seq.s32 s10, $0x1;
	s10 =	sld [smem:$0x3FBA];
	_ =	sdelay $0x3  }
0x37: {  	[smem:$0x3FBA] =	sst s10  }
0x38: {  	s10 =	sld [smem:$0x3FBB]  }
0x39: {  	_ = 	snop;
	(pc) =	sbr.ind lr, $3  }
0x3a: {  	_ = 	snop  }
0x3b: {  	_ = 	snop  }
0x3c: {  	p2 =	seq.s32 s10, $0x1;
	s10 =	sld [smem:$0x3FBA]  }
0x3d: {  	_ =	shalt  }
0x3e: {  	_ =	shalt  }
0x3f: {  	_ =	shalt  }
0x40: {  	_ =	shalt  }
0x41: {  	_ =	shalt  }
0x42: {  	_ =	shalt  }
0x43: {  	_ =	shalt  }
0x44: {  	_ =	shalt  }
0x45: {  	_ =	shalt  }
0x46: {  	_ =	shalt  }
0x47: {  	_ =	shalt  }
0x48: {  	_ =	shalt  }
0x49: {  	_ =	shalt  }
0x4a: {  	_ =	shalt  }
0x4b: {  	_ =	shalt  }
0x4c: {  	_ =	shalt  }
0x4d: {  	_ =	shalt  }
0x4e: {  	_ =	shalt  }
0x4f: {  	_ =	shalt  }
0x50: {  	_ =	shalt  }
0x51: {  	_ =	shalt  }
0x52: {  	_ =	shalt  }
0x53: {  	_ =	shalt  }
0x54: {  	_ =	shalt  }
0x55: {  	_ =	shalt  }
0x56: {  	_ =	shalt  }
0x57: {  	_ =	shalt  }
0x58: {  	_ =	shalt  }
0x59: {  	_ =	shalt  }
0x5a: {  	_ =	shalt  }
0x5b: {  	_ =	shalt  }
0x5c: {  	_ =	shalt  }
0x5d: {  	_ =	shalt  }
0x5e: {  	_ =	shalt  }
0x5f: {  	_ =	shalt  }
0x60: {  	_ =	shalt  }
0x61: {  	_ =	shalt  }
0x62: {  	_ =	shalt  }
0x63: {  	_ =	shalt  }
0x64: {  	_ =	shalt  }
0x65: {  	_ =	shalt  }
0x66: {  	_ =	shalt  }
0x67: {  	_ =	shalt  }
0x68: {  	_ =	shalt  }
0x69: {  	_ =	shalt  }
0x6a: {  	_ =	shalt  }
0x6b: {  	_ =	shalt  }
0x6c: {  	_ =	shalt  }
0x6d: {  	_ =	shalt  }
0x6e: {  	_ =	shalt  }
0x6f: {  	_ =	shalt  }
0x70: {  	_ =	shalt  }
0x71: {  	_ =	shalt  }
0x72: {  	_ =	shalt  }
0x73: {  	_ =	shalt  }
0x74: {  	_ =	shalt  }
0x75: {  	_ =	shalt  }
0x76: {  	_ =	shalt  }
0x77: {  	_ =	shalt  }
0x78: {  	_ =	shalt  }
0x79: {  	_ =	shalt  }
0x7a: {  	_ =	shalt  }
0x7b: {  	_ =	shalt  }
0x7c: {  	_ =	shalt  }
0x7d: {  	_ =	shalt  }
0x7e: {  	_ =	shalt  }
0x7f: {  	_ =	shalt  }
0x80: {  	_ =	shalt  }
0x81: {  	_ =	shalt  }
0x82: {  	_ =	shalt  }
0x83: {  	_ =	shalt  }
0x84: {  	_ =	shalt  }
0x85: {  	_ =	shalt  }
0x86: {  	_ =	shalt  }
0x87: {  	_ =	shalt  }
.Lfunc_end0:
.L_simem_size_0:
called_computation_lowered:
.L_overlay_start_0:
0x88: {  	s2 =	sld [smem:$0x3FD9]  }
0x89: {  	s3 =	sld [smem:$0x3FFE];
	_ =	sdelay $0x1  }
0x8a: {  	s1 =	srdreg.scid  }
0x8b: {  	s0 =	sand.u32 $0x1, s1  }
0x8c: {  	s16 =	sshll.u32 s0, $0xA;
	s2 =	sadd.s32 s3, s2  }
0x8d: {  	s2 =	sadd.s32 s2, s16  }
0x8e: {  	[smem:$0x3FC6] =	sst s2  }
0x8f: {  	_ = 	snop  }
0x90: {  	(tm) =	ssettm $0x1  }
0x91: {  	s17 =	sld [smem:$0x3FFB];
	_ =	sdelay $0x3  }
0x92: {  	_ =	strace s17  }
0x93: {  	s2 =	sld [smem:$0x3FFC];
	_ =	sdelay $0x3  }
0x94: {  	_ =	strace s2  }
0x95: {  	s2 =	sld [smem:$0x3FFD];
	_ =	sdelay $0x3  }
0x96: {  	_ =	strace s2  }
0x97: {  	_ =	strace $0x8FFFFFFF  }
0x98: {  	s18 =	sld [smem:$0x3FDB];
	_ =	sdelay $0x1  }
0x99: {  	s19 =	simm.s32 $_scs_section_size  }
0x9a: {  	s4 =	simm.s32 $_size__tile_overlayer_lowered;
	s5 =	simm.s32 $_tile_overlayer_lowered  }
0x9b: {  	s22 =	simm.s32 $0x1BFF;
	s21 =	sshll.u32 s5, $0x1;
	s2 =	sadd.s32 s19, s18  }
0x9c: {  	s6 =	simm.s32 $0x0;
	s20 =	sshll.u32 s4, $0x1;
	s4 =	sadd.s32 s21, s2  }
0x9d: {  	[timem:s6], [sflag:s22] =	dma.local [hbm:s4], s20  }
0x9e: {  	_ =	swait.ge [sflag:s22], s20  }
0x9f: {  	s3 =	ssub.s32 $0x0, s20;
	[sflag:s22] =	ssyncset.done $0x0  }
0xa0: {  	[sflag:s22] =	ssyncadd.s32 s3;
	_ =	sdelay $0x1  }
0xa1: {  	s23 =	simm.s32 $0x1B8B  }
0xa2: {  	_ =	swait.ge [sflag:s23], $0x1  }
0xa3: {  	[sflag:s23] =	ssyncset.done $0x0  }
0xa4: {  	s25 =	simm.s32 $0x1B8E;
	s24 =	sld [smem:$0x3FFE];
	[sflag:s23] =	ssyncadd.s32 $0xFFFFFFFF  }
0xa5: {  	s26 =	simm.s32 $execute0_lowered;
	[smem:$0x3FD2] =	sst s25  }
0xa6: {  	s4 =	sshll.u32 s26, $0x1;
	_ =	strace $0x80000046;
	[dreg:$0x1] =	wrdreg $0xFFFFFFFF  }
0xa7: {  	s28 =	simm.s32 $_size_execute0_lowered;
	s2 =	sadd.s32 s2, s4;
	[dreg:$0x0] =	wrdreg $0x0  }
0xa8: {  	s4 =	sshll.u32 s28, $0x1;
	[dreg:$0x2] =	wrdreg s2  }
0xa9: {  	[dreg:$0x3] =	wrdreg s4  }
0xaa: {  	[dreg:$0x4] =	wrdreg $0xC0  }
0xab: {  	_ =	task [dreg:s6], $0x5FFFF  }
0xac: {  	[dreg:$0x1] =	wrdreg $0xFFFFFFFF  }
0xad: {  	[dreg:$0x0] =	wrdreg $0x60  }
0xae: {  	[dreg:$0x2] =	wrdreg s24  }
0xaf: {  	[dreg:$0x3] =	wrdreg $0x9  }
0xb0: {  	_ =	task.clear_ibuf [dreg:s6], $0x4FFFF;
	_ =	strace $0x90000046  }
0xb1: {  	s29 =	simm.s32 $0x9;
	_ =	strace $0x80000048  }
0xb2: {  	_ =	swait.ge [sflag:s29], $0x1  }
0xb3: {  	[sflag:s29] =	ssyncadd.s32 $0xFFFFFFFF  }
0xb4: {  	_ =	strace $0x90000048  }
0xb5: {  	_ =	sfence  }
0xb6: {  	s30 =	sld [smem:$0x0];
	_ =	sdelay $0x2  }
0xb7: {  	s31 =	sshll.u32 s1, $0xD;
	s1 =	sshrl.u32 s1, $0x2  }
0xb8: {  	s3 =	sand.u32 $0x4000, s31;
	s1 =	sadd.s32 s1, s30  }
0xb9: {  	s0 =	sor.u32 s3, s0;
	s1 =	sshll.u32 s1, $0x11  }
0xba: {  	s0 =	sor.u32 s1, s0  }
0xbb: {  	s0 =	sadd.s32 $0x8F2B, s0  }
0xbc: {  	[sflag:s0] =	ssyncadd.remote.s32 $0x1  }
0xbd: {  	_ =	sfence.sel $0xFFFF  }
0xbe: {  	[dreg:$0x0] =	wrdreg $0xFFFFFFFF;
	(pc) =	sbr.abs _section_cstart, $3  }
0xbf: {  	[dreg:$0x1] =	wrdreg $0xFFFFFFFF  }
0xc0: {  	_ =	task.clear_ibuf [dreg:s6], $0x2FFFF;
	_ =	strace $0x9FFFFFFF  }
0xc1: {  	(tm) =	ssettm $0x7FFFFFFF  }
tec
execute0_lowered:
.L_overlay_start_1:
0x0: {  	(tag) =	ssettag $0x1  }
0x1: {  	s0 =	rddreg [dreg:$0x0]  }
0x2: {  	s1 =	srdreg.scid;
	s3 =	stileid.u32  }
0x3: {  	s4 =	simm.s32 $0x0;
	s15 =	simm.s32 $0x80;
	s18 =	simm.s32 $0x1  }
0x4: {  	s19 =	simm.s32 $0x2;
	s20 =	simm.s32 $0x14000;
	s21 =	simm.s32 $0x200  }
0x5: {  	s22 =	simm.s32 $0x400;
	s1 =	sand.u32 $0x1, s1;
	s2 =	sshll.u32 s3, $0x1  }
0x6: {  	s3 =	sshrl.u32 s3, $0x2;
	[smem:$0x7FF] =	sst s4;
	s2 =	sor.u32 s1, s2  }
0x7: {  	s3 =	smul.u32 $0x11000, s3;
	_ =	strace $0x80000047;
	s1 =	ssub.s32 $0x2, s1  }
0x8: {  	s23 =	sshll.u32 s2, $0x7;
	s5 =	sshll.u32 s2, $0xD;
	s2 =	sshll.u32 s2, $0xB  }
0x9: {  	s24 =	sshrl.u32 s1, $0x1;
	s4 =	sand.u32 $0x380, s23;
	s12 =	sadd.s32 s5, s0  }
0xa: {  	s2 =	sadd.s32 s2, s0;
	s1 =	ssub.s32 s1, s24;
	s23 =	simm.s32 $0x4000  }
0xb: {  	s24 =	simm.s32 $0xC000;
	s3 =	sor.u32 s3, s4;
	s25 =	sadd.s32 $0x610, s2  }
0xc: {  	s26 =	sadd.s32 $0x90600, s12;
	s28 =	sadd.s32 $0x90640, s12;
	[dreg:$0x2] =	wrdreg s25  }
0xd: {  	s29 =	sadd.s32 $0xD0600, s12;
	s30 =	sadd.s32 $0xD0640, s12;
	[dreg:$0x3] =	wrdreg s26  }
0xe: {  	s31 =	sadd.s32 $0x190600, s12;
	s9 =	sadd.s32 $0x600, s2;
	[dreg:$0x4] =	wrdreg s28  }
0xf: {  	v0 =	vlaneseq.u32;
	v1 =	vimm.f32 $0.0e+00;
	v3 =	vimm.f32 $1.000000000e+00;
	s10 =	sadd.s32 $0x190640, s12;
	s11 =	sadd.s32 $0x1D0600, s12;
	[dreg:$0x5] =	wrdreg s29  }
0x10: {  	v2 =	vor.u32 $0x400, v0;
	v4 =	vor.u32 $0xC80, v0;
	v5 =	vor.u32 $0x1500, v0;
	s12 =	sadd.s32 $0x1D0640, s12;
	s3 =	sshrl.u32 s3, $0x3;
	[dreg:$0x6] =	wrdreg s30  }
0x11: {  	v6 =	vor.u32 $0x1D80, v0;
	v7 =	vor.u32 $0x440, v0;
	v8 =	vor.u32 $0x840, v0;
	s14 =	smax.u32 s1, $0x1;
	[dreg:$0x7] =	wrdreg s31;
	s0 =	sadd.s32 s3, s0  }
0x12: {  	v9 =	vor.u32 $0x10C0, v0;
	v10 =	vor.u32 $0x1940, v0;
	v11 =	vor.u32 $0x21C0, v0;
	s25 =	simm.s32 $0x3;
	s26 =	simm.s32 $0x0;
	s13 =	sadd.s32 $0x210600, s0  }
.LBB2_1:
0x13: {  	s0 =	simm.s32 $0x0;
	s1 =	simm.s32 $0x100  }
0x14: {  	[tilespmem:s0], [sflag:$0x1] =	stream.strided.gather [hbm4b:s9+s15], $0x2000, s1, s15, $0x38;
	[tilespmem:$0x16200] =	vst v63  }
0x15: {  	s31 =	rddreg [dreg:$0x2];
	s2 =	simm.s32 $0x2000;
	s0 =	simm.s32 $0x14020  }
0x16: {  	[tilespmem:s2], [sflag:$0x2] =	stream.strided.gather [hbm4b:s31+s15], $0x2000, s1, s15, $0x38;
	[tilespmem:$0x16200] =	vst v63  }
0x17: {  	[tilespmem:s0+$0xFFFFFFE0] =	vst v1  }
0x18: {  	[tilespmem:s0+$0x10] =	vst v1  }
0x19: {  	s1 =	simm.s32 $0x0;
	[tilespmem:s0+$0x0] =	vst v1  }
.LBB2_2:
0x1a: {  	s1 =	sadd.s32 $0x4, s1  }
0x1b: {  	[tilespmem:s0+$0xFFFFFFF0] =	vst v1;
	s0 =	sadd.s32 $0x40, s0;
	p0 =	slt.u32 s1, $0x21C  }
.Ltmp0:
0x1c: {  	[tilespmem:s0+$0xFFFFFFE0] =	vst v1;
	(pc) =	sbr.rel @p0 .LBB2_2-.Ltmp0, $3  }
0x1d: {  	_ =	sdelay $0x1  }
0x1e: {  	[tilespmem:s0+$0x10] =	vst v1  }
0x1f: {  	[tilespmem:s0+$0x0] =	vst v1  }
0x20: {  	[tilespmem:s0+$0xFFFFFFF0] =	vst v1  }
0x21: {  	_ =	swait.ge [sflag:s18], $0x2000  }
0x22: {  	[sflag:s18] =	ssyncset.done $0x0  }
0x23: {  	[sflag:s18] =	ssyncadd.s32 $0xFFFFE000  }
0x24: {  	_ =	swait.ge [sflag:s19], $0x2000  }
0x25: {  	[sflag:s19] =	ssyncset.done $0x0  }
0x26: {  	s0 =	simm.s32 $0x20;
	[sflag:s19] =	ssyncadd.s32 $0xFFFFE000  }
0x27: {  	v12 =	vld [tilespmem:s0+$0x10]  }
0x28: {  	v13 =	vld [tilespmem:s0+$0xFFFFFFF0]  }
0x29: {  	v17 =	vld [tilespmem:s0+$0x0];
	_ =	sdelay $0x1  }
0x2a: {  	v15 =	vld [tilespmem:s0+$0xFFFFFFE0]  }
0x2b: {  	v14 =	vshll.u32 v12, $0x4  }
0x2c: {  	v12 =	vshll.u32 v13, $0x4;
	v13 =	vadd.s32 v6, v14  }
0x2d: {  	s1 =	simm.s32 $0x0;
	s2 =	simm.s32 $0x60;
	v17 =	vshll.u32 v17, $0x4;
	v16 =	vor.u32 v0, v12;
	v12 =	vadd.s32 v4, v12  }
.LBB2_4:
0x2e: {  	v18 =	vld [tilespmem:s2+$0x10];
	s1 =	sadd.s32 $0x4, s1;
	[tilespmem:s0+$0xFFFFFFF0] =	vst v16;
	v16 =	vor.u32 v0, v17;
	v17 =	vadd.s32 v5, v17  }
0x2f: {  	v14 =	vor.u32 v0, v14;
	v19 =	vld [tilespmem:s2+$0xFFFFFFF0];
	p0 =	slt.u32 s1, $0x1FC;
	v15 =	vshll.u32 v15, $0x4;
	[tilespmem:s0+$0x0] =	vst v16  }
0x30: {  	v20 =	vld [tilespmem:s2+$0x0];
	v16 =	vor.u32 v0, v15;
	v21 =	vadd.s32 v2, v15;
	[tilespmem:s0+$0x10] =	vst v14  }
.Ltmp1:
0x31: {  	[tilespmem:v13+s20+$0x0] =	vst.idx.add.f32.msk $0xffff, v3;
	(pc) =	sbr.rel @p0 .LBB2_4-.Ltmp1, $4  }
0x32: {  	v15 =	vld [tilespmem:s2+$0xFFFFFFE0];
	[tilespmem:s0+$0xFFFFFFE0] =	vst v16;
	s0 =	smov.u32 s2  }
0x33: {  	v14 =	vshll.u32 v18, $0x4;
	[tilespmem:v12+s20+$0x0] =	vst.idx.add.f32.msk $0xffff, v3  }
0x34: {  	v12 =	vshll.u32 v19, $0x4;
	v13 =	vadd.s32 v6, v14;
	[tilespmem:v17+s20+$0x0] =	vst.idx.add.f32.msk $0xffff, v3  }
0x35: {  	s2 =	sadd.s32 $0x40, s2;
	v16 =	vor.u32 v0, v12;
	v12 =	vadd.s32 v4, v12;
	v17 =	vshll.u32 v20, $0x4;
	[tilespmem:v21+s20+$0x0] =	vst.idx.add.f32.msk $0xffff, v3  }
0x36: {  	_ = 	snop  }
0x37: {  	[tilespmem:s0+$0xFFFFFFF0] =	vst v16;
	v16 =	vor.u32 v0, v17  }
0x38: {  	v17 =	vadd.s32 v5, v17;
	v14 =	vor.u32 v0, v14;
	v15 =	vshll.u32 v15, $0x4;
	[tilespmem:s0+$0x0] =	vst v16  }
0x39: {  	[tilespmem:s0+$0x10] =	vst v14;
	v16 =	vadd.s32 v2, v15  }
0x3a: {  	[tilespmem:v12+s20+$0x0] =	vst.idx.add.f32.msk $0xffff, v3  }
0x3b: {  	v14 =	vor.u32 v0, v15;
	[tilespmem:v13+s20+$0x0] =	vst.idx.add.f32.msk $0xffff, v3  }
0x3c: {  	[tilespmem:s0+$0xFFFFFFE0] =	vst v14  }
0x3d: {  	s30 =	simm.s32 $0x0;
	[tilespmem:v17+s20+$0x0] =	vst.idx.add.f32.msk $0xffff, v3  }
0x3e: {  	s1 =	sand.u32 $0x1FC0, s30;
	[tilespmem:v16+s20+$0x0] =	vst.idx.add.f32.msk $0xffff, v3  }
0x3f: {  	v12 =	vld [tilespmem:s1+$0x2030]  }
0x40: {  	v13 =	vld [tilespmem:s1+$0x2000];
	_ =	sdelay $0x1  }
0x41: {  	v14 =	vld [tilespmem:s1+$0x2010];
	_ =	sdelay $0x1  }
0x42: {  	v15 =	vld [tilespmem:s1+$0x2020];
	v12 =	vshll.u32 v12, $0x4  }
0x43: {  	s31 =	simm.s32 $0x40;
	v13 =	vshll.u32 v13, $0x4;
	v16 =	vadd.s32 v11, v12  }
0x44: {  	s0 =	sand.u32 $0x1FC0, s31;
	v17 =	vadd.s32 v7, v13  }
0x45: {  	v18 =	vld [tilespmem:s0+$0x2030];
	v14 =	vshll.u32 v14, $0x4;
	v12 =	vadd.s32 v7, v12;
	[tilespmem:s1+$0x2000] =	vst v17  }
0x46: {  	v20 =	vld [tilespmem:s0+$0x2000];
	v13 =	vadd.s32 v8, v13;
	v17 =	vadd.s32 v7, v14;
	[tilespmem:s1+$0x2030] =	vst v12  }
0x47: {  	v19 =	vadd.s32 v9, v14;
	[tilespmem:s1+$0x2010] =	vst v17;
	v17 =	vshll.u32 v15, $0x4;
	v15 =	vld [tilespmem:s0+$0x2010]  }
0x48: {  	[tilespmem:v16+s20+$0x0] =	vst.idx.add.f32.msk $0xffff, v3;
	v16 =	vadd.s32 v10, v17  }
0x49: {  	v14 =	vadd.s32 v7, v17  }
0x4a: {  	v12 =	vld [tilespmem:s0+$0x2020];
	[tilespmem:s1+$0x2020] =	vst v14  }
0x4b: {  	v14 =	vshll.u32 v18, $0x4;
	[tilespmem:v13+s20+$0x0] =	vst.idx.add.f32.msk $0xffff, v3  }
0x4c: {  	s2 =	simm.s32 $0x80;
	s1 =	simm.s32 $0x4;
	v17 =	vshll.u32 v20, $0x4;
	v13 =	vadd.s32 v11, v14;
	[tilespmem:v19+s20+$0x0] =	vst.idx.add.f32.msk $0xffff, v3  }
.LBB2_6:
0x4d: {  	s3 =	sand.u32 $0x1FC0, s2;
	s1 =	sadd.s32 $0x4, s1;
	v18 =	vadd.s32 v7, v17;
	v17 =	vadd.s32 v8, v17;
	v15 =	vshll.u32 v15, $0x4;
	[tilespmem:v16+s20+$0x0] =	vst.idx.add.f32.msk $0xffff, v3  }
0x4e: {  	v19 =	vld [tilespmem:s3+$0x2030];
	p0 =	slt.u32 s1, $0x1FC;
	[tilespmem:s0+$0x2000] =	vst v18;
	v16 =	vadd.s32 v7, v15;
	v18 =	vadd.s32 v9, v15  }
0x4f: {  	v14 =	vadd.s32 v7, v14;
	v20 =	vld [tilespmem:s3+$0x2000];
	[tilespmem:s0+$0x2010] =	vst v16;
	v12 =	vshll.u32 v12, $0x4  }
.Ltmp2:
0x50: {  	v15 =	vld [tilespmem:s3+$0x2010];
	v21 =	vadd.s32 v7, v12;
	v16 =	vadd.s32 v10, v12;
	[tilespmem:s0+$0x2030] =	vst v14;
	(pc) =	sbr.rel @p0 .LBB2_6-.Ltmp2, $4  }
0x51: {  	[tilespmem:v13+s20+$0x0] =	vst.idx.add.f32.msk $0xffff, v3  }
0x52: {  	v12 =	vld [tilespmem:s3+$0x2020];
	[tilespmem:s0+$0x2020] =	vst v21;
	s0 =	smov.u32 s3  }
0x53: {  	v14 =	vshll.u32 v19, $0x4;
	[tilespmem:v17+s20+$0x0] =	vst.idx.add.f32.msk $0xffff, v3  }
0x54: {  	s2 =	sadd.s32 $0x40, s2;
	v17 =	vshll.u32 v20, $0x4;
	v13 =	vadd.s32 v11, v14;
	[tilespmem:v18+s20+$0x0] =	vst.idx.add.f32.msk $0xffff, v3  }
0x55: {  	_ =	sdelay $0x3  }
0x56: {  	v18 =	vadd.s32 v7, v17;
	[tilespmem:v16+s20+$0x0] =	vst.idx.add.f32.msk $0xffff, v3  }
0x57: {  	v15 =	vshll.u32 v15, $0x4;
	v16 =	vadd.s32 v8, v17;
	v14 =	vadd.s32 v7, v14;
	[tilespmem:s0+$0x2000] =	vst v18  }
0x58: {  	v17 =	vadd.s32 v7, v15;
	v15 =	vadd.s32 v9, v15;
	[tilespmem:s0+$0x2030] =	vst v14;
	v12 =	vshll.u32 v12, $0x4  }
0x59: {  	[tilespmem:s0+$0x2010] =	vst v17;
	v17 =	vadd.s32 v10, v12  }
0x5a: {  	[tilespmem:v13+s20+$0x0] =	vst.idx.add.f32.msk $0xffff, v3;
	v12 =	vadd.s32 v7, v12  }
0x5b: {  	[tilespmem:s0+$0x2020] =	vst v12  }
0x5c: {  	[tilespmem:v16+s20+$0x0] =	vst.idx.add.f32.msk $0xffff, v3  }
0x5d: {  	[tilespmem:v15+s20+$0x0] =	vst.idx.add.f32.msk $0xffff, v3  }
0x5e: {  	[tilespmem:v17+s20+$0x0] =	vst.idx.add.f32.msk $0xffff, v3  }
0x5f: {  	s0 =	rddreg [dreg:$0x3]  }
0x60: {  	[tilespmem:s23], [sflag:$0x1] =	stream.strided.gather [hbm4b:s0+s21], $0x8000, s22, s21, $0x38;
	[tilespmem:$0x16200] =	vst v63  }
0x61: {  	s5 =	rddreg [dreg:$0x4]  }
0x62: {  	[tilespmem:s24], [sflag:$0x2] =	stream.strided.gather [hbm4b:s5+s21], $0x8000, s22, s21, $0x38;
	[tilespmem:$0x16200] =	vst v63  }
0x63: {  	_ =	swait.ge [sflag:s18], $0x8000  }
0x64: {  	[sflag:s18] =	ssyncset.done $0x0  }
0x65: {  	s6 =	simm.s32 $0x0;
	[sflag:s18] =	ssyncadd.s32 $0xFFFF8000  }
0x66: {  	s28 =	simm.s32 $0x0;
	v12 =	vld [tilespmem:s6+$0x30]  }
0x67: {  	s3 =	simm.s32 $0x0;
	s1 =	sand.u32 $0x7E00, s28;
	v14 =	vld [tilespmem:s6+$0x0]  }
0x68: {  	s3 =	sand.u32 $0x40, s3;
	s1 =	sadd.s32 $0x4000, s1;
	v13 =	vld [tilespmem:s6+$0x10]  }
0x69: {  	s29 =	simm.s32 $0x30;
	s3 =	sor.u32 s3, s1;
	v16 =	vld [tilespmem:s6+$0x20]  }
0x6a: {  	s8 =	simm.s32 $0x10;
	s2 =	sand.u32 $0x70, s29;
	v57 =	vld [tilespmem:s3+$0x0]  }
0x6b: {  	s16 =	simm.s32 $0x20;
	s7 =	sor.u32 s2, s1;
	s2 =	sand.u32 $0x50, s8  }
0x6c: {  	s16 =	sand.u32 $0x60, s16;
	s2 =	sor.u32 s2, s1;
	v17 =	vld [tilespmem:s7+$0x0];
	v15 =	vadd.s32 $0x1980, v12  }
0x6d: {  	s1 =	sor.u32 s16, s1;
	v20 =	vld [tilespmem:s2+$0x0]  }
0x6e: {  	v22 =	vld [tilespmem:s1+$0x0];
	v19 =	vadd.s32 $0x880, v13  }
0x6f: {  	v21 =	vadd.s32 $0x1100, v16;
	[tilespmem:v14+s20+$0x0] =	vst.idx.add.f32.msk $0xffff, v57  }
0x70: {  	v61 =	vld [tilespmem:s3+$0x80]  }
0x71: {  	[tilespmem:v15+s20+$0x0] =	vst.idx.add.f32.msk $0xffff, v17  }
0x72: {  	v17 =	vadd.s32 $0x19C0, v12;
	v15 =	vld [tilespmem:s7+$0x80]  }
0x73: {  	s17 =	sand.u32 $0x7, s28;
	[tilespmem:v19+s20+$0x0] =	vst.idx.add.f32.msk $0xffff, v20  }
0x74: {  	s0 =	sshll.u32 s17, $0x4;
	v23 =	vadd.s32 $0x40, v14;
	[tilespmem:v21+s20+$0x0] =	vst.idx.add.f32.msk $0xffff, v22  }
0x75: {  	s0 =	sadd.s32 $0x0, s0;
	v58 =	vadd.s32 $0x8C0, v13;
	v19 =	vld [tilespmem:s2+$0x80]  }
0x76: {  	p0 =	por $0x0, $0x0;
	s4 =	sadd.s32 $0x30, s0;
	v59 =	vld [tilespmem:s1+$0x80];
	s1 =	simm.s32 $0x1  }
0x77: {  	s5 =	sor.u32 $0x100, s4;
	s1 =	simm.s32 @!p0 $0x0;
	[tilespmem:v17+s20+$0x0] =	vst.idx.add.f32.msk $0xffff, v15  }
0x78: {  	s1 =	sshll.u32 s1, $0x6;
	v17 =	vadd.s32 $0x1A00, v12;
	v15 =	vld [tilespmem:s5+$0x4000]  }
0x79: {  	s1 =	sadd.s32 $0x0, s1;
	[tilespmem:v23+s20+$0x0] =	vst.idx.add.f32.msk $0xffff, v61  }
0x7a: {  	s0 =	sadd.s32 $0x10, s0;
	v60 =	vadd.s32 $0x1140, v16;
	s17 =	sor.u32 $0x100, s1;
	[tilespmem:v58+s20+$0x0] =	vst.idx.add.f32.msk $0xffff, v19  }
0x7b: {  	s6 =	sor.u32 $0x100, s0;
	s7 =	sand.u32 $0x3, s28;
	v22 =	vld [tilespmem:s17+$0x4000]  }
0x7c: {  	v63 =	vadd.s32 $0x80, v14;
	s3 =	sshll.u32 s7, $0x5;
	v18 =	vld [tilespmem:s6+$0x4000]  }
0x7d: {  	s2 =	sor.u32 $0x180, s4;
	s3 =	sadd.s32 $0x0, s3;
	[tilespmem:v17+s20+$0x0] =	vst.idx.add.f32.msk $0xffff, v15;
	v17 =	vadd.s32 $0x900, v13  }
0x7e: {  	s8 =	sadd.s32 $0x20, s3;
	v12 =	vadd.s32 $0x1A40, v12;
	v15 =	vld [tilespmem:s2+$0x4000]  }
0x7f: {  	s3 =	sor.u32 $0x100, s8;
	[tilespmem:v60+s20+$0x0] =	vst.idx.add.f32.msk $0xffff, v59  }
0x80: {  	v62 =	vadd.s32 $0x1180, v16;
	v20 =	vld [tilespmem:s3+$0x4000]  }
0x81: {  	[tilespmem:v63+s20+$0x0] =	vst.idx.add.f32.msk $0xffff, v22  }
0x82: {  	[tilespmem:v17+s20+$0x0] =	vst.idx.add.f32.msk $0xffff, v18  }
0x83: {  	s0 =	sor.u32 $0x180, s0;
	[tilespmem:v12+s20+$0x0] =	vst.idx.add.f32.msk $0xffff, v15  }
0x84: {  	s30 =	simm.s32 $0x0;
	s31 =	simm.s32 $0x2;
	p0 =	por !p0, !p0;
	v15 =	vld [tilespmem:s0+$0x4000];
	v12 =	vadd.s32 $0xC0, v14;
	v14 =	vadd.s32 $0x940, v13  }
0x85: {  	s1 =	sor.u32 $0x180, s1;
	s17 =	sor.u32 $0x180, s8;
	[tilespmem:v62+s20+$0x0] =	vst.idx.add.f32.msk $0xffff, v20;
	v13 =	vadd.s32 $0x11C0, v16;
	s0 =	simm.s32 $0x0  }
.LBB2_8:
0x86: {  	s3 =	simm.s32 $0x1  }
0x87: {  	s2 =	sand.u32 $0x3, s31;
	v16 =	vld [tilespmem:s17+$0x4000];
	s3 =	simm.s32 @!p0 $0x0  }
0x88: {  	s28 =	sadd.s32 $0x100, s28;
	s2 =	sshll.u32 s2, $0x5;
	s3 =	sshll.u32 s3, $0x6;
	v17 =	vld [tilespmem:s1+$0x4000]  }
0x89: {  	s30 =	sadd.s32 $0x4, s30;
	s4 =	sshra.s32 s28, $0x2;
	s1 =	sadd.s32 s28, s2;
	[tilespmem:v14+s20+$0x0] =	vst.idx.add.f32.msk $0xffff, v15  }
0x8a: {  	p1 =	slt.u32 s30, $0x1FC;
	s3 =	sadd.s32 s3, s28;
	s1 =	sadd.s32 $0x20, s1;
	v15 =	vld [tilespmem:s4+$0x30]  }
0x8b: {  	s2 =	sor.u32 $0x100, s3;
	s16 =	sor.u32 $0x100, s1;
	s17 =	sor.u32 $0x180, s1;
	v14 =	vld [tilespmem:s4+$0x10]  }
0x8c: {  	s29 =	sadd.s32 $0x40, s29;
	s5 =	sand.u32 $0x7E00, s28;
	s1 =	sor.u32 $0x180, s3;
	v18 =	vld [tilespmem:s4+$0x20]  }
0x8d: {  	s3 =	sadd.s32 $0xFFFFFFD0, s29;
	v19 =	vld [tilespmem:s4+$0x0];
	s4 =	sadd.s32 $0x4000, s5;
	s5 =	sand.u32 $0x70, s29  }
0x8e: {  	s6 =	sadd.s32 $0xFFFFFFE0, s29;
	s7 =	sadd.s32 $0xFFFFFFF0, s29;
	s5 =	sor.u32 s5, s4;
	[tilespmem:v13+s20+$0x0] =	vst.idx.add.f32.msk $0xffff, v16  }
0x8f: {  	s6 =	sand.u32 $0x50, s6;
	s7 =	sand.u32 $0x60, s7;
	s3 =	sand.u32 $0x40, s3;
	v16 =	vadd.s32 $0x1980, v15;
	v20 =	vld [tilespmem:s5+$0x0]  }
0x90: {  	s3 =	sor.u32 s3, s4;
	s6 =	sor.u32 s6, s4;
	s4 =	sor.u32 s7, s4;
	v21 =	vadd.s32 $0x880, v14;
	v22 =	vadd.s32 $0x8C0, v14;
	v23 =	vadd.s32 $0x900, v14;
	[tilespmem:v12+s20+$0x0] =	vst.idx.add.f32.msk $0xffff, v17  }
0x91: {  	v17 =	vld [tilespmem:s3+$0x0];
	v24 =	vadd.s32 $0x1100, v18;
	v25 =	vadd.s32 $0x1140, v18;
	v26 =	vadd.s32 $0x1180, v18  }
0x92: {  	v27 =	vadd.s32 $0x40, v19;
	v28 =	vadd.s32 $0x80, v19;
	v12 =	vadd.s32 $0xC0, v19;
	v29 =	vld [tilespmem:s6+$0x0]  }
0x93: {  	v14 =	vadd.s32 $0x940, v14;
	v13 =	vadd.s32 $0x11C0, v18;
	v30 =	vld [tilespmem:s4+$0x0]  }
0x94: {  	[tilespmem:v16+s20+$0x0] =	vst.idx.add.f32.msk $0xffff, v20  }
0x95: {  	s0 =	sadd.s32 $0x4, s0;
	v18 =	vadd.s32 $0x19C0, v15;
	v16 =	vld [tilespmem:s5+$0x80]  }
0x96: {  	s5 =	sand.u32 $0x7, s0;
	[tilespmem:v19+s20+$0x0] =	vst.idx.add.f32.msk $0xffff, v17  }
0x97: {  	s5 =	sshll.u32 s5, $0x4;
	[tilespmem:v21+s20+$0x0] =	vst.idx.add.f32.msk $0xffff, v29  }
0x98: {  	s5 =	sadd.s32 s5, s28;
	[tilespmem:v24+s20+$0x0] =	vst.idx.add.f32.msk $0xffff, v30  }
0x99: {  	v17 =	vld [tilespmem:s6+$0x80];
	s6 =	sadd.s32 $0x10, s5;
	s5 =	sadd.s32 $0x30, s5  }
0x9a: {  	s7 =	sor.u32 $0x100, s6;
	s6 =	sor.u32 $0x180, s6;
	[tilespmem:v18+s20+$0x0] =	vst.idx.add.f32.msk $0xffff, v16;
	s8 =	sor.u32 $0x100, s5  }
0x9b: {  	v18 =	vadd.s32 $0x1A00, v15;
	v16 =	vld [tilespmem:s8+$0x4000]  }
0x9c: {  	v19 =	vld [tilespmem:s4+$0x80]  }
0x9d: {  	v20 =	vld [tilespmem:s3+$0x80]  }
0x9e: {  	[tilespmem:v22+s20+$0x0] =	vst.idx.add.f32.msk $0xffff, v17  }
0x9f: {  	v17 =	vld [tilespmem:s7+$0x4000]  }
0xa0: {  	s3 =	sor.u32 $0x180, s5;
	[tilespmem:v18+s20+$0x0] =	vst.idx.add.f32.msk $0xffff, v16  }
0xa1: {  	v15 =	vadd.s32 $0x1A40, v15;
	v16 =	vld [tilespmem:s3+$0x4000]  }
0xa2: {  	[tilespmem:v25+s20+$0x0] =	vst.idx.add.f32.msk $0xffff, v19  }
0xa3: {  	[tilespmem:v27+s20+$0x0] =	vst.idx.add.f32.msk $0xffff, v20  }
0xa4: {  	v18 =	vld [tilespmem:s16+$0x4000]  }
0xa5: {  	v19 =	vld [tilespmem:s2+$0x4000]  }
.Ltmp3:
0xa6: {  	[tilespmem:v15+s20+$0x0] =	vst.idx.add.f32.msk $0xffff, v16;
	(pc) =	sbr.rel @p1 .LBB2_8-.Ltmp3, $4  }
0xa7: {  	[tilespmem:v23+s20+$0x0] =	vst.idx.add.f32.msk $0xffff, v17  }
0xa8: {  	v15 =	vld [tilespmem:s6+$0x4000]  }
0xa9: {  	[tilespmem:v26+s20+$0x0] =	vst.idx.add.f32.msk $0xffff, v18  }
0xaa: {  	s31 =	sadd.s32 $0x2, s31;
	p0 =	por !p0, !p0;
	[tilespmem:v28+s20+$0x0] =	vst.idx.add.f32.msk $0xffff, v19  }
0xab: {  	v16 =	vld [tilespmem:s17+$0x4000]  }
0xac: {  	v17 =	vld [tilespmem:s1+$0x4000];
	_ =	sdelay $0x2  }
0xad: {  	[tilespmem:v14+s20+$0x0] =	vst.idx.add.f32.msk $0xffff, v15  }
0xae: {  	[tilespmem:v13+s20+$0x0] =	vst.idx.add.f32.msk $0xffff, v16  }
0xaf: {  	[tilespmem:v12+s20+$0x0] =	vst.idx.add.f32.msk $0xffff, v17  }
0xb0: {  	s0 =	rddreg [dreg:$0x5]  }
0xb1: {  	[tilespmem:s23], [sflag:$0x1] =	stream.strided.gather [hbm4b:s0+s21], $0x8000, s22, s21, $0x38;
	[tilespmem:$0x16200] =	vst v63  }
0xb2: {  	_ =	swait.ge [sflag:s19], $0x8000  }
0xb3: {  	[sflag:s19] =	ssyncset.done $0x0  }
0xb4: {  	s16 =	simm.s32 $0x0;
	[sflag:s19] =	ssyncadd.s32 $0xFFFF8000  }
0xb5: {  	v12 =	vld [tilespmem:s16+$0x30]  }
0xb6: {  	s17 =	simm.s32 $0x0;
	v13 =	vld [tilespmem:s16+$0x0]  }
0xb7: {  	s28 =	simm.s32 $0x30;
	s1 =	sand.u32 $0x7E00, s17  }
0xb8: {  	s29 =	simm.s32 $0x0;
	s3 =	sand.u32 $0x70, s28;
	s2 =	sadd.s32 $0xC000, s1;
	v15 =	vld [tilespmem:s16+$0x10]  }
0xb9: {  	s4 =	sor.u32 s3, s2;
	s0 =	sand.u32 $0x40, s29;
	v18 =	vld [tilespmem:s16+$0x20]  }
0xba: {  	s5 =	simm.s32 $0x10;
	s6 =	sor.u32 s0, s2;
	v14 =	vld [tilespmem:s4+$0x0];
	v16 =	vadd.s32 $0x1A80, v12  }
0xbb: {  	s30 =	simm.s32 $0x20;
	s5 =	sand.u32 $0x50, s5;
	v19 =	vld [tilespmem:s6+$0x0];
	v17 =	vadd.s32 $0x100, v13  }
0xbc: {  	s7 =	sor.u32 s5, s2;
	s4 =	sand.u32 $0x60, s30  }
0xbd: {  	v21 =	vld [tilespmem:s7+$0x0];
	s2 =	sor.u32 s4, s2;
	v20 =	vadd.s32 $0x980, v15  }
0xbe: {  	v23 =	vld [tilespmem:s2+$0x0];
	v22 =	vadd.s32 $0x1200, v18  }
0xbf: {  	s31 =	sadd.s32 $0xC080, s1;
	[tilespmem:v16+s20+$0x0] =	vst.idx.add.f32.msk $0xffff, v14  }
0xc0: {  	s7 =	sor.u32 s3, s31;
	[tilespmem:v17+s20+$0x0] =	vst.idx.add.f32.msk $0xffff, v19  }
0xc1: {  	v16 =	vadd.s32 $0x1AC0, v12;
	v14 =	vld [tilespmem:s7+$0x0]  }
0xc2: {  	[tilespmem:v20+s20+$0x0] =	vst.idx.add.f32.msk $0xffff, v21  }
0xc3: {  	s8 =	sor.u32 s0, s31;
	[tilespmem:v22+s20+$0x0] =	vst.idx.add.f32.msk $0xffff, v23  }
0xc4: {  	s6 =	sor.u32 s4, s31;
	v17 =	vadd.s32 $0x140, v13;
	v19 =	vld [tilespmem:s8+$0x0]  }
0xc5: {  	s16 =	sadd.s32 $0xC100, s1;
	v62 =	vadd.s32 $0x1240, v18;
	v22 =	vld [tilespmem:s6+$0x0]  }
0xc6: {  	s17 =	sor.u32 s3, s16;
	[tilespmem:v16+s20+$0x0] =	vst.idx.add.f32.msk $0xffff, v14  }
0xc7: {  	s8 =	sor.u32 s5, s31;
	v16 =	vadd.s32 $0x1B00, v12;
	v14 =	vld [tilespmem:s17+$0x0]  }
0xc8: {  	v20 =	vld [tilespmem:s8+$0x0]  }
0xc9: {  	v61 =	vadd.s32 $0x9C0, v15;
	[tilespmem:v17+s20+$0x0] =	vst.idx.add.f32.msk $0xffff, v19  }
0xca: {  	s29 =	sor.u32 s0, s16;
	[tilespmem:v62+s20+$0x0] =	vst.idx.add.f32.msk $0xffff, v22  }
0xcb: {  	s1 =	sadd.s32 $0xC180, s1;
	v17 =	vld [tilespmem:s29+$0x0]  }
0xcc: {  	s3 =	sor.u32 s3, s1;
	[tilespmem:v16+s20+$0x0] =	vst.idx.add.f32.msk $0xffff, v14;
	v16 =	vadd.s32 $0x180, v13  }
0xcd: {  	v12 =	vadd.s32 $0x1B40, v12;
	v14 =	vld [tilespmem:s3+$0x0]  }
0xce: {  	s2 =	sor.u32 s4, s16;
	[tilespmem:v61+s20+$0x0] =	vst.idx.add.f32.msk $0xffff, v20  }
0xcf: {  	s30 =	sor.u32 s5, s16;
	v63 =	vadd.s32 $0x1280, v18;
	v22 =	vld [tilespmem:s2+$0x0]  }
0xd0: {  	v19 =	vadd.s32 $0xA00, v15;
	v20 =	vld [tilespmem:s30+$0x0]  }
0xd1: {  	[tilespmem:v16+s20+$0x0] =	vst.idx.add.f32.msk $0xffff, v17  }
0xd2: {  	s0 =	sor.u32 s0, s1;
	[tilespmem:v12+s20+$0x0] =	vst.idx.add.f32.msk $0xffff, v14  }
0xd3: {  	v17 =	vld [tilespmem:s0+$0x0];
	v14 =	vadd.s32 $0x1C0, v13  }
0xd4: {  	[tilespmem:v63+s20+$0x0] =	vst.idx.add.f32.msk $0xffff, v22  }
0xd5: {  	s31 =	sor.u32 s5, s1;
	[tilespmem:v19+s20+$0x0] =	vst.idx.add.f32.msk $0xffff, v20  }
0xd6: {  	s1 =	sor.u32 s4, s1;
	v16 =	vld [tilespmem:s31+$0x0]  }
0xd7: {  	s0 =	simm.s32 $0x0;
	v13 =	vadd.s32 $0xA40, v15;
	v12 =	vadd.s32 $0x12C0, v18;
	v15 =	vld [tilespmem:s1+$0x0];
	s1 =	simm.s32 $0x100  }
.LBB2_10:
0xd8: {  	s3 =	sshra.s32 s1, $0x2;
	s0 =	sadd.s32 $0x4, s0;
	[tilespmem:v14+s20+$0x0] =	vst.idx.add.f32.msk $0xffff, v17  }
0xd9: {  	v17 =	vld [tilespmem:s3+$0x30];
	p0 =	slt.u32 s0, $0x1FC  }
0xda: {  	v14 =	vld [tilespmem:s3+$0x0]  }
0xdb: {  	s2 =	sand.u32 $0x7E00, s1;
	s28 =	sadd.s32 $0x40, s28;
	v18 =	vld [tilespmem:s3+$0x10]  }
0xdc: {  	s4 =	sadd.s32 $0xC000, s2;
	s5 =	sadd.s32 $0xFFFFFFE0, s28;
	s16 =	sand.u32 $0x70, s28;
	v19 =	vld [tilespmem:s3+$0x20]  }
0xdd: {  	s6 =	sadd.s32 $0xFFFFFFF0, s28;
	s7 =	sor.u32 s16, s4;
	s3 =	sadd.s32 $0xFFFFFFD0, s28;
	[tilespmem:v13+s20+$0x0] =	vst.idx.add.f32.msk $0xffff, v16  }
0xde: {  	s30 =	sand.u32 $0x50, s5;
	s17 =	sand.u32 $0x60, s6;
	s29 =	sand.u32 $0x40, s3;
	v16 =	vld [tilespmem:s7+$0x0];
	v20 =	vadd.s32 $0x1A80, v17  }
0xdf: {  	s5 =	sor.u32 s30, s4;
	s3 =	sor.u32 s29, s4;
	s4 =	sor.u32 s17, s4;
	v21 =	vadd.s32 $0x100, v14;
	v22 =	vadd.s32 $0x140, v14;
	v23 =	vadd.s32 $0x180, v14;
	[tilespmem:v12+s20+$0x0] =	vst.idx.add.f32.msk $0xffff, v15  }
0xe0: {  	v15 =	vld [tilespmem:s3+$0x0];
	v24 =	vadd.s32 $0x980, v18;
	v25 =	vadd.s32 $0x9C0, v18;
	v26 =	vadd.s32 $0xA00, v18  }
0xe1: {  	v27 =	vld [tilespmem:s5+$0x0];
	v28 =	vadd.s32 $0x1200, v19;
	v29 =	vadd.s32 $0x1240, v19;
	v30 =	vadd.s32 $0x1280, v19  }
0xe2: {  	v14 =	vadd.s32 $0x1C0, v14;
	s3 =	sadd.s32 $0xC080, s2;
	v13 =	vadd.s32 $0xA40, v18;
	v12 =	vadd.s32 $0x12C0, v19;
	v18 =	vld [tilespmem:s4+$0x0]  }
0xe3: {  	s5 =	sor.u32 s30, s3;
	s6 =	sor.u32 s16, s3;
	s4 =	sor.u32 s29, s3;
	[tilespmem:v20+s20+$0x0] =	vst.idx.add.f32.msk $0xffff, v16  }
0xe4: {  	v19 =	vadd.s32 $0x1AC0, v17;
	s3 =	sor.u32 s17, s3;
	v16 =	vld [tilespmem:s6+$0x0]  }
0xe5: {  	[tilespmem:v21+s20+$0x0] =	vst.idx.add.f32.msk $0xffff, v15  }
0xe6: {  	[tilespmem:v24+s20+$0x0] =	vst.idx.add.f32.msk $0xffff, v27  }
0xe7: {  	[tilespmem:v28+s20+$0x0] =	vst.idx.add.f32.msk $0xffff, v18  }
0xe8: {  	v15 =	vld [tilespmem:s4+$0x0];
	s4 =	sadd.s32 $0xC100, s2  }
0xe9: {  	s6 =	sor.u32 s29, s4;
	s7 =	sor.u32 s30, s4;
	[tilespmem:v19+s20+$0x0] =	vst.idx.add.f32.msk $0xffff, v16;
	s8 =	sor.u32 s16, s4  }
0xea: {  	v18 =	vadd.s32 $0x1B00, v17;
	s4 =	sor.u32 s17, s4;
	v16 =	vld [tilespmem:s8+$0x0]  }
0xeb: {  	v19 =	vld [tilespmem:s5+$0x0]  }
0xec: {  	v20 =	vld [tilespmem:s3+$0x0]  }
0xed: {  	[tilespmem:v22+s20+$0x0] =	vst.idx.add.f32.msk $0xffff, v15  }
0xee: {  	s2 =	sadd.s32 $0xC180, s2;
	v15 =	vld [tilespmem:s6+$0x0]  }
0xef: {  	s5 =	sor.u32 s30, s2;
	s3 =	sor.u32 s29, s2;
	s6 =	sor.u32 s16, s2;
	[tilespmem:v18+s20+$0x0] =	vst.idx.add.f32.msk $0xffff, v16  }
0xf0: {  	v17 =	vadd.s32 $0x1B40, v17;
	s2 =	sor.u32 s17, s2;
	v16 =	vld [tilespmem:s6+$0x0]  }
0xf1: {  	[tilespmem:v25+s20+$0x0] =	vst.idx.add.f32.msk $0xffff, v19  }
0xf2: {  	[tilespmem:v29+s20+$0x0] =	vst.idx.add.f32.msk $0xffff, v20  }
0xf3: {  	v18 =	vld [tilespmem:s7+$0x0]  }
0xf4: {  	v19 =	vld [tilespmem:s4+$0x0]  }
0xf5: {  	[tilespmem:v17+s20+$0x0] =	vst.idx.add.f32.msk $0xffff, v16  }
0xf6: {  	[tilespmem:v23+s20+$0x0] =	vst.idx.add.f32.msk $0xffff, v15  }
.Ltmp4:
0xf7: {  	v17 =	vld [tilespmem:s3+$0x0];
	(pc) =	sbr.rel @p0 .LBB2_10-.Ltmp4, $4  }
0xf8: {  	[tilespmem:v26+s20+$0x0] =	vst.idx.add.f32.msk $0xffff, v18  }
0xf9: {  	[tilespmem:v30+s20+$0x0] =	vst.idx.add.f32.msk $0xffff, v19  }
0xfa: {  	v16 =	vld [tilespmem:s5+$0x0]  }
0xfb: {  	s1 =	sadd.s32 $0x100, s1;
	v15 =	vld [tilespmem:s2+$0x0]  }
0xfc: {  	_ =	sdelay $0x3  }
0xfd: {  	[tilespmem:v14+s20+$0x0] =	vst.idx.add.f32.msk $0xffff, v17  }
0xfe: {  	[tilespmem:v13+s20+$0x0] =	vst.idx.add.f32.msk $0xffff, v16  }
0xff: {  	[tilespmem:v12+s20+$0x0] =	vst.idx.add.f32.msk $0xffff, v15  }
0x100: {  	s0 =	rddreg [dreg:$0x6]  }
0x101: {  	[tilespmem:s24], [sflag:$0x2] =	stream.strided.gather [hbm4b:s0+s21], $0x8000, s22, s21, $0x38;
	[tilespmem:$0x16200] =	vst v63  }
0x102: {  	_ =	swait.ge [sflag:s18], $0x8000  }
0x103: {  	[sflag:s18] =	ssyncset.done $0x0  }
0x104: {  	s6 =	simm.s32 $0x0;
	[sflag:s18] =	ssyncadd.s32 $0xFFFF8000  }
0x105: {  	v12 =	vld [tilespmem:s6+$0x30]  }
0x106: {  	s28 =	simm.s32 $0x0;
	v13 =	vld [tilespmem:s6+$0x0]  }
0x107: {  	s29 =	simm.s32 $0x30;
	s1 =	sand.u32 $0x7E00, s28;
	v16 =	vld [tilespmem:s6+$0x10]  }
0x108: {  	s3 =	simm.s32 $0x0;
	s2 =	sand.u32 $0x70, s29;
	s1 =	sadd.s32 $0x4000, s1  }
0x109: {  	s8 =	simm.s32 $0x10;
	s3 =	sand.u32 $0x40, s3;
	s7 =	sor.u32 s2, s1;
	v17 =	vld [tilespmem:s6+$0x20]  }
0x10a: {  	s2 =	sand.u32 $0x50, s8;
	s3 =	sor.u32 s3, s1;
	v14 =	vld [tilespmem:s7+$0x0];
	v15 =	vadd.s32 $0x1B80, v12  }
0x10b: {  	s4 =	simm.s32 $0x20;
	s2 =	sor.u32 s2, s1;
	v19 =	vld [tilespmem:s3+$0x0];
	v18 =	vadd.s32 $0x200, v13  }
0x10c: {  	s4 =	sand.u32 $0x60, s4;
	v21 =	vld [tilespmem:s2+$0x0];
	v20 =	vadd.s32 $0xA80, v16  }
0x10d: {  	s1 =	sor.u32 s4, s1  }
0x10e: {  	v23 =	vld [tilespmem:s1+$0x0];
	v22 =	vadd.s32 $0x1300, v17  }
0x10f: {  	[tilespmem:v15+s20+$0x0] =	vst.idx.add.f32.msk $0xffff, v14  }
0x110: {  	[tilespmem:v18+s20+$0x0] =	vst.idx.add.f32.msk $0xffff, v19  }
0x111: {  	[tilespmem:v20+s20+$0x0] =	vst.idx.add.f32.msk $0xffff, v21  }
0x112: {  	v15 =	vadd.s32 $0x1BC0, v12;
	v14 =	vld [tilespmem:s7+$0x80]  }
0x113: {  	s16 =	sand.u32 $0x7, s28;
	[tilespmem:v22+s20+$0x0] =	vst.idx.add.f32.msk $0xffff, v23  }
0x114: {  	s0 =	sshll.u32 s16, $0x4;
	v59 =	vadd.s32 $0x240, v13;
	v19 =	vld [tilespmem:s3+$0x80]  }
0x115: {  	s0 =	sadd.s32 $0x0, s0;
	v60 =	vadd.s32 $0xAC0, v16;
	v20 =	vld [tilespmem:s2+$0x80]  }
0x116: {  	p0 =	por $0x0, $0x0;
	s4 =	simm.s32 $0x1;
	s17 =	sadd.s32 $0x30, s0;
	v22 =	vld [tilespmem:s1+$0x80]  }
0x117: {  	s4 =	simm.s32 @!p0 $0x0;
	s5 =	sor.u32 $0x100, s17;
	[tilespmem:v15+s20+$0x0] =	vst.idx.add.f32.msk $0xffff, v14  }
0x118: {  	s4 =	sshll.u32 s4, $0x6;
	v15 =	vadd.s32 $0x1C00, v12;
	v14 =	vld [tilespmem:s5+$0x4000]  }
0x119: {  	s6 =	sadd.s32 $0x0, s4;
	[tilespmem:v59+s20+$0x0] =	vst.idx.add.f32.msk $0xffff, v19  }
0x11a: {  	s0 =	sadd.s32 $0x10, s0;
	v61 =	vadd.s32 $0x1340, v17;
	s7 =	sor.u32 $0x100, s6;
	[tilespmem:v60+s20+$0x0] =	vst.idx.add.f32.msk $0xffff, v20  }
0x11b: {  	s8 =	sand.u32 $0x3, s28;
	s16 =	sor.u32 $0x100, s0;
	v18 =	vld [tilespmem:s7+$0x4000]  }
0x11c: {  	v62 =	vadd.s32 $0xB00, v16;
	s1 =	sshll.u32 s8, $0x5;
	v20 =	vld [tilespmem:s16+$0x4000]  }
0x11d: {  	s3 =	sor.u32 $0x180, s17;
	s1 =	sadd.s32 $0x0, s1;
	[tilespmem:v15+s20+$0x0] =	vst.idx.add.f32.msk $0xffff, v14;
	v15 =	vadd.s32 $0x280, v13  }
0x11e: {  	s1 =	sadd.s32 $0x20, s1;
	v12 =	vadd.s32 $0x1C40, v12;
	v14 =	vld [tilespmem:s3+$0x4000]  }
0x11f: {  	s17 =	sor.u32 $0x100, s1;
	[tilespmem:v61+s20+$0x0] =	vst.idx.add.f32.msk $0xffff, v22  }
0x120: {  	v63 =	vadd.s32 $0x1380, v17;
	v22 =	vld [tilespmem:s17+$0x4000]  }
0x121: {  	[tilespmem:v62+s20+$0x0] =	vst.idx.add.f32.msk $0xffff, v20  }
0x122: {  	[tilespmem:v15+s20+$0x0] =	vst.idx.add.f32.msk $0xffff, v18  }
0x123: {  	s2 =	sor.u32 $0x180, s6;
	[tilespmem:v12+s20+$0x0] =	vst.idx.add.f32.msk $0xffff, v14  }
0x124: {  	s30 =	simm.s32 $0x0;
	s31 =	simm.s32 $0x2;
	p0 =	por !p0, !p0;
	v15 =	vld [tilespmem:s2+$0x4000];
	v14 =	vadd.s32 $0x2C0, v13  }
0x125: {  	s1 =	sor.u32 $0x180, s1;
	[tilespmem:v63+s20+$0x0] =	vst.idx.add.f32.msk $0xffff, v22;
	s3 =	sor.u32 $0x180, s0;
	s0 =	simm.s32 $0x0;
	v13 =	vadd.s32 $0xB40, v16;
	v12 =	vadd.s32 $0x13C0, v17  }
.LBB2_12:
0x126: {  	s4 =	simm.s32 $0x1  }
0x127: {  	s2 =	sand.u32 $0x3, s31;
	v16 =	vld [tilespmem:s3+$0x4000];
	s4 =	simm.s32 @!p0 $0x0  }
0x128: {  	s28 =	sadd.s32 $0x100, s28;
	s2 =	sshll.u32 s2, $0x5;
	s3 =	sshll.u32 s4, $0x6;
	v17 =	vld [tilespmem:s1+$0x4000]  }
0x129: {  	s30 =	sadd.s32 $0x4, s30;
	s1 =	sadd.s32 s28, s2;
	s4 =	sshra.s32 s28, $0x2;
	[tilespmem:v14+s20+$0x0] =	vst.idx.add.f32.msk $0xffff, v15  }
0x12a: {  	p1 =	slt.u32 s30, $0x1FC;
	s3 =	sadd.s32 s3, s28;
	s1 =	sadd.s32 $0x20, s1;
	v15 =	vld [tilespmem:s4+$0x30]  }
0x12b: {  	s16 =	sor.u32 $0x100, s3;
	s2 =	sor.u32 $0x100, s1;
	s1 =	sor.u32 $0x180, s1;
	v14 =	vld [tilespmem:s4+$0x0]  }
0x12c: {  	s29 =	sadd.s32 $0x40, s29;
	s5 =	sand.u32 $0x7E00, s28;
	s17 =	sor.u32 $0x180, s3;
	v18 =	vld [tilespmem:s4+$0x10]  }
0x12d: {  	s5 =	sadd.s32 $0x4000, s5;
	s3 =	sadd.s32 $0xFFFFFFD0, s29;
	v19 =	vld [tilespmem:s4+$0x20];
	s4 =	sand.u32 $0x70, s29  }
0x12e: {  	s6 =	sadd.s32 $0xFFFFFFE0, s29;
	s7 =	sadd.s32 $0xFFFFFFF0, s29;
	s4 =	sor.u32 s4, s5;
	[tilespmem:v13+s20+$0x0] =	vst.idx.add.f32.msk $0xffff, v16  }
0x12f: {  	s6 =	sand.u32 $0x50, s6;
	s7 =	sand.u32 $0x60, s7;
	s3 =	sand.u32 $0x40, s3;
	v16 =	vld [tilespmem:s4+$0x0];
	v20 =	vadd.s32 $0x1B80, v15  }
0x130: {  	s6 =	sor.u32 s6, s5;
	s3 =	sor.u32 s3, s5;
	s5 =	sor.u32 s7, s5;
	v21 =	vadd.s32 $0x200, v14;
	v22 =	vadd.s32 $0x240, v14;
	v23 =	vadd.s32 $0x280, v14;
	[tilespmem:v12+s20+$0x0] =	vst.idx.add.f32.msk $0xffff, v17  }
0x131: {  	v17 =	vld [tilespmem:s3+$0x0];
	v24 =	vadd.s32 $0xA80, v18;
	v25 =	vadd.s32 $0xAC0, v18;
	v26 =	vadd.s32 $0xB00, v18  }
0x132: {  	v27 =	vld [tilespmem:s6+$0x0];
	v28 =	vadd.s32 $0x1300, v19;
	v29 =	vadd.s32 $0x1340, v19;
	v30 =	vadd.s32 $0x1380, v19  }
0x133: {  	v14 =	vadd.s32 $0x2C0, v14;
	v13 =	vadd.s32 $0xB40, v18;
	v12 =	vadd.s32 $0x13C0, v19;
	v18 =	vld [tilespmem:s5+$0x0]  }
0x134: {  	[tilespmem:v20+s20+$0x0] =	vst.idx.add.f32.msk $0xffff, v16  }
0x135: {  	s0 =	sadd.s32 $0x4, s0;
	v19 =	vadd.s32 $0x1BC0, v15;
	v16 =	vld [tilespmem:s4+$0x80]  }
0x136: {  	s4 =	sand.u32 $0x7, s0;
	[tilespmem:v21+s20+$0x0] =	vst.idx.add.f32.msk $0xffff, v17  }
0x137: {  	s4 =	sshll.u32 s4, $0x4;
	[tilespmem:v24+s20+$0x0] =	vst.idx.add.f32.msk $0xffff, v27  }
0x138: {  	s4 =	sadd.s32 s4, s28;
	[tilespmem:v28+s20+$0x0] =	vst.idx.add.f32.msk $0xffff, v18  }
0x139: {  	v17 =	vld [tilespmem:s3+$0x80];
	s3 =	sadd.s32 $0x10, s4;
	s4 =	sadd.s32 $0x30, s4  }
0x13a: {  	s7 =	sor.u32 $0x100, s3;
	s3 =	sor.u32 $0x180, s3;
	[tilespmem:v19+s20+$0x0] =	vst.idx.add.f32.msk $0xffff, v16;
	s8 =	sor.u32 $0x100, s4  }
0x13b: {  	v18 =	vadd.s32 $0x1C00, v15;
	v16 =	vld [tilespmem:s8+$0x4000]  }
0x13c: {  	v19 =	vld [tilespmem:s6+$0x80]  }
0x13d: {  	v20 =	vld [tilespmem:s5+$0x80]  }
0x13e: {  	[tilespmem:v22+s20+$0x0] =	vst.idx.add.f32.msk $0xffff, v17  }
0x13f: {  	v17 =	vld [tilespmem:s16+$0x4000]  }
0x140: {  	s4 =	sor.u32 $0x180, s4;
	[tilespmem:v18+s20+$0x0] =	vst.idx.add.f32.msk $0xffff, v16  }
0x141: {  	v15 =	vadd.s32 $0x1C40, v15;
	v16 =	vld [tilespmem:s4+$0x4000]  }
0x142: {  	[tilespmem:v25+s20+$0x0] =	vst.idx.add.f32.msk $0xffff, v19  }
0x143: {  	[tilespmem:v29+s20+$0x0] =	vst.idx.add.f32.msk $0xffff, v20  }
0x144: {  	v18 =	vld [tilespmem:s7+$0x4000]  }
0x145: {  	v19 =	vld [tilespmem:s2+$0x4000]  }
.Ltmp5:
0x146: {  	[tilespmem:v15+s20+$0x0] =	vst.idx.add.f32.msk $0xffff, v16;
	(pc) =	sbr.rel @p1 .LBB2_12-.Ltmp5, $4  }
0x147: {  	[tilespmem:v23+s20+$0x0] =	vst.idx.add.f32.msk $0xffff, v17  }
0x148: {  	v15 =	vld [tilespmem:s17+$0x4000]  }
0x149: {  	[tilespmem:v26+s20+$0x0] =	vst.idx.add.f32.msk $0xffff, v18  }
0x14a: {  	s31 =	sadd.s32 $0x2, s31;
	p0 =	por !p0, !p0;
	[tilespmem:v30+s20+$0x0] =	vst.idx.add.f32.msk $0xffff, v19  }
0x14b: {  	v16 =	vld [tilespmem:s3+$0x4000]  }
0x14c: {  	v17 =	vld [tilespmem:s1+$0x4000];
	_ =	sdelay $0x2  }
0x14d: {  	[tilespmem:v14+s20+$0x0] =	vst.idx.add.f32.msk $0xffff, v15  }
0x14e: {  	[tilespmem:v13+s20+$0x0] =	vst.idx.add.f32.msk $0xffff, v16  }
0x14f: {  	[tilespmem:v12+s20+$0x0] =	vst.idx.add.f32.msk $0xffff, v17  }
0x150: {  	s0 =	rddreg [dreg:$0x7]  }
0x151: {  	[tilespmem:s23], [sflag:$0x1] =	stream.strided.gather [hbm4b:s0+s21], $0x8000, s22, s21, $0x38;
	[tilespmem:$0x16200] =	vst v63  }
0x152: {  	_ =	swait.ge [sflag:s19], $0x8000  }
0x153: {  	[sflag:s19] =	ssyncset.done $0x0  }
0x154: {  	s16 =	simm.s32 $0x0;
	[sflag:s19] =	ssyncadd.s32 $0xFFFF8000  }
0x155: {  	v12 =	vld [tilespmem:s16+$0x30]  }
0x156: {  	s17 =	simm.s32 $0x0;
	v13 =	vld [tilespmem:s16+$0x0]  }
0x157: {  	s28 =	simm.s32 $0x30;
	s1 =	sand.u32 $0x7E00, s17  }
0x158: {  	s29 =	simm.s32 $0x0;
	s3 =	sand.u32 $0x70, s28;
	s2 =	sadd.s32 $0xC000, s1;
	v15 =	vld [tilespmem:s16+$0x10]  }
0x159: {  	s4 =	sor.u32 s3, s2;
	s0 =	sand.u32 $0x40, s29;
	v18 =	vld [tilespmem:s16+$0x20]  }
0x15a: {  	s5 =	simm.s32 $0x10;
	s6 =	sor.u32 s0, s2;
	v14 =	vld [tilespmem:s4+$0x0];
	v16 =	vadd.s32 $0x1C80, v12  }
0x15b: {  	s30 =	simm.s32 $0x20;
	s5 =	sand.u32 $0x50, s5;
	v19 =	vld [tilespmem:s6+$0x0];
	v17 =	vadd.s32 $0x300, v13  }
0x15c: {  	s7 =	sor.u32 s5, s2;
	s4 =	sand.u32 $0x60, s30  }
0x15d: {  	v21 =	vld [tilespmem:s7+$0x0];
	s2 =	sor.u32 s4, s2;
	v20 =	vadd.s32 $0xB80, v15  }
0x15e: {  	v23 =	vld [tilespmem:s2+$0x0];
	v22 =	vadd.s32 $0x1400, v18  }
0x15f: {  	s31 =	sadd.s32 $0xC080, s1;
	[tilespmem:v16+s20+$0x0] =	vst.idx.add.f32.msk $0xffff, v14  }
0x160: {  	s7 =	sor.u32 s3, s31;
	[tilespmem:v17+s20+$0x0] =	vst.idx.add.f32.msk $0xffff, v19  }
0x161: {  	v16 =	vadd.s32 $0x1CC0, v12;
	v14 =	vld [tilespmem:s7+$0x0]  }
0x162: {  	[tilespmem:v20+s20+$0x0] =	vst.idx.add.f32.msk $0xffff, v21  }
0x163: {  	s8 =	sor.u32 s0, s31;
	[tilespmem:v22+s20+$0x0] =	vst.idx.add.f32.msk $0xffff, v23  }
0x164: {  	s6 =	sor.u32 s4, s31;
	v17 =	vadd.s32 $0x340, v13;
	v19 =	vld [tilespmem:s8+$0x0]  }
0x165: {  	s16 =	sadd.s32 $0xC100, s1;
	v62 =	vadd.s32 $0x1440, v18;
	v22 =	vld [tilespmem:s6+$0x0]  }
0x166: {  	s17 =	sor.u32 s3, s16;
	[tilespmem:v16+s20+$0x0] =	vst.idx.add.f32.msk $0xffff, v14  }
0x167: {  	s8 =	sor.u32 s5, s31;
	v16 =	vadd.s32 $0x1D00, v12;
	v14 =	vld [tilespmem:s17+$0x0]  }
0x168: {  	v20 =	vld [tilespmem:s8+$0x0]  }
0x169: {  	v61 =	vadd.s32 $0xBC0, v15;
	[tilespmem:v17+s20+$0x0] =	vst.idx.add.f32.msk $0xffff, v19  }
0x16a: {  	s29 =	sor.u32 s0, s16;
	[tilespmem:v62+s20+$0x0] =	vst.idx.add.f32.msk $0xffff, v22  }
0x16b: {  	s1 =	sadd.s32 $0xC180, s1;
	v17 =	vld [tilespmem:s29+$0x0]  }
0x16c: {  	s3 =	sor.u32 s3, s1;
	[tilespmem:v16+s20+$0x0] =	vst.idx.add.f32.msk $0xffff, v14;
	v16 =	vadd.s32 $0x380, v13  }
0x16d: {  	v12 =	vadd.s32 $0x1D40, v12;
	v14 =	vld [tilespmem:s3+$0x0]  }
0x16e: {  	s2 =	sor.u32 s4, s16;
	[tilespmem:v61+s20+$0x0] =	vst.idx.add.f32.msk $0xffff, v20  }
0x16f: {  	s30 =	sor.u32 s5, s16;
	v63 =	vadd.s32 $0x1480, v18;
	v22 =	vld [tilespmem:s2+$0x0]  }
0x170: {  	v19 =	vadd.s32 $0xC00, v15;
	v20 =	vld [tilespmem:s30+$0x0]  }
0x171: {  	[tilespmem:v16+s20+$0x0] =	vst.idx.add.f32.msk $0xffff, v17  }
0x172: {  	s0 =	sor.u32 s0, s1;
	[tilespmem:v12+s20+$0x0] =	vst.idx.add.f32.msk $0xffff, v14  }
0x173: {  	v17 =	vld [tilespmem:s0+$0x0];
	v14 =	vadd.s32 $0x3C0, v13  }
0x174: {  	[tilespmem:v63+s20+$0x0] =	vst.idx.add.f32.msk $0xffff, v22  }
0x175: {  	s31 =	sor.u32 s5, s1;
	[tilespmem:v19+s20+$0x0] =	vst.idx.add.f32.msk $0xffff, v20  }
0x176: {  	s1 =	sor.u32 s4, s1;
	v16 =	vld [tilespmem:s31+$0x0]  }
0x177: {  	s0 =	simm.s32 $0x0;
	v13 =	vadd.s32 $0xC40, v15;
	v12 =	vadd.s32 $0x14C0, v18;
	v15 =	vld [tilespmem:s1+$0x0];
	s1 =	simm.s32 $0x100  }
.LBB2_14:
0x178: {  	s3 =	sshra.s32 s1, $0x2;
	s0 =	sadd.s32 $0x4, s0;
	[tilespmem:v14+s20+$0x0] =	vst.idx.add.f32.msk $0xffff, v17  }
0x179: {  	v17 =	vld [tilespmem:s3+$0x30];
	p0 =	slt.u32 s0, $0x1FC  }
0x17a: {  	v14 =	vld [tilespmem:s3+$0x0]  }
0x17b: {  	s2 =	sand.u32 $0x7E00, s1;
	s28 =	sadd.s32 $0x40, s28;
	v18 =	vld [tilespmem:s3+$0x10]  }
0x17c: {  	s4 =	sadd.s32 $0xC000, s2;
	s5 =	sadd.s32 $0xFFFFFFE0, s28;
	s16 =	sand.u32 $0x70, s28;
	v19 =	vld [tilespmem:s3+$0x20]  }
0x17d: {  	s6 =	sadd.s32 $0xFFFFFFF0, s28;
	s7 =	sor.u32 s16, s4;
	s3 =	sadd.s32 $0xFFFFFFD0, s28;
	[tilespmem:v13+s20+$0x0] =	vst.idx.add.f32.msk $0xffff, v16  }
0x17e: {  	s30 =	sand.u32 $0x50, s5;
	s17 =	sand.u32 $0x60, s6;
	s29 =	sand.u32 $0x40, s3;
	v16 =	vld [tilespmem:s7+$0x0];
	v20 =	vadd.s32 $0x1C80, v17  }
0x17f: {  	s5 =	sor.u32 s30, s4;
	s3 =	sor.u32 s29, s4;
	s4 =	sor.u32 s17, s4;
	v21 =	vadd.s32 $0x300, v14;
	v22 =	vadd.s32 $0x340, v14;
	v23 =	vadd.s32 $0x380, v14;
	[tilespmem:v12+s20+$0x0] =	vst.idx.add.f32.msk $0xffff, v15  }
0x180: {  	v15 =	vld [tilespmem:s3+$0x0];
	v24 =	vadd.s32 $0xB80, v18;
	v25 =	vadd.s32 $0xBC0, v18;
	v26 =	vadd.s32 $0xC00, v18  }
0x181: {  	v27 =	vld [tilespmem:s5+$0x0];
	v28 =	vadd.s32 $0x1400, v19;
	v29 =	vadd.s32 $0x1440, v19;
	v30 =	vadd.s32 $0x1480, v19  }
0x182: {  	v14 =	vadd.s32 $0x3C0, v14;
	s3 =	sadd.s32 $0xC080, s2;
	v13 =	vadd.s32 $0xC40, v18;
	v12 =	vadd.s32 $0x14C0, v19;
	v18 =	vld [tilespmem:s4+$0x0]  }
0x183: {  	s5 =	sor.u32 s30, s3;
	s6 =	sor.u32 s16, s3;
	s4 =	sor.u32 s29, s3;
	[tilespmem:v20+s20+$0x0] =	vst.idx.add.f32.msk $0xffff, v16  }
0x184: {  	v19 =	vadd.s32 $0x1CC0, v17;
	s3 =	sor.u32 s17, s3;
	v16 =	vld [tilespmem:s6+$0x0]  }
0x185: {  	[tilespmem:v21+s20+$0x0] =	vst.idx.add.f32.msk $0xffff, v15  }
0x186: {  	[tilespmem:v24+s20+$0x0] =	vst.idx.add.f32.msk $0xffff, v27  }
0x187: {  	[tilespmem:v28+s20+$0x0] =	vst.idx.add.f32.msk $0xffff, v18  }
0x188: {  	v15 =	vld [tilespmem:s4+$0x0];
	s4 =	sadd.s32 $0xC100, s2  }
0x189: {  	s6 =	sor.u32 s29, s4;
	s7 =	sor.u32 s30, s4;
	[tilespmem:v19+s20+$0x0] =	vst.idx.add.f32.msk $0xffff, v16;
	s8 =	sor.u32 s16, s4  }
0x18a: {  	v18 =	vadd.s32 $0x1D00, v17;
	s4 =	sor.u32 s17, s4;
	v16 =	vld [tilespmem:s8+$0x0]  }
0x18b: {  	v19 =	vld [tilespmem:s5+$0x0]  }
0x18c: {  	v20 =	vld [tilespmem:s3+$0x0]  }
0x18d: {  	[tilespmem:v22+s20+$0x0] =	vst.idx.add.f32.msk $0xffff, v15  }
0x18e: {  	s2 =	sadd.s32 $0xC180, s2;
	v15 =	vld [tilespmem:s6+$0x0]  }
0x18f: {  	s5 =	sor.u32 s30, s2;
	s3 =	sor.u32 s29, s2;
	s6 =	sor.u32 s16, s2;
	[tilespmem:v18+s20+$0x0] =	vst.idx.add.f32.msk $0xffff, v16  }
0x190: {  	v17 =	vadd.s32 $0x1D40, v17;
	s2 =	sor.u32 s17, s2;
	v16 =	vld [tilespmem:s6+$0x0]  }
0x191: {  	[tilespmem:v25+s20+$0x0] =	vst.idx.add.f32.msk $0xffff, v19  }
0x192: {  	[tilespmem:v29+s20+$0x0] =	vst.idx.add.f32.msk $0xffff, v20  }
0x193: {  	v18 =	vld [tilespmem:s7+$0x0]  }
0x194: {  	v19 =	vld [tilespmem:s4+$0x0]  }
0x195: {  	[tilespmem:v17+s20+$0x0] =	vst.idx.add.f32.msk $0xffff, v16  }
0x196: {  	[tilespmem:v23+s20+$0x0] =	vst.idx.add.f32.msk $0xffff, v15  }
.Ltmp6:
0x197: {  	v17 =	vld [tilespmem:s3+$0x0];
	(pc) =	sbr.rel @p0 .LBB2_14-.Ltmp6, $4  }
0x198: {  	[tilespmem:v26+s20+$0x0] =	vst.idx.add.f32.msk $0xffff, v18  }
0x199: {  	[tilespmem:v30+s20+$0x0] =	vst.idx.add.f32.msk $0xffff, v19  }
0x19a: {  	v16 =	vld [tilespmem:s5+$0x0]  }
0x19b: {  	s1 =	sadd.s32 $0x100, s1;
	v15 =	vld [tilespmem:s2+$0x0]  }
0x19c: {  	_ =	sdelay $0x3  }
0x19d: {  	[tilespmem:v14+s20+$0x0] =	vst.idx.add.f32.msk $0xffff, v17  }
0x19e: {  	s28 =	simm.s32 $0x0;
	[tilespmem:v13+s20+$0x0] =	vst.idx.add.f32.msk $0xffff, v16  }
0x19f: {  	s0 =	sand.u32 $0x1F80, s28;
	[tilespmem:v12+s20+$0x0] =	vst.idx.add.f32.msk $0xffff, v15  }
0x1a0: {  	[tilespmem:s24], [sflag:$0x2] =	stream.strided.gather [hbm4b:s10+s21], $0x8000, s22, s21, $0x38;
	[tilespmem:$0x16200] =	vst v63  }
0x1a1: {  	s1 =	sand.u32 $0x40, s28;
	s0 =	sor.u32 $0x2000, s0;
	_ =	swait.ge [sflag:s18], $0x8000  }
0x1a2: {  	s2 =	sor.u32 $0x30, s1;
	s4 =	sor.u32 $0x10, s1;
	[sflag:s18] =	ssyncset.done $0x0  }
0x1a3: {  	s30 =	sor.u32 $0x20, s1;
	s3 =	sor.u32 s2, s0;
	[sflag:s18] =	ssyncadd.s32 $0xFFFF8000  }
0x1a4: {  	s5 =	sor.u32 s4, s0;
	s6 =	sor.u32 s30, s0;
	s0 =	sor.u32 s1, s0;
	v12 =	vld [tilespmem:s3+$0x0]  }
0x1a5: {  	s31 =	sand.u32 $0x7E00, s28;
	v17 =	vld [tilespmem:s0+$0x0]  }
0x1a6: {  	v13 =	vld [tilespmem:s5+$0x0];
	s5 =	sadd.s32 $0x4000, s31  }
0x1a7: {  	v16 =	vld [tilespmem:s6+$0x0];
	s1 =	sor.u32 s1, s5  }
0x1a8: {  	s2 =	sor.u32 s2, s5;
	v22 =	vld [tilespmem:s1+$0x0]  }
0x1a9: {  	v15 =	vld [tilespmem:s2+$0x0];
	v14 =	vadd.s32 $0x1980, v12  }
0x1aa: {  	s4 =	sor.u32 s4, s5  }
0x1ab: {  	s3 =	sor.u32 s30, s5;
	v19 =	vld [tilespmem:s4+$0x0]  }
0x1ac: {  	v21 =	vld [tilespmem:s3+$0x0];
	v18 =	vadd.s32 $0x880, v13  }
0x1ad: {  	v20 =	vadd.s32 $0x1100, v16;
	[tilespmem:v17+s20+$0x0] =	vst.idx.add.f32.msk $0xffff, v22  }
0x1ae: {  	[tilespmem:v14+s20+$0x0] =	vst.idx.add.f32.msk $0xffff, v15  }
0x1af: {  	p0 =	por $0x0, $0x0;
	v15 =	vadd.s32 $0x19C0, v12;
	v14 =	vld [tilespmem:s2+$0x80];
	s2 =	simm.s32 $0x1  }
0x1b0: {  	v22 =	vld [tilespmem:s1+$0x80];
	s2 =	simm.s32 @!p0 $0x0  }
0x1b1: {  	[tilespmem:v18+s20+$0x0] =	vst.idx.add.f32.msk $0xffff, v19;
	s2 =	sshll.u32 s2, $0x6  }
0x1b2: {  	v23 =	vadd.s32 $0x40, v17;
	[tilespmem:v20+s20+$0x0] =	vst.idx.add.f32.msk $0xffff, v21;
	s2 =	sadd.s32 $0x0, s2  }
0x1b3: {  	v60 =	vadd.s32 $0x8C0, v13;
	v19 =	vld [tilespmem:s4+$0x80];
	s5 =	sadd.s32 $0x30, s2  }
0x1b4: {  	[tilespmem:v15+s20+$0x0] =	vst.idx.add.f32.msk $0xffff, v14;
	s6 =	sor.u32 $0x100, s5  }
0x1b5: {  	v15 =	vadd.s32 $0x1A00, v12;
	v14 =	vld [tilespmem:s6+$0x4000]  }
0x1b6: {  	v20 =	vld [tilespmem:s3+$0x80]  }
0x1b7: {  	v61 =	vadd.s32 $0x1140, v16;
	[tilespmem:v23+s20+$0x0] =	vst.idx.add.f32.msk $0xffff, v22;
	s7 =	sadd.s32 $0x10, s2  }
0x1b8: {  	s8 =	sor.u32 $0x100, s7;
	[tilespmem:v60+s20+$0x0] =	vst.idx.add.f32.msk $0xffff, v19  }
0x1b9: {  	v18 =	vld [tilespmem:s8+$0x4000]  }
0x1ba: {  	s0 =	sor.u32 $0x180, s5;
	[tilespmem:v15+s20+$0x0] =	vst.idx.add.f32.msk $0xffff, v14;
	v15 =	vadd.s32 $0x900, v13  }
0x1bb: {  	v12 =	vadd.s32 $0x1A40, v12;
	v14 =	vld [tilespmem:s0+$0x4000]  }
0x1bc: {  	s16 =	sadd.s32 $0x20, s2;
	s30 =	sor.u32 $0x100, s2;
	[tilespmem:v61+s20+$0x0] =	vst.idx.add.f32.msk $0xffff, v20  }
0x1bd: {  	v63 =	vadd.s32 $0x80, v17;
	s17 =	sor.u32 $0x100, s16;
	v22 =	vld [tilespmem:s30+$0x4000]  }
0x1be: {  	v62 =	vadd.s32 $0x1180, v16;
	v20 =	vld [tilespmem:s17+$0x4000]  }
0x1bf: {  	[tilespmem:v15+s20+$0x0] =	vst.idx.add.f32.msk $0xffff, v18  }
0x1c0: {  	s31 =	sor.u32 $0x180, s7;
	[tilespmem:v12+s20+$0x0] =	vst.idx.add.f32.msk $0xffff, v14  }
0x1c1: {  	v15 =	vld [tilespmem:s31+$0x4000];
	v14 =	vadd.s32 $0x940, v13  }
0x1c2: {  	s29 =	simm.s32 $0x0;
	[tilespmem:v63+s20+$0x0] =	vst.idx.add.f32.msk $0xffff, v22  }
0x1c3: {  	s2 =	sor.u32 $0x180, s2;
	s3 =	sor.u32 $0x180, s16;
	[tilespmem:v62+s20+$0x0] =	vst.idx.add.f32.msk $0xffff, v20;
	s0 =	simm.s32 $0x40;
	v12 =	vadd.s32 $0xC0, v17;
	v13 =	vadd.s32 $0x11C0, v16  }
.LBB2_16:
0x1c4: {  	s1 =	sand.u32 $0x1F80, s0;
	s4 =	sand.u32 $0x40, s0;
	s29 =	sadd.s32 $0x4, s29;
	v16 =	vld [tilespmem:s3+$0x4000]  }
0x1c5: {  	s1 =	sor.u32 $0x2000, s1;
	s3 =	sor.u32 $0x30, s4;
	p1 =	slt.u32 s29, $0x1FC;
	v17 =	vld [tilespmem:s2+$0x4000]  }
0x1c6: {  	s2 =	sor.u32 $0x10, s4;
	s5 =	sor.u32 $0x20, s4;
	s6 =	sor.u32 s3, s1;
	[tilespmem:v14+s20+$0x0] =	vst.idx.add.f32.msk $0xffff, v15  }
0x1c7: {  	s7 =	sor.u32 s4, s1;
	s8 =	sor.u32 s2, s1;
	s1 =	sor.u32 s5, s1;
	v15 =	vld [tilespmem:s6+$0x0]  }
0x1c8: {  	s28 =	sadd.s32 $0x100, s28;
	v14 =	vld [tilespmem:s8+$0x0]  }
0x1c9: {  	s6 =	sand.u32 $0x7E00, s28;
	v18 =	vld [tilespmem:s1+$0x0]  }
0x1ca: {  	s6 =	sadd.s32 $0x4000, s6;
	v19 =	vld [tilespmem:s7+$0x0]  }
0x1cb: {  	s1 =	sor.u32 s4, s6;
	s2 =	sor.u32 s2, s6;
	s3 =	sor.u32 s3, s6;
	[tilespmem:v13+s20+$0x0] =	vst.idx.add.f32.msk $0xffff, v16  }
0x1cc: {  	s4 =	sor.u32 s5, s6;
	v16 =	vadd.s32 $0x1980, v15;
	v20 =	vld [tilespmem:s3+$0x0]  }
0x1cd: {  	v21 =	vld [tilespmem:s1+$0x0];
	v22 =	vadd.s32 $0x880, v14;
	v23 =	vadd.s32 $0x8C0, v14;
	v24 =	vadd.s32 $0x900, v14  }
0x1ce: {  	v25 =	vld [tilespmem:s2+$0x0];
	v26 =	vadd.s32 $0x1100, v18;
	v27 =	vadd.s32 $0x1140, v18;
	v28 =	vadd.s32 $0x1180, v18  }
0x1cf: {  	v29 =	vadd.s32 $0x40, v19;
	v30 =	vadd.s32 $0x80, v19;
	v31 =	vadd.s32 $0xC0, v19;
	v32 =	vld [tilespmem:s4+$0x0]  }
0x1d0: {  	v14 =	vadd.s32 $0x940, v14;
	v13 =	vadd.s32 $0x11C0, v18;
	[tilespmem:v12+s20+$0x0] =	vst.idx.add.f32.msk $0xffff, v17;
	v12 =	vmov v31  }
0x1d1: {  	[tilespmem:v16+s20+$0x0] =	vst.idx.add.f32.msk $0xffff, v20  }
0x1d2: {  	p0 =	por !p0, !p0;
	v17 =	vadd.s32 $0x19C0, v15;
	v16 =	vld [tilespmem:s3+$0x80];
	s3 =	simm.s32 $0x1  }
0x1d3: {  	s3 =	simm.s32 @!p0 $0x0;
	[tilespmem:v22+s20+$0x0] =	vst.idx.add.f32.msk $0xffff, v25  }
0x1d4: {  	s3 =	sshll.u32 s3, $0x6;
	[tilespmem:v26+s20+$0x0] =	vst.idx.add.f32.msk $0xffff, v32  }
0x1d5: {  	s5 =	sadd.s32 s3, s28;
	[tilespmem:v19+s20+$0x0] =	vst.idx.add.f32.msk $0xffff, v21  }
0x1d6: {  	v18 =	vld [tilespmem:s2+$0x80];
	s2 =	sadd.s32 $0x10, s5;
	s3 =	sadd.s32 $0x20, s5;
	s6 =	sadd.s32 $0x30, s5  }
0x1d7: {  	s7 =	sor.u32 $0x100, s2;
	s8 =	sor.u32 $0x100, s3;
	[tilespmem:v17+s20+$0x0] =	vst.idx.add.f32.msk $0xffff, v16;
	s16 =	sor.u32 $0x100, s6  }
0x1d8: {  	s17 =	sor.u32 $0x100, s5;
	s30 =	sor.u32 $0x180, s2;
	s3 =	sor.u32 $0x180, s3;
	v17 =	vadd.s32 $0x1A00, v15;
	v16 =	vld [tilespmem:s16+$0x4000]  }
0x1d9: {  	s2 =	sor.u32 $0x180, s5;
	v19 =	vld [tilespmem:s4+$0x80]  }
0x1da: {  	v20 =	vld [tilespmem:s1+$0x80]  }
0x1db: {  	[tilespmem:v23+s20+$0x0] =	vst.idx.add.f32.msk $0xffff, v18  }
0x1dc: {  	v18 =	vld [tilespmem:s7+$0x4000]  }
0x1dd: {  	s1 =	sor.u32 $0x180, s6;
	[tilespmem:v17+s20+$0x0] =	vst.idx.add.f32.msk $0xffff, v16  }
0x1de: {  	v15 =	vadd.s32 $0x1A40, v15;
	v16 =	vld [tilespmem:s1+$0x4000]  }
0x1df: {  	[tilespmem:v27+s20+$0x0] =	vst.idx.add.f32.msk $0xffff, v19  }
0x1e0: {  	[tilespmem:v29+s20+$0x0] =	vst.idx.add.f32.msk $0xffff, v20  }
0x1e1: {  	v17 =	vld [tilespmem:s8+$0x4000]  }
0x1e2: {  	v19 =	vld [tilespmem:s17+$0x4000]  }
.Ltmp7:
0x1e3: {  	[tilespmem:v15+s20+$0x0] =	vst.idx.add.f32.msk $0xffff, v16;
	(pc) =	sbr.rel @p1 .LBB2_16-.Ltmp7, $4  }
0x1e4: {  	[tilespmem:v24+s20+$0x0] =	vst.idx.add.f32.msk $0xffff, v18  }
0x1e5: {  	v15 =	vld [tilespmem:s30+$0x4000]  }
0x1e6: {  	[tilespmem:v28+s20+$0x0] =	vst.idx.add.f32.msk $0xffff, v17  }
0x1e7: {  	s0 =	sadd.s32 $0x40, s0;
	[tilespmem:v30+s20+$0x0] =	vst.idx.add.f32.msk $0xffff, v19  }
0x1e8: {  	v16 =	vld [tilespmem:s3+$0x4000]  }
0x1e9: {  	v17 =	vld [tilespmem:s2+$0x4000];
	_ =	sdelay $0x2  }
0x1ea: {  	[tilespmem:v14+s20+$0x0] =	vst.idx.add.f32.msk $0xffff, v15  }
0x1eb: {  	[tilespmem:v13+s20+$0x0] =	vst.idx.add.f32.msk $0xffff, v16  }
0x1ec: {  	s28 =	simm.s32 $0x0;
	[tilespmem:v12+s20+$0x0] =	vst.idx.add.f32.msk $0xffff, v17  }
0x1ed: {  	[tilespmem:s23], [sflag:$0x1] =	stream.strided.gather [hbm4b:s11+s21], $0x8000, s22, s21, $0x38;
	[tilespmem:$0x16200] =	vst v63  }
0x1ee: {  	s0 =	sand.u32 $0x1F80, s28;
	s1 =	sand.u32 $0x40, s28;
	_ =	swait.ge [sflag:s19], $0x8000  }
0x1ef: {  	s30 =	sor.u32 $0x2000, s0;
	s4 =	sor.u32 $0x30, s1;
	[sflag:s19] =	ssyncset.done $0x0  }
0x1f0: {  	s0 =	sor.u32 s4, s30;
	[sflag:s19] =	ssyncadd.s32 $0xFFFF8000  }
0x1f1: {  	s5 =	sor.u32 s1, s30;
	v12 =	vld [tilespmem:s0+$0x0]  }
0x1f2: {  	s2 =	sor.u32 $0x20, s1;
	v13 =	vld [tilespmem:s5+$0x0]  }
0x1f3: {  	s3 =	sor.u32 s2, s30;
	s0 =	sor.u32 $0x10, s1;
	s5 =	sand.u32 $0x7E00, s28  }
0x1f4: {  	v17 =	vld [tilespmem:s3+$0x0];
	s6 =	sor.u32 s0, s30;
	s31 =	sadd.s32 $0xC000, s5  }
0x1f5: {  	v16 =	vld [tilespmem:s6+$0x0];
	s8 =	sor.u32 s4, s31  }
0x1f6: {  	s16 =	sor.u32 s1, s31;
	v14 =	vld [tilespmem:s8+$0x0];
	v15 =	vadd.s32 $0x1A80, v12  }
0x1f7: {  	v18 =	vld [tilespmem:s16+$0x0];
	v19 =	vadd.s32 $0x100, v13  }
0x1f8: {  	s17 =	sor.u32 s2, s31  }
0x1f9: {  	s7 =	sor.u32 s0, s31;
	v22 =	vld [tilespmem:s17+$0x0];
	v23 =	vadd.s32 $0x1200, v17  }
0x1fa: {  	v20 =	vld [tilespmem:s7+$0x0]  }
0x1fb: {  	s30 =	sadd.s32 $0xC080, s5;
	[tilespmem:v15+s20+$0x0] =	vst.idx.add.f32.msk $0xffff, v14  }
0x1fc: {  	s8 =	sor.u32 s4, s30;
	v21 =	vadd.s32 $0x980, v16;
	[tilespmem:v19+s20+$0x0] =	vst.idx.add.f32.msk $0xffff, v18  }
0x1fd: {  	v15 =	vadd.s32 $0x1AC0, v12;
	v14 =	vld [tilespmem:s8+$0x0]  }
0x1fe: {  	s16 =	sor.u32 s1, s30;
	[tilespmem:v23+s20+$0x0] =	vst.idx.add.f32.msk $0xffff, v22  }
0x1ff: {  	s3 =	sor.u32 s2, s30;
	v19 =	vld [tilespmem:s16+$0x0]  }
0x200: {  	v59 =	vadd.s32 $0x140, v13;
	v22 =	vld [tilespmem:s3+$0x0]  }
0x201: {  	s17 =	sadd.s32 $0xC100, s5;
	v61 =	vadd.s32 $0x1240, v17;
	[tilespmem:v21+s20+$0x0] =	vst.idx.add.f32.msk $0xffff, v20  }
0x202: {  	s31 =	sor.u32 s4, s17;
	[tilespmem:v15+s20+$0x0] =	vst.idx.add.f32.msk $0xffff, v14  }
0x203: {  	s8 =	sor.u32 s0, s30;
	v15 =	vadd.s32 $0x1B00, v12;
	v14 =	vld [tilespmem:s31+$0x0]  }
0x204: {  	v20 =	vld [tilespmem:s8+$0x0]  }
0x205: {  	v60 =	vadd.s32 $0x9C0, v16;
	[tilespmem:v59+s20+$0x0] =	vst.idx.add.f32.msk $0xffff, v19  }
0x206: {  	s8 =	sor.u32 s1, s17;
	[tilespmem:v61+s20+$0x0] =	vst.idx.add.f32.msk $0xffff, v22  }
0x207: {  	s16 =	sadd.s32 $0xC180, s5;
	v18 =	vld [tilespmem:s8+$0x0]  }
0x208: {  	s4 =	sor.u32 s4, s16;
	[tilespmem:v15+s20+$0x0] =	vst.idx.add.f32.msk $0xffff, v14;
	v15 =	vadd.s32 $0x180, v13  }
0x209: {  	v12 =	vadd.s32 $0x1B40, v12;
	v14 =	vld [tilespmem:s4+$0x0]  }
0x20a: {  	s31 =	sor.u32 s2, s17;
	[tilespmem:v60+s20+$0x0] =	vst.idx.add.f32.msk $0xffff, v20  }
0x20b: {  	v63 =	vadd.s32 $0x1280, v17;
	s30 =	sor.u32 s0, s17;
	v22 =	vld [tilespmem:s31+$0x0]  }
0x20c: {  	v62 =	vadd.s32 $0xA00, v16;
	v20 =	vld [tilespmem:s30+$0x0]  }
0x20d: {  	[tilespmem:v15+s20+$0x0] =	vst.idx.add.f32.msk $0xffff, v18  }
0x20e: {  	s1 =	sor.u32 s1, s16;
	[tilespmem:v12+s20+$0x0] =	vst.idx.add.f32.msk $0xffff, v14  }
0x20f: {  	v15 =	vld [tilespmem:s1+$0x0];
	v14 =	vadd.s32 $0x1C0, v13  }
0x210: {  	s29 =	simm.s32 $0x0;
	[tilespmem:v63+s20+$0x0] =	vst.idx.add.f32.msk $0xffff, v22  }
0x211: {  	s3 =	sor.u32 s2, s16;
	s17 =	sor.u32 s0, s16;
	s0 =	simm.s32 $0x40;
	[tilespmem:v62+s20+$0x0] =	vst.idx.add.f32.msk $0xffff, v20;
	v13 =	vadd.s32 $0xA40, v16;
	v12 =	vadd.s32 $0x12C0, v17  }
.LBB2_18:
0x212: {  	s2 =	sand.u32 $0x1F80, s0;
	s1 =	sand.u32 $0x40, s0;
	s29 =	sadd.s32 $0x4, s29;
	v16 =	vld [tilespmem:s17+$0x0]  }
0x213: {  	s4 =	sor.u32 $0x2000, s2;
	s2 =	sor.u32 $0x30, s1;
	p0 =	slt.u32 s29, $0x1FC;
	v17 =	vld [tilespmem:s3+$0x0]  }
0x214: {  	s17 =	sor.u32 $0x10, s1;
	s16 =	sor.u32 $0x20, s1;
	s3 =	sor.u32 s2, s4;
	[tilespmem:v14+s20+$0x0] =	vst.idx.add.f32.msk $0xffff, v15  }
0x215: {  	s5 =	sor.u32 s1, s4;
	s6 =	sor.u32 s17, s4;
	s4 =	sor.u32 s16, s4;
	v15 =	vld [tilespmem:s3+$0x0]  }
0x216: {  	s28 =	sadd.s32 $0x100, s28;
	v14 =	vld [tilespmem:s5+$0x0]  }
0x217: {  	s30 =	sand.u32 $0x7E00, s28;
	v18 =	vld [tilespmem:s6+$0x0]  }
0x218: {  	s3 =	sadd.s32 $0xC000, s30;
	v19 =	vld [tilespmem:s4+$0x0]  }
0x219: {  	s5 =	sor.u32 s17, s3;
	s6 =	sor.u32 s2, s3;
	s4 =	sor.u32 s1, s3;
	[tilespmem:v13+s20+$0x0] =	vst.idx.add.f32.msk $0xffff, v16  }
0x21a: {  	s3 =	sor.u32 s16, s3;
	v16 =	vld [tilespmem:s6+$0x0];
	v20 =	vadd.s32 $0x1A80, v15  }
0x21b: {  	v21 =	vld [tilespmem:s4+$0x0];
	v22 =	vadd.s32 $0x100, v14;
	v23 =	vadd.s32 $0x140, v14;
	v24 =	vadd.s32 $0x180, v14  }
0x21c: {  	v25 =	vld [tilespmem:s5+$0x0];
	v26 =	vadd.s32 $0x980, v18;
	v27 =	vadd.s32 $0x9C0, v18;
	v28 =	vadd.s32 $0xA00, v18  }
0x21d: {  	v29 =	vld [tilespmem:s3+$0x0];
	v30 =	vadd.s32 $0x1200, v19;
	v31 =	vadd.s32 $0x1240, v19;
	v32 =	vadd.s32 $0x1280, v19  }
0x21e: {  	v14 =	vadd.s32 $0x1C0, v14;
	v13 =	vadd.s32 $0xA40, v18;
	s3 =	sadd.s32 $0xC080, s30;
	[tilespmem:v12+s20+$0x0] =	vst.idx.add.f32.msk $0xffff, v17;
	v12 =	vadd.s32 $0x12C0, v19  }
0x21f: {  	s4 =	sor.u32 s1, s3;
	s5 =	sor.u32 s17, s3;
	s6 =	sor.u32 s2, s3;
	[tilespmem:v20+s20+$0x0] =	vst.idx.add.f32.msk $0xffff, v16  }
0x220: {  	s3 =	sor.u32 s16, s3;
	v17 =	vadd.s32 $0x1AC0, v15;
	v16 =	vld [tilespmem:s6+$0x0]  }
0x221: {  	[tilespmem:v22+s20+$0x0] =	vst.idx.add.f32.msk $0xffff, v21  }
0x222: {  	[tilespmem:v26+s20+$0x0] =	vst.idx.add.f32.msk $0xffff, v25  }
0x223: {  	[tilespmem:v30+s20+$0x0] =	vst.idx.add.f32.msk $0xffff, v29  }
0x224: {  	v18 =	vld [tilespmem:s4+$0x0];
	s4 =	sadd.s32 $0xC100, s30  }
0x225: {  	s6 =	sor.u32 s1, s4;
	s7 =	sor.u32 s17, s4;
	[tilespmem:v17+s20+$0x0] =	vst.idx.add.f32.msk $0xffff, v16;
	s8 =	sor.u32 s2, s4  }
0x226: {  	s4 =	sor.u32 s16, s4;
	v17 =	vadd.s32 $0x1B00, v15;
	v16 =	vld [tilespmem:s8+$0x0]  }
0x227: {  	v19 =	vld [tilespmem:s5+$0x0]  }
0x228: {  	v20 =	vld [tilespmem:s3+$0x0]  }
0x229: {  	[tilespmem:v23+s20+$0x0] =	vst.idx.add.f32.msk $0xffff, v18  }
0x22a: {  	s3 =	sadd.s32 $0xC180, s30;
	v18 =	vld [tilespmem:s6+$0x0]  }
0x22b: {  	s1 =	sor.u32 s1, s3;
	s17 =	sor.u32 s17, s3;
	s2 =	sor.u32 s2, s3;
	[tilespmem:v17+s20+$0x0] =	vst.idx.add.f32.msk $0xffff, v16  }
0x22c: {  	v15 =	vadd.s32 $0x1B40, v15;
	s3 =	sor.u32 s16, s3;
	v16 =	vld [tilespmem:s2+$0x0]  }
0x22d: {  	[tilespmem:v27+s20+$0x0] =	vst.idx.add.f32.msk $0xffff, v19  }
0x22e: {  	[tilespmem:v31+s20+$0x0] =	vst.idx.add.f32.msk $0xffff, v20  }
0x22f: {  	v17 =	vld [tilespmem:s7+$0x0]  }
0x230: {  	v19 =	vld [tilespmem:s4+$0x0]  }
.Ltmp8:
0x231: {  	[tilespmem:v15+s20+$0x0] =	vst.idx.add.f32.msk $0xffff, v16;
	(pc) =	sbr.rel @p0 .LBB2_18-.Ltmp8, $4  }
0x232: {  	[tilespmem:v24+s20+$0x0] =	vst.idx.add.f32.msk $0xffff, v18  }
0x233: {  	v15 =	vld [tilespmem:s1+$0x0]  }
0x234: {  	[tilespmem:v28+s20+$0x0] =	vst.idx.add.f32.msk $0xffff, v17  }
0x235: {  	s0 =	sadd.s32 $0x40, s0;
	[tilespmem:v32+s20+$0x0] =	vst.idx.add.f32.msk $0xffff, v19  }
0x236: {  	v16 =	vld [tilespmem:s17+$0x0]  }
0x237: {  	v17 =	vld [tilespmem:s3+$0x0];
	_ =	sdelay $0x2  }
0x238: {  	[tilespmem:v14+s20+$0x0] =	vst.idx.add.f32.msk $0xffff, v15  }
0x239: {  	[tilespmem:v13+s20+$0x0] =	vst.idx.add.f32.msk $0xffff, v16  }
0x23a: {  	s28 =	simm.s32 $0x0;
	[tilespmem:v12+s20+$0x0] =	vst.idx.add.f32.msk $0xffff, v17  }
0x23b: {  	[tilespmem:s24], [sflag:$0x2] =	stream.strided.gather [hbm4b:s12+s21], $0x8000, s22, s21, $0x38;
	[tilespmem:$0x16200] =	vst v63  }
0x23c: {  	s0 =	sand.u32 $0x1F80, s28;
	s1 =	sand.u32 $0x40, s28;
	_ =	swait.ge [sflag:s18], $0x8000  }
0x23d: {  	s0 =	sor.u32 $0x2000, s0;
	s2 =	sor.u32 $0x30, s1;
	[sflag:s18] =	ssyncset.done $0x0  }
0x23e: {  	s17 =	sor.u32 s2, s0;
	[sflag:s18] =	ssyncadd.s32 $0xFFFF8000  }
0x23f: {  	s4 =	sor.u32 s1, s0;
	v12 =	vld [tilespmem:s17+$0x0]  }
0x240: {  	s30 =	sor.u32 $0x10, s1;
	v13 =	vld [tilespmem:s4+$0x0]  }
0x241: {  	s31 =	sand.u32 $0x7E00, s28;
	s5 =	sor.u32 $0x20, s1;
	s6 =	sor.u32 s30, s0  }
0x242: {  	s0 =	sor.u32 s5, s0;
	v16 =	vld [tilespmem:s6+$0x0];
	s4 =	sadd.s32 $0x4000, s31  }
0x243: {  	v17 =	vld [tilespmem:s0+$0x0];
	s2 =	sor.u32 s2, s4  }
0x244: {  	s1 =	sor.u32 s1, s4;
	v14 =	vld [tilespmem:s2+$0x0];
	v15 =	vadd.s32 $0x1B80, v12  }
0x245: {  	v18 =	vld [tilespmem:s1+$0x0];
	v19 =	vadd.s32 $0x200, v13  }
0x246: {  	s3 =	sor.u32 s30, s4  }
0x247: {  	s5 =	sor.u32 s5, s4;
	v20 =	vld [tilespmem:s3+$0x0];
	v21 =	vadd.s32 $0xA80, v16  }
0x248: {  	v22 =	vld [tilespmem:s5+$0x0];
	v23 =	vadd.s32 $0x1300, v17  }
0x249: {  	[tilespmem:v15+s20+$0x0] =	vst.idx.add.f32.msk $0xffff, v14  }
0x24a: {  	[tilespmem:v19+s20+$0x0] =	vst.idx.add.f32.msk $0xffff, v18  }
0x24b: {  	p0 =	por $0x0, $0x0;
	s0 =	simm.s32 $0x1;
	v15 =	vadd.s32 $0x1BC0, v12;
	v14 =	vld [tilespmem:s2+$0x80]  }
0x24c: {  	s0 =	simm.s32 @!p0 $0x0;
	[tilespmem:v21+s20+$0x0] =	vst.idx.add.f32.msk $0xffff, v20  }
0x24d: {  	s0 =	sshll.u32 s0, $0x6;
	[tilespmem:v23+s20+$0x0] =	vst.idx.add.f32.msk $0xffff, v22  }
0x24e: {  	s0 =	sadd.s32 $0x0, s0;
	v59 =	vadd.s32 $0x240, v13;
	v19 =	vld [tilespmem:s1+$0x80]  }
0x24f: {  	s6 =	sadd.s32 $0x30, s0;
	v60 =	vadd.s32 $0xAC0, v16;
	v20 =	vld [tilespmem:s3+$0x80]  }
0x250: {  	s7 =	sor.u32 $0x100, s6;
	[tilespmem:v15+s20+$0x0] =	vst.idx.add.f32.msk $0xffff, v14  }
0x251: {  	v15 =	vadd.s32 $0x1C00, v12;
	v14 =	vld [tilespmem:s7+$0x4000]  }
0x252: {  	v22 =	vld [tilespmem:s5+$0x80]  }
0x253: {  	v61 =	vadd.s32 $0x1340, v17;
	[tilespmem:v59+s20+$0x0] =	vst.idx.add.f32.msk $0xffff, v19  }
0x254: {  	s8 =	sor.u32 $0x100, s0;
	[tilespmem:v60+s20+$0x0] =	vst.idx.add.f32.msk $0xffff, v20  }
0x255: {  	v18 =	vld [tilespmem:s8+$0x4000]  }
0x256: {  	s1 =	sor.u32 $0x180, s6;
	[tilespmem:v15+s20+$0x0] =	vst.idx.add.f32.msk $0xffff, v14;
	v15 =	vadd.s32 $0x280, v13  }
0x257: {  	s16 =	sadd.s32 $0x10, s0;
	v12 =	vadd.s32 $0x1C40, v12;
	v14 =	vld [tilespmem:s1+$0x4000]  }
0x258: {  	s17 =	sadd.s32 $0x20, s0;
	s30 =	sor.u32 $0x100, s16;
	[tilespmem:v61+s20+$0x0] =	vst.idx.add.f32.msk $0xffff, v22  }
0x259: {  	v62 =	vadd.s32 $0xB00, v16;
	s31 =	sor.u32 $0x100, s17;
	v20 =	vld [tilespmem:s30+$0x4000]  }
0x25a: {  	v63 =	vadd.s32 $0x1380, v17;
	v22 =	vld [tilespmem:s31+$0x4000]  }
0x25b: {  	[tilespmem:v15+s20+$0x0] =	vst.idx.add.f32.msk $0xffff, v18  }
0x25c: {  	s0 =	sor.u32 $0x180, s0;
	[tilespmem:v12+s20+$0x0] =	vst.idx.add.f32.msk $0xffff, v14  }
0x25d: {  	v15 =	vld [tilespmem:s0+$0x4000];
	v14 =	vadd.s32 $0x2C0, v13  }
0x25e: {  	s29 =	simm.s32 $0x0;
	[tilespmem:v62+s20+$0x0] =	vst.idx.add.f32.msk $0xffff, v20  }
0x25f: {  	s2 =	sor.u32 $0x180, s16;
	[tilespmem:v63+s20+$0x0] =	vst.idx.add.f32.msk $0xffff, v22;
	s1 =	sor.u32 $0x180, s17;
	v13 =	vadd.s32 $0xB40, v16;
	v12 =	vadd.s32 $0x13C0, v17;
	s0 =	simm.s32 $0x40  }
.LBB2_20:
0x260: {  	s3 =	sand.u32 $0x1F80, s0;
	s4 =	sand.u32 $0x40, s0;
	s29 =	sadd.s32 $0x4, s29;
	v16 =	vld [tilespmem:s2+$0x4000]  }
0x261: {  	s2 =	sor.u32 $0x2000, s3;
	s3 =	sor.u32 $0x30, s4;
	p1 =	slt.u32 s29, $0x1FC;
	v17 =	vld [tilespmem:s1+$0x4000]  }
0x262: {  	s1 =	sor.u32 $0x10, s4;
	s5 =	sor.u32 $0x20, s4;
	s6 =	sor.u32 s3, s2;
	[tilespmem:v14+s20+$0x0] =	vst.idx.add.f32.msk $0xffff, v15  }
0x263: {  	s7 =	sor.u32 s4, s2;
	s8 =	sor.u32 s1, s2;
	s2 =	sor.u32 s5, s2;
	v15 =	vld [tilespmem:s6+$0x0]  }
0x264: {  	s28 =	sadd.s32 $0x100, s28;
	v14 =	vld [tilespmem:s7+$0x0]  }
0x265: {  	s6 =	sand.u32 $0x7E00, s28;
	v18 =	vld [tilespmem:s8+$0x0]  }
0x266: {  	s6 =	sadd.s32 $0x4000, s6;
	v19 =	vld [tilespmem:s2+$0x0]  }
0x267: {  	s2 =	sor.u32 s4, s6;
	s4 =	sor.u32 s1, s6;
	s1 =	sor.u32 s3, s6;
	[tilespmem:v13+s20+$0x0] =	vst.idx.add.f32.msk $0xffff, v16  }
0x268: {  	s3 =	sor.u32 s5, s6;
	v16 =	vld [tilespmem:s1+$0x0];
	v20 =	vadd.s32 $0x1B80, v15  }
0x269: {  	v21 =	vld [tilespmem:s2+$0x0];
	v22 =	vadd.s32 $0x200, v14;
	v23 =	vadd.s32 $0x240, v14;
	v24 =	vadd.s32 $0x280, v14  }
0x26a: {  	v25 =	vld [tilespmem:s4+$0x0];
	v26 =	vadd.s32 $0xA80, v18;
	v27 =	vadd.s32 $0xAC0, v18;
	v28 =	vadd.s32 $0xB00, v18  }
0x26b: {  	v29 =	vld [tilespmem:s3+$0x0];
	v30 =	vadd.s32 $0x1300, v19;
	v31 =	vadd.s32 $0x1340, v19;
	v32 =	vadd.s32 $0x1380, v19  }
0x26c: {  	v14 =	vadd.s32 $0x2C0, v14;
	v13 =	vadd.s32 $0xB40, v18;
	[tilespmem:v12+s20+$0x0] =	vst.idx.add.f32.msk $0xffff, v17;
	v12 =	vadd.s32 $0x13C0, v19  }
0x26d: {  	[tilespmem:v20+s20+$0x0] =	vst.idx.add.f32.msk $0xffff, v16  }
0x26e: {  	p0 =	por !p0, !p0;
	v17 =	vadd.s32 $0x1BC0, v15;
	v16 =	vld [tilespmem:s1+$0x80];
	s1 =	simm.s32 $0x1  }
0x26f: {  	s1 =	simm.s32 @!p0 $0x0;
	[tilespmem:v22+s20+$0x0] =	vst.idx.add.f32.msk $0xffff, v21  }
0x270: {  	s1 =	sshll.u32 s1, $0x6;
	[tilespmem:v26+s20+$0x0] =	vst.idx.add.f32.msk $0xffff, v25  }
0x271: {  	s5 =	sadd.s32 s1, s28;
	[tilespmem:v30+s20+$0x0] =	vst.idx.add.f32.msk $0xffff, v29  }
0x272: {  	v18 =	vld [tilespmem:s2+$0x80];
	s1 =	sadd.s32 $0x10, s5;
	s6 =	sadd.s32 $0x20, s5;
	s7 =	sadd.s32 $0x30, s5  }
0x273: {  	s8 =	sor.u32 $0x100, s1;
	s16 =	sor.u32 $0x100, s6;
	[tilespmem:v17+s20+$0x0] =	vst.idx.add.f32.msk $0xffff, v16;
	s17 =	sor.u32 $0x100, s7  }
0x274: {  	s30 =	sor.u32 $0x100, s5;
	s2 =	sor.u32 $0x180, s1;
	s1 =	sor.u32 $0x180, s6;
	v17 =	vadd.s32 $0x1C00, v15;
	v16 =	vld [tilespmem:s17+$0x4000]  }
0x275: {  	s5 =	sor.u32 $0x180, s5;
	v19 =	vld [tilespmem:s4+$0x80]  }
0x276: {  	v20 =	vld [tilespmem:s3+$0x80]  }
0x277: {  	[tilespmem:v23+s20+$0x0] =	vst.idx.add.f32.msk $0xffff, v18  }
0x278: {  	v18 =	vld [tilespmem:s30+$0x4000]  }
0x279: {  	s3 =	sor.u32 $0x180, s7;
	[tilespmem:v17+s20+$0x0] =	vst.idx.add.f32.msk $0xffff, v16  }
0x27a: {  	v15 =	vadd.s32 $0x1C40, v15;
	v16 =	vld [tilespmem:s3+$0x4000]  }
0x27b: {  	[tilespmem:v27+s20+$0x0] =	vst.idx.add.f32.msk $0xffff, v19  }
0x27c: {  	[tilespmem:v31+s20+$0x0] =	vst.idx.add.f32.msk $0xffff, v20  }
0x27d: {  	v17 =	vld [tilespmem:s8+$0x4000]  }
0x27e: {  	v19 =	vld [tilespmem:s16+$0x4000]  }
.Ltmp9:
0x27f: {  	[tilespmem:v15+s20+$0x0] =	vst.idx.add.f32.msk $0xffff, v16;
	(pc) =	sbr.rel @p1 .LBB2_20-.Ltmp9, $4  }
0x280: {  	[tilespmem:v24+s20+$0x0] =	vst.idx.add.f32.msk $0xffff, v18  }
0x281: {  	v15 =	vld [tilespmem:s5+$0x4000]  }
0x282: {  	[tilespmem:v28+s20+$0x0] =	vst.idx.add.f32.msk $0xffff, v17  }
0x283: {  	s0 =	sadd.s32 $0x40, s0;
	[tilespmem:v32+s20+$0x0] =	vst.idx.add.f32.msk $0xffff, v19  }
0x284: {  	v16 =	vld [tilespmem:s2+$0x4000]  }
0x285: {  	v17 =	vld [tilespmem:s1+$0x4000];
	_ =	sdelay $0x2  }
0x286: {  	[tilespmem:v14+s20+$0x0] =	vst.idx.add.f32.msk $0xffff, v15  }
0x287: {  	[tilespmem:v13+s20+$0x0] =	vst.idx.add.f32.msk $0xffff, v16  }
0x288: {  	s28 =	simm.s32 $0x0;
	[tilespmem:v12+s20+$0x0] =	vst.idx.add.f32.msk $0xffff, v17  }
0x289: {  	s0 =	sand.u32 $0x1F80, s28;
	s1 =	sand.u32 $0x40, s28;
	_ =	swait.ge [sflag:s19], $0x8000  }
0x28a: {  	s3 =	sor.u32 $0x2000, s0;
	s4 =	sor.u32 $0x30, s1;
	[sflag:s19] =	ssyncset.done $0x0  }
0x28b: {  	s0 =	sor.u32 s4, s3;
	[sflag:s19] =	ssyncadd.s32 $0xFFFF8000  }
0x28c: {  	s5 =	sor.u32 s1, s3;
	v12 =	vld [tilespmem:s0+$0x0]  }
0x28d: {  	s0 =	sor.u32 $0x10, s1;
	v13 =	vld [tilespmem:s5+$0x0]  }
0x28e: {  	s2 =	sor.u32 $0x20, s1;
	s5 =	sand.u32 $0x7E00, s28;
	s6 =	sor.u32 s0, s3  }
0x28f: {  	s3 =	sor.u32 s2, s3;
	s31 =	sadd.s32 $0xC000, s5;
	v16 =	vld [tilespmem:s6+$0x0]  }
0x290: {  	v17 =	vld [tilespmem:s3+$0x0];
	s8 =	sor.u32 s4, s31  }
0x291: {  	s16 =	sor.u32 s1, s31;
	v14 =	vld [tilespmem:s8+$0x0];
	v15 =	vadd.s32 $0x1C80, v12  }
0x292: {  	v18 =	vld [tilespmem:s16+$0x0];
	v19 =	vadd.s32 $0x300, v13  }
0x293: {  	s7 =	sor.u32 s0, s31  }
0x294: {  	s17 =	sor.u32 s2, s31;
	v20 =	vld [tilespmem:s7+$0x0]  }
0x295: {  	v22 =	vld [tilespmem:s17+$0x0];
	v21 =	vadd.s32 $0xB80, v16  }
0x296: {  	s30 =	sadd.s32 $0xC080, s5;
	v23 =	vadd.s32 $0x1400, v17;
	[tilespmem:v15+s20+$0x0] =	vst.idx.add.f32.msk $0xffff, v14  }
0x297: {  	s8 =	sor.u32 s4, s30;
	[tilespmem:v19+s20+$0x0] =	vst.idx.add.f32.msk $0xffff, v18  }
0x298: {  	s16 =	sor.u32 s1, s30;
	v15 =	vadd.s32 $0x1CC0, v12;
	v14 =	vld [tilespmem:s8+$0x0]  }
0x299: {  	v19 =	vld [tilespmem:s16+$0x0]  }
0x29a: {  	[tilespmem:v21+s20+$0x0] =	vst.idx.add.f32.msk $0xffff, v20  }
0x29b: {  	v59 =	vadd.s32 $0x340, v13;
	s8 =	sor.u32 s0, s30;
	[tilespmem:v23+s20+$0x0] =	vst.idx.add.f32.msk $0xffff, v22  }
0x29c: {  	s17 =	sadd.s32 $0xC100, s5;
	v20 =	vld [tilespmem:s8+$0x0]  }
0x29d: {  	s31 =	sor.u32 s4, s17;
	v60 =	vadd.s32 $0xBC0, v16;
	[tilespmem:v15+s20+$0x0] =	vst.idx.add.f32.msk $0xffff, v14  }
0x29e: {  	s3 =	sor.u32 s2, s30;
	v15 =	vadd.s32 $0x1D00, v12;
	v14 =	vld [tilespmem:s31+$0x0]  }
0x29f: {  	v22 =	vld [tilespmem:s3+$0x0]  }
0x2a0: {  	v61 =	vadd.s32 $0x1440, v17;
	s8 =	sor.u32 s1, s17;
	[tilespmem:v59+s20+$0x0] =	vst.idx.add.f32.msk $0xffff, v19  }
0x2a1: {  	v18 =	vld [tilespmem:s8+$0x0]  }
0x2a2: {  	s16 =	sadd.s32 $0xC180, s5;
	[tilespmem:v60+s20+$0x0] =	vst.idx.add.f32.msk $0xffff, v20  }
0x2a3: {  	s4 =	sor.u32 s4, s16;
	[tilespmem:v15+s20+$0x0] =	vst.idx.add.f32.msk $0xffff, v14;
	v15 =	vadd.s32 $0x380, v13  }
0x2a4: {  	v12 =	vadd.s32 $0x1D40, v12;
	v14 =	vld [tilespmem:s4+$0x0]  }
0x2a5: {  	s30 =	sor.u32 s0, s17;
	[tilespmem:v61+s20+$0x0] =	vst.idx.add.f32.msk $0xffff, v22  }
0x2a6: {  	v62 =	vadd.s32 $0xC00, v16;
	s31 =	sor.u32 s2, s17;
	v20 =	vld [tilespmem:s30+$0x0]  }
0x2a7: {  	v63 =	vadd.s32 $0x1480, v17;
	v22 =	vld [tilespmem:s31+$0x0]  }
0x2a8: {  	[tilespmem:v15+s20+$0x0] =	vst.idx.add.f32.msk $0xffff, v18  }
0x2a9: {  	s1 =	sor.u32 s1, s16;
	[tilespmem:v12+s20+$0x0] =	vst.idx.add.f32.msk $0xffff, v14  }
0x2aa: {  	v15 =	vld [tilespmem:s1+$0x0];
	v14 =	vadd.s32 $0x3C0, v13  }
0x2ab: {  	s29 =	simm.s32 $0x0;
	[tilespmem:v62+s20+$0x0] =	vst.idx.add.f32.msk $0xffff, v20  }
0x2ac: {  	s3 =	sor.u32 s2, s16;
	s17 =	sor.u32 s0, s16;
	s0 =	simm.s32 $0x40;
	[tilespmem:v63+s20+$0x0] =	vst.idx.add.f32.msk $0xffff, v22;
	v13 =	vadd.s32 $0xC40, v16;
	v12 =	vadd.s32 $0x14C0, v17  }
.LBB2_22:
0x2ad: {  	s2 =	sand.u32 $0x1F80, s0;
	s1 =	sand.u32 $0x40, s0;
	s29 =	sadd.s32 $0x4, s29;
	v16 =	vld [tilespmem:s17+$0x0]  }
0x2ae: {  	s4 =	sor.u32 $0x2000, s2;
	s2 =	sor.u32 $0x30, s1;
	p0 =	slt.u32 s29, $0x1FC;
	v17 =	vld [tilespmem:s3+$0x0]  }
0x2af: {  	s17 =	sor.u32 $0x10, s1;
	s16 =	sor.u32 $0x20, s1;
	s3 =	sor.u32 s2, s4;
	[tilespmem:v14+s20+$0x0] =	vst.idx.add.f32.msk $0xffff, v15  }
0x2b0: {  	s5 =	sor.u32 s1, s4;
	s6 =	sor.u32 s17, s4;
	s4 =	sor.u32 s16, s4;
	v15 =	vld [tilespmem:s3+$0x0]  }
0x2b1: {  	s28 =	sadd.s32 $0x100, s28;
	v14 =	vld [tilespmem:s5+$0x0]  }
0x2b2: {  	s30 =	sand.u32 $0x7E00, s28;
	v18 =	vld [tilespmem:s6+$0x0]  }
0x2b3: {  	s3 =	sadd.s32 $0xC000, s30;
	v19 =	vld [tilespmem:s4+$0x0]  }
0x2b4: {  	s5 =	sor.u32 s17, s3;
	s6 =	sor.u32 s2, s3;
	s4 =	sor.u32 s1, s3;
	[tilespmem:v13+s20+$0x0] =	vst.idx.add.f32.msk $0xffff, v16  }
0x2b5: {  	s3 =	sor.u32 s16, s3;
	v16 =	vld [tilespmem:s6+$0x0];
	v20 =	vadd.s32 $0x1C80, v15  }
0x2b6: {  	v21 =	vld [tilespmem:s4+$0x0];
	v22 =	vadd.s32 $0x300, v14;
	v23 =	vadd.s32 $0x340, v14;
	v24 =	vadd.s32 $0x380, v14  }
0x2b7: {  	v25 =	vld [tilespmem:s5+$0x0];
	v26 =	vadd.s32 $0xB80, v18;
	v27 =	vadd.s32 $0xBC0, v18;
	v28 =	vadd.s32 $0xC00, v18  }
0x2b8: {  	v29 =	vld [tilespmem:s3+$0x0];
	v30 =	vadd.s32 $0x1400, v19;
	v31 =	vadd.s32 $0x1440, v19;
	v32 =	vadd.s32 $0x1480, v19  }
0x2b9: {  	v14 =	vadd.s32 $0x3C0, v14;
	v13 =	vadd.s32 $0xC40, v18;
	s3 =	sadd.s32 $0xC080, s30;
	[tilespmem:v12+s20+$0x0] =	vst.idx.add.f32.msk $0xffff, v17;
	v12 =	vadd.s32 $0x14C0, v19  }
0x2ba: {  	s4 =	sor.u32 s1, s3;
	s5 =	sor.u32 s17, s3;
	s6 =	sor.u32 s2, s3;
	[tilespmem:v20+s20+$0x0] =	vst.idx.add.f32.msk $0xffff, v16  }
0x2bb: {  	s3 =	sor.u32 s16, s3;
	v17 =	vadd.s32 $0x1CC0, v15;
	v16 =	vld [tilespmem:s6+$0x0]  }
0x2bc: {  	[tilespmem:v22+s20+$0x0] =	vst.idx.add.f32.msk $0xffff, v21  }
0x2bd: {  	[tilespmem:v26+s20+$0x0] =	vst.idx.add.f32.msk $0xffff, v25  }
0x2be: {  	[tilespmem:v30+s20+$0x0] =	vst.idx.add.f32.msk $0xffff, v29  }
0x2bf: {  	v18 =	vld [tilespmem:s4+$0x0];
	s4 =	sadd.s32 $0xC100, s30  }
0x2c0: {  	s6 =	sor.u32 s1, s4;
	s7 =	sor.u32 s17, s4;
	[tilespmem:v17+s20+$0x0] =	vst.idx.add.f32.msk $0xffff, v16;
	s8 =	sor.u32 s2, s4  }
0x2c1: {  	s4 =	sor.u32 s16, s4;
	v17 =	vadd.s32 $0x1D00, v15;
	v16 =	vld [tilespmem:s8+$0x0]  }
0x2c2: {  	v19 =	vld [tilespmem:s5+$0x0]  }
0x2c3: {  	v20 =	vld [tilespmem:s3+$0x0]  }
0x2c4: {  	[tilespmem:v23+s20+$0x0] =	vst.idx.add.f32.msk $0xffff, v18  }
0x2c5: {  	s3 =	sadd.s32 $0xC180, s30;
	v18 =	vld [tilespmem:s6+$0x0]  }
0x2c6: {  	s1 =	sor.u32 s1, s3;
	s17 =	sor.u32 s17, s3;
	s2 =	sor.u32 s2, s3;
	[tilespmem:v17+s20+$0x0] =	vst.idx.add.f32.msk $0xffff, v16  }
0x2c7: {  	v15 =	vadd.s32 $0x1D40, v15;
	s3 =	sor.u32 s16, s3;
	v16 =	vld [tilespmem:s2+$0x0]  }
0x2c8: {  	[tilespmem:v27+s20+$0x0] =	vst.idx.add.f32.msk $0xffff, v19  }
0x2c9: {  	[tilespmem:v31+s20+$0x0] =	vst.idx.add.f32.msk $0xffff, v20  }
0x2ca: {  	v17 =	vld [tilespmem:s7+$0x0]  }
0x2cb: {  	v19 =	vld [tilespmem:s4+$0x0]  }
.Ltmp10:
0x2cc: {  	[tilespmem:v15+s20+$0x0] =	vst.idx.add.f32.msk $0xffff, v16;
	(pc) =	sbr.rel @p0 .LBB2_22-.Ltmp10, $4  }
0x2cd: {  	[tilespmem:v24+s20+$0x0] =	vst.idx.add.f32.msk $0xffff, v18  }
0x2ce: {  	v15 =	vld [tilespmem:s1+$0x0]  }
0x2cf: {  	[tilespmem:v28+s20+$0x0] =	vst.idx.add.f32.msk $0xffff, v17  }
0x2d0: {  	s0 =	sadd.s32 $0x40, s0;
	[tilespmem:v32+s20+$0x0] =	vst.idx.add.f32.msk $0xffff, v19  }
0x2d1: {  	v16 =	vld [tilespmem:s17+$0x0]  }
0x2d2: {  	v17 =	vld [tilespmem:s3+$0x0];
	_ =	sdelay $0x2  }
0x2d3: {  	s26 =	sadd.s32 $0x1, s26;
	[tilespmem:v14+s20+$0x0] =	vst.idx.add.f32.msk $0xffff, v15  }
0x2d4: {  	p0 =	sne.s32 s26, s14;
	[tilespmem:v13+s20+$0x0] =	vst.idx.add.f32.msk $0xffff, v16  }
.Ltmp11:
0x2d5: {  	[tilespmem:v12+s20+$0x0] =	vst.idx.add.f32.msk $0xffff, v17;
	(pc) =	sbr.rel @p0 .LBB2_1-.Ltmp11, $4  }
0x2d6: {  	[hbm4b:s13+s15] =	stream.strided.scatter [tilespmem:s20], [sflag:$0x3], $0x2200, s22, s15, $0x38;
	[tilespmem:$0x16200] =	vst v63  }
0x2d7: {  	_ =	swait.ge [sflag:s25], $0x2200  }
0x2d8: {  	[sflag:s25] =	ssyncset.done $0x0  }
0x2d9: {  	[sflag:s25] =	ssyncadd.s32 $0xFFFFDE00  }
0x2da: {  	_ =	sfence.sel $0x180000  }
0x2db: {  	[bflag:$0x0] =	sbarrier.arrive $0xFFFF  }
0x2dc: {  	_ =	strace $0x90000047  }
0x2dd: {  	s0 =	stileid.u32;
	[bflag:$0x2] =	sbarrier.arrive $0xFFFF  }
0x2de: {  	p0 =	sne.s32 s0, $0x0;
	s0 =	rddreg [dreg:$0x1]  }
0x2df: {  	s0 =	sadd.s32 @!p0 $0x100000, s0  }
0x2e0: {  	[sflag:s0] =	ssyncadd.tile.s32 @!p0 $0x1;
	_ =	shalt  }
.Lfunc_end2:
_tile_overlayer_lowered:
.L_overlay_start_2:
0x2e1: {  	(tag) =	ssettag $0x2  }
0x2e2: {  	s0 =	rddreg [dreg:$0x0];
	s2 =	stileid.u32  }
0x2e3: {  	s1 =	rddreg [dreg:$0x1];
	p0 =	sne.s32 s2, $0x0  }
0x2e4: {  	s3 =	rddreg [dreg:$0x2];
	[bflag:$0x3] =	sbarrier.arrive $0xFFFF;
	s2 =	simm.s32 @!p0 $0x1C03  }
0x2e5: {  	[timem:s3], [sflag:s2] =	dma.local @!p0 [hbm:s0], s1  }
0x2e6: {  	s0 =	simm.s32 @!p0 $0x3  }
0x2e7: {  	_ =	swait.ge @!p0 [sflag:s0], s1  }
0x2e8: {  	s1 =	ssub.s32 @!p0 $0x0, s1;
	[sflag:s0] =	ssyncset.done @!p0 $0x0  }
0x2e9: {  	[sflag:s0] =	ssyncadd.s32 @!p0 s1  }
0x2ea: {  	[bflag:$0x3] =	sbarrier.arrive $0xFFFF  }
0x2eb: {  	_ =	shalt  }

</sc_bundles>
